<compile_context>
chip_gen: v7x
topology: tpu7x:2x2x1
jax: 0.10.2.dev20260603
libtpu: 0.0.44.dev20260713+nightly
codegen_flags: <defaults>
</compile_context>

<pallas_src>
import functools
import jax
import jax.numpy as jnp
from jax import lax
from jax.experimental import pallas as pl
from jax.experimental.pallas import tpu as pltpu
from jax.experimental.pallas import tpu_sc as plsc

N = 10000
E = 320000
H = 128
L = 3
B = 64

NC = 2
NS = 16
NW = NC * NS
CHUNK = 128
ROWS_PER_TILE = 79
E_PAD = NW * ROWS_PER_TILE * CHUNK
ACC_ROWS = 10240
ROWS_PER_SLICE = ACC_ROWS // NS
WB = 128
WB_CHUNKS = ROWS_PER_SLICE // WB


def _seg_sum_sc_body(v_hbm, src_hbm, dst_hbm, zeros_hbm, out_hbm,
                     sidx, didx, rows, acc, gsem):
    ci = lax.axis_index("c")
    si = lax.axis_index("s")
    wid = si * NC + ci

    pltpu.sync_copy(zeros_hbm, rows)

    def zbody(k, carry):
        pltpu.sync_copy(rows.at[pl.ds(0, WB)],
                        acc.at[pl.ds(si * ROWS_PER_SLICE + k * WB, WB), :])
        return carry
    lax.fori_loop(0, WB_CHUNKS, zbody, 0)
    plsc.subcore_barrier()

    pltpu.sync_copy(src_hbm.at[wid], sidx)
    pltpu.sync_copy(dst_hbm.at[wid], didx)

    def ebody(j, carry):
        pltpu.async_copy(v_hbm.at[sidx.at[j]], rows, gsem).wait()
        pltpu.sync_copy(rows, acc.at[didx.at[j]], add=True)
        return carry
    lax.fori_loop(0, ROWS_PER_TILE, ebody, 0)
    plsc.subcore_barrier()

    def wbody(k, carry):
        r0 = si * ROWS_PER_SLICE + k * WB
        pltpu.sync_copy(acc.at[pl.ds(r0, WB), :], rows.at[pl.ds(0, WB)])
        pltpu.sync_copy(rows.at[pl.ds(0, WB)], out_hbm.at[ci, pl.ds(r0, WB), :])
        return carry
    lax.fori_loop(0, WB_CHUNKS, wbody, 0)


@functools.lru_cache(maxsize=None)
def _make_seg_sum_sc():
    return pl.kernel(
        _seg_sum_sc_body,
        mesh=plsc.VectorSubcoreMesh(core_axis_name="c", subcore_axis_name="s",
                                    num_cores=NC, num_subcores=NS),
        out_type=jax.ShapeDtypeStruct((NC, ACC_ROWS, H), jnp.float32),
        scratch_types=(
            [pltpu.VMEM((ROWS_PER_TILE, CHUNK), jnp.int32)] * 2
            + [pltpu.VMEM((CHUNK, H), jnp.float32)]
            + [pltpu.VMEM_SHARED((ACC_ROWS, H), jnp.float32)]
            + [pltpu.SemaphoreType.DMA]
        ),
    )


def _seg_sum_sc(v, src_p, dst_p, zeros):
    return _make_seg_sum_sc()(v, src_p, dst_p, zeros)


BLK = 1000
GRID = N // BLK


def _lin0_body(x_ref, w_ref, b_ref, o_ref):
    o_ref[...] = jnp.dot(x_ref[...], w_ref[...],
                         preferred_element_type=jnp.float32) + b_ref[...]


def _lin0(x, W0, b0):
    return pl.pallas_call(
        _lin0_body,
        grid=(GRID,),
        in_specs=[
            pl.BlockSpec((BLK, H), lambda i: (i, 0)),
            pl.BlockSpec((H, H), lambda i: (0, 0)),
            pl.BlockSpec((1, H), lambda i: (0, 0)),
        ],
        out_specs=pl.BlockSpec((BLK, H), lambda i: (i, 0)),
        out_shape=jax.ShapeDtypeStruct((N, H), jnp.float32),
    )(x, W0, b0)


def _mask_body(p_ref, xm_ref, h_ref, w1a_ref, w1b_ref, b1_ref, w2t_ref, b2_ref,
               xs_ref, mb_ref):
    aggr = p_ref[0] + p_ref[1]
    hm = jnp.maximum(
        jnp.dot(aggr, w1a_ref[...], preferred_element_type=jnp.float32)
        + jnp.dot(xm_ref[...], w1b_ref[...], preferred_element_type=jnp.float32)
        + b1_ref[...], 0.0)
    logit = jnp.dot(hm, w2t_ref[...],
                    preferred_element_type=jnp.float32) + b2_ref[...]
    m = 1.0 / (1.0 + jnp.exp(-logit))
    xs_ref[...] = h_ref[...] * m
    mb_ref[...] = jnp.broadcast_to(m, mb_ref.shape)


def _mask_mlp(partials, xm, h, Wm1a, Wm1b, bm1, Wm2t, bm2):
    return pl.pallas_call(
        _mask_body,
        grid=(GRID,),
        in_specs=[
            pl.BlockSpec((NC, BLK, H), lambda i: (0, i, 0)),
            pl.BlockSpec((BLK, H), lambda i: (i, 0)),
            pl.BlockSpec((BLK, H), lambda i: (i, 0)),
            pl.BlockSpec((H, H), lambda i: (0, 0)),
            pl.BlockSpec((H, H), lambda i: (0, 0)),
            pl.BlockSpec((1, H), lambda i: (0, 0)),
            pl.BlockSpec((H, 1), lambda i: (0, 0)),
            pl.BlockSpec((1, 1), lambda i: (0, 0)),
        ],
        out_specs=[
            pl.BlockSpec((BLK, H), lambda i: (i, 0)),
            pl.BlockSpec((BLK, H), lambda i: (i, 0)),
        ],
        out_shape=[
            jax.ShapeDtypeStruct((N, H), jnp.float32),
            jax.ShapeDtypeStruct((N, H), jnp.float32),
        ],
    )(partials, xm, h, Wm1a, Wm1b, bm1, Wm2t, bm2)


def _conv_body(p_ref, xs_ref, mb_ref, pt_ref, wr_ref, ws_ref, brs_ref,
               w1_ref, b1_ref, w2_ref, b2_ref,
               h_ref, xm_ref, z_ref, pooled):
    i = pl.program_id(0)
    aggr = p_ref[0] + p_ref[1]
    hn = jnp.maximum(
        jnp.dot(aggr, wr_ref[...], preferred_element_type=jnp.float32)
        + jnp.dot(xs_ref[...], ws_ref[...], preferred_element_type=jnp.float32)
        + brs_ref[...], 0.0)
    h_ref[...] = hn
    xm_ref[...] = hn * mb_ref[...]
    pp = jnp.dot(pt_ref[0], hn, preferred_element_type=jnp.float32)

    @pl.when(i == 0)
    def _():
        pooled[...] = pp

    @pl.when(i > 0)
    def _():
        pooled[...] += pp

    @pl.when(i == GRID - 1)
    def _():
        z1 = jnp.maximum(
            jnp.dot(pooled[...], w1_ref[...],
                    preferred_element_type=jnp.float32) + b1_ref[...], 0.0)
        z_ref[...] = jnp.maximum(
            jnp.dot(z1, w2_ref[...],
                    preferred_element_type=jnp.float32) + b2_ref[...], 0.0)


def _conv_readout(partials, xs, mb, Pt, Wr, Ws, brs, W1, b1, W2, b2):
    return pl.pallas_call(
        _conv_body,
        grid=(GRID,),
        in_specs=[
            pl.BlockSpec((NC, BLK, H), lambda i: (0, i, 0)),
            pl.BlockSpec((BLK, H), lambda i: (i, 0)),
            pl.BlockSpec((BLK, H), lambda i: (i, 0)),
            pl.BlockSpec((1, B, BLK), lambda i: (i, 0, 0)),
            pl.BlockSpec((H, H), lambda i: (0, 0)),
            pl.BlockSpec((H, H), lambda i: (0, 0)),
            pl.BlockSpec((1, H), lambda i: (0, 0)),
            pl.BlockSpec((H, 2 * H), lambda i: (0, 0)),
            pl.BlockSpec((1, 2 * H), lambda i: (0, 0)),
            pl.BlockSpec((2 * H, H), lambda i: (0, 0)),
            pl.BlockSpec((1, H), lambda i: (0, 0)),
        ],
        out_specs=[
            pl.BlockSpec((BLK, H), lambda i: (i, 0)),
            pl.BlockSpec((BLK, H), lambda i: (i, 0)),
            pl.BlockSpec((B, H), lambda i: (0, 0)),
        ],
        out_shape=[
            jax.ShapeDtypeStruct((N, H), jnp.float32),
            jax.ShapeDtypeStruct((N, H), jnp.float32),
            jax.ShapeDtypeStruct((B, H), jnp.float32),
        ],
        scratch_shapes=[pltpu.VMEM((B, H), jnp.float32)],
    )(partials, xs, mb, Pt, Wr, Ws, brs, W1, b1, W2, b2)


def kernel(x, edge_index, batch, W0, b0, Wr, br, Ws, bs, Wm1, bm1, Wm2, bm2,
           W1, b1, W2, b2):
    src = edge_index[0]
    dst = edge_index[1]
    pad = E_PAD - E
    src_p = jnp.concatenate([src, jnp.zeros((pad,), jnp.int32)]
                            ).reshape(NW, ROWS_PER_TILE, CHUNK)
    pad_dst = N + jnp.arange(pad, dtype=jnp.int32) % (ACC_ROWS - N)
    dst_p = jnp.concatenate([dst, pad_dst]).reshape(NW, ROWS_PER_TILE, CHUNK)
    zeros = jnp.zeros((CHUNK, H), jnp.float32)
    Pt = (batch[None, :] == jnp.arange(B, dtype=jnp.int32)[:, None]
          ).astype(jnp.float32).reshape(B, GRID, BLK).transpose(1, 0, 2)
    b0r = b0.reshape(1, H)
    b1r = b1.reshape(1, 2 * H)
    b2r = b2.reshape(1, H)

    h = _lin0(x, W0, b0r)
    xm = h
    outs = []
    for i in range(L):
        a_m = _seg_sum_sc(xm, src_p, dst_p, zeros)
        xs, mb = _mask_mlp(a_m, xm, h,
                           Wm1[i, :H], Wm1[i, H:], bm1[i].reshape(1, H),
                           Wm2[i], bm2[i].reshape(1, 1))
        a_c = _seg_sum_sc(xs, src_p, dst_p, zeros)
        h, xm, z = _conv_readout(a_c, xs, mb, Pt, Wr[i], Ws[i],
                                 (br[i] + bs[i]).reshape(1, H),
                                 W1, b1r, W2, b2r)
        outs.append(z)
    return jnp.stack(outs, axis=0)

# --- scband reference (transcript-rebuilt; emitter-appended) ---
"""Pipeline reference for scband-masmg-39410619908756 (READ-ONLY COPY).

The authoritative reference and input builder live on the scoring server;
editing this copy changes nothing except your own understanding.
"""

import jax, jax.numpy as jnp
import numpy as np

N = 10000
E = 320000
IN = 128
H = 128
L = 3
B = 64


def setup_inputs(seed: int = 0) -> dict:
    key = jax.random.key(seed)
    ks = jax.random.split(key, 24)
    x = jax.random.normal(ks[0], (N, IN), dtype=jnp.float32)
    edge_index = jax.random.randint(ks[1], (2, E), 0, N, dtype=jnp.int32)
    batch = jnp.sort(jax.random.randint(ks[2], (N,), 0, B, dtype=jnp.int32))

    def glorot(k, shape):
        fan_in = shape[-2] if len(shape) >= 2 else shape[-1]
        return jax.random.normal(k, shape, dtype=jnp.float32) * (1.0 / np.sqrt(fan_in))

    inp = {
        "x": x,
        "edge_index": edge_index,
        "batch": batch,
        # lin0: in_features -> hidden
        "W0": glorot(ks[3], (IN, H)), "b0": jnp.zeros((H,), jnp.float32),
        # SparseConv per layer: lin_rel (aggregated neighbors) + lin_root (self)
        "Wr": glorot(ks[4], (L, H, H)), "br": jnp.zeros((L, H), jnp.float32),
        "Ws": glorot(ks[5], (L, H, H)), "bs": jnp.zeros((L, H), jnp.float32),
        # WeightConv1 per layer: MLP on [aggr || x] -> hidden -> 1 (sigmoid mask)
        "Wm1": glorot(ks[6], (L, 2 * H, H)), "bm1": jnp.zeros((L, H), jnp.float32),
        "Wm2": glorot(ks[7], (L, H, 1)), "bm2": jnp.zeros((L, 1), jnp.float32),
        # lin1: hidden -> 2*hidden ; lin2: 2*hidden -> hidden
        "W1": glorot(ks[8], (H, 2 * H)), "b1": jnp.zeros((2 * H,), jnp.float32),
        "W2": glorot(ks[9], (2 * H, H)), "b2": jnp.zeros((H,), jnp.float32),
    }
    return inp


def reference(x, edge_index, batch, W0, b0, Wr, br, Ws, bs, Wm1, bm1, Wm2, bm2, W1, b1, W2, b2):
    src = edge_index[0]
    dst = edge_index[1]
    n = x.shape[0]
    h = x @ W0 + b0  # lin0
    mask_val = None
    outs = []
    for i in range(L):
        # WeightConv1: propagate (add) then MLP on [aggr, x] with sigmoid -> node mask
        xm = h if mask_val is None else h * mask_val
        aggr_m = jax.ops.segment_sum(jnp.take(xm, src, axis=0), dst, num_segments=n)
        hm = jax.nn.relu(jnp.concatenate([aggr_m, xm], axis=1) @ Wm1[i] + bm1[i])
        mask_val = jax.nn.sigmoid(hm @ Wm2[i] + bm2[i])  # [N, 1]
        # SparseConv with soft mask applied to node features
        xs_ = h * mask_val
        aggr_c = jax.ops.segment_sum(jnp.take(xs_, src, axis=0), dst, num_segments=n)
        h = jax.nn.relu(aggr_c @ Wr[i] + br[i] + xs_ @ Ws[i] + bs[i])
        # readout: global_add_pool -> lin1 -> relu -> (dropout eval no-op) -> lin2 -> relu
        pooled = jax.ops.segment_sum(h, batch, num_segments=B)
        z = jax.nn.relu(pooled @ W1 + b1)
        z = jax.nn.relu(z @ W2 + b2)
        outs.append(z)
    return jnp.stack(outs, axis=0)  # [L, B, H], the per-layer readouts (xs list)

if __name__ == "__main__":
    import jax
    _d = setup_inputs()
    print(jax.jit(kernel)(*tuple(_d.values())))

</pallas_src>

<mosaic_0001>
#map = affine_map<(d0, d1) -> (0, 0)>
#map1 = affine_map<(d0, d1) -> (0, 0, 0)>
module attributes {stable_mosaic.version = 14 : i64} {
  func.func @_seg_sum_sc_body(%arg0: i32, %arg1: i32, %arg2: memref<10000x128xf32, #tpu.memory_space<hbm>>, %arg3: memref<32x79x128xi32, #tpu.memory_space<hbm>>, %arg4: memref<32x79x128xi32, #tpu.memory_space<hbm>>, %arg5: memref<128x128xf32, #tpu.memory_space<hbm>>, %arg6: memref<2x10240x128xf32, #tpu.memory_space<hbm>>, %arg7: memref<79x128xi32, #tpu.memory_space<vmem>>, %arg8: memref<79x128xi32, #tpu.memory_space<vmem>>, %arg9: memref<128x128xf32, #tpu.memory_space<vmem>>, %arg10: memref<10240x128xf32, #tpu.memory_space<vmem_shared>>, %arg11: memref<!tpu.dma_semaphore, #tpu.memory_space<semaphore_mem>>) attributes {dimension_semantics = [#tpu.dimension_semantics<core_parallel>, #tpu.dimension_semantics<subcore_parallel>], iteration_bounds = array<i64: 2, 16>, scalar_prefetch = 0 : i64, scratch_operands = 5 : i64, tpu.core_type = #tpu.core_type<sc_vector_subcore>, window_params = [{transform_indices = #map}, {transform_indices = #map1}, {transform_indices = #map1}, {transform_indices = #map}, {transform_indices = #map1}]} {
    %mul3A = arith.constant 2 : i32
    %mul3A_0 = arith.muli %arg1, %mul3A : i32
    %add3A = arith.addi %mul3A_0, %arg0 : i32
    "tpu.region"() ({
      %run_scoped3A = tpu.sem_alloc : memref<!tpu.dma_semaphore, #tpu.memory_space<semaphore_mem>>
      tpu.enqueue_dma source(%arg5 : memref<128x128xf32, #tpu.memory_space<hbm>>) target(%arg9 : memref<128x128xf32, #tpu.memory_space<vmem>>) target_semaphore(%run_scoped3A : memref<!tpu.dma_semaphore, #tpu.memory_space<semaphore_mem>>)
      tpu.wait_dma2 semaphore(%run_scoped3A : memref<!tpu.dma_semaphore, #tpu.memory_space<semaphore_mem>>) src(%arg5 : memref<128x128xf32, #tpu.memory_space<hbm>>) dst(%arg9 : memref<128x128xf32, #tpu.memory_space<vmem>>)
      tpu.yield
    }) : () -> ()
    %scan3A = arith.constant 0 : i32
    %scan3A_1 = arith.constant 0 : i32
    %scan3A_2 = arith.constant 5 : i32
    %scan3A_3 = arith.addi %scan3A_1, %scan3A_2 : i32
    %scan3A_4 = arith.constant 1 : i32
    scf.for %scan3A_19 = %scan3A_1 to %scan3A_3 step %scan3A_4  : i32 {
      %mul3A_20 = arith.constant 640 : i32
      %mul3A_21 = arith.muli %arg1, %mul3A_20 : i32
      %mul3A_22 = arith.constant 128 : i32
      %mul3A_23 = arith.muli %scan3A_19, %mul3A_22 : i32
      %add3A_24 = arith.addi %mul3A_21, %mul3A_23 : i32
      "tpu.region"() ({
        %run_scoped3A = tpu.sem_alloc : memref<!tpu.dma_semaphore, #tpu.memory_space<semaphore_mem>>
        %dma_start3A = arith.constant 0 : i32
        %dma_start3A_25 = arith.constant 0 : i32
        %dma_start3A_26 = tpu.memref_slice %arg9[%dma_start3A, %dma_start3A_25] : memref<128x128xf32, #tpu.memory_space<vmem>> -> memref<128x128xf32, #tpu.memory_space<vmem>>
        %dma_start3A_27 = arith.constant 0 : i32
        %dma_start3A_28 = tpu.memref_slice %arg10[%add3A_24, %dma_start3A_27] : memref<10240x128xf32, #tpu.memory_space<vmem_shared>> -> memref<128x128xf32, #tpu.memory_space<vmem_shared>>
        %dma_start3A_29 = arith.constant 0 : i32
        %dma_start3A_30 = tpu.memref_slice %arg10[%add3A_24, %dma_start3A_29] : memref<10240x128xf32, #tpu.memory_space<vmem_shared>> -> memref<128x128xf32, #tpu.memory_space<vmem_shared>>
        %dma_start3A_31 = arith.constant 0 : i32
        %dma_start3A_32 = arith.constant 0 : i32
        %dma_start3A_33 = tpu.memref_slice %arg9[%dma_start3A_31, %dma_start3A_32] : memref<128x128xf32, #tpu.memory_space<vmem>> -> memref<128x128xf32, #tpu.memory_space<vmem>>
        tpu.enqueue_dma source(%dma_start3A_33 : memref<128x128xf32, #tpu.memory_space<vmem>>) target(%dma_start3A_30 : memref<128x128xf32, #tpu.memory_space<vmem_shared>>) target_semaphore(%run_scoped3A : memref<!tpu.dma_semaphore, #tpu.memory_space<semaphore_mem>>)
        %dma_wait3A = arith.constant 0 : i32
        %dma_wait3A_34 = arith.constant 0 : i32
        %dma_wait3A_35 = tpu.memref_slice %arg9[%dma_wait3A, %dma_wait3A_34] : memref<128x128xf32, #tpu.memory_space<vmem>> -> memref<128x128xf32, #tpu.memory_space<vmem>>
        %dma_wait3A_36 = arith.constant 0 : i32
        %dma_wait3A_37 = tpu.memref_slice %arg10[%add3A_24, %dma_wait3A_36] : memref<10240x128xf32, #tpu.memory_space<vmem_shared>> -> memref<128x128xf32, #tpu.memory_space<vmem_shared>>
        %dma_wait3A_38 = arith.constant 0 : i32
        %dma_wait3A_39 = tpu.memref_slice %arg10[%add3A_24, %dma_wait3A_38] : memref<10240x128xf32, #tpu.memory_space<vmem_shared>> -> memref<128x128xf32, #tpu.memory_space<vmem_shared>>
        %dma_wait3A_40 = arith.constant 0 : i32
        %dma_wait3A_41 = arith.constant 0 : i32
        %dma_wait3A_42 = tpu.memref_slice %arg9[%dma_wait3A_40, %dma_wait3A_41] : memref<128x128xf32, #tpu.memory_space<vmem>> -> memref<128x128xf32, #tpu.memory_space<vmem>>
        tpu.wait_dma2 semaphore(%run_scoped3A : memref<!tpu.dma_semaphore, #tpu.memory_space<semaphore_mem>>) src(%dma_wait3A_42 : memref<128x128xf32, #tpu.memory_space<vmem>>) dst(%dma_wait3A_39 : memref<128x128xf32, #tpu.memory_space<vmem_shared>>)
        tpu.yield
      }) : () -> ()
    }
    %scan3A_5 = arith.constant 5 : i32
    %barrier3A = arith.constant 0 : index
    tpu.barrier barrier_id(%barrier3A)
    "tpu.region"() ({
      %run_scoped3A = tpu.sem_alloc : memref<!tpu.dma_semaphore, #tpu.memory_space<semaphore_mem>>
      %dma_start3A = arith.constant 0 : i32
      %dma_start3A_19 = arith.constant 0 : i32
      %dma_start3A_20 = tpu.memref_slice %arg3[%add3A, %dma_start3A, %dma_start3A_19] : memref<32x79x128xi32, #tpu.memory_space<hbm>> -> memref<1x79x128xi32, #tpu.memory_space<hbm>>
      %dma_start3A_21 = tpu.memref_squeeze %dma_start3A_20 : memref<1x79x128xi32, #tpu.memory_space<hbm>> -> memref<79x128xi32, #tpu.memory_space<hbm>>
      %dma_start3A_22 = arith.constant 0 : i32
      %dma_start3A_23 = arith.constant 0 : i32
      %dma_start3A_24 = tpu.memref_slice %arg3[%add3A, %dma_start3A_22, %dma_start3A_23] : memref<32x79x128xi32, #tpu.memory_space<hbm>> -> memref<1x79x128xi32, #tpu.memory_space<hbm>>
      %dma_start3A_25 = tpu.memref_squeeze %dma_start3A_24 : memref<1x79x128xi32, #tpu.memory_space<hbm>> -> memref<79x128xi32, #tpu.memory_space<hbm>>
      tpu.enqueue_dma source(%dma_start3A_25 : memref<79x128xi32, #tpu.memory_space<hbm>>) target(%arg7 : memref<79x128xi32, #tpu.memory_space<vmem>>) target_semaphore(%run_scoped3A : memref<!tpu.dma_semaphore, #tpu.memory_space<semaphore_mem>>)
      %dma_wait3A = arith.constant 0 : i32
      %dma_wait3A_26 = arith.constant 0 : i32
      %dma_wait3A_27 = tpu.memref_slice %arg3[%add3A, %dma_wait3A, %dma_wait3A_26] : memref<32x79x128xi32, #tpu.memory_space<hbm>> -> memref<1x79x128xi32, #tpu.memory_space<hbm>>
      %dma_wait3A_28 = tpu.memref_squeeze %dma_wait3A_27 : memref<1x79x128xi32, #tpu.memory_space<hbm>> -> memref<79x128xi32, #tpu.memory_space<hbm>>
      %dma_wait3A_29 = arith.constant 0 : i32
      %dma_wait3A_30 = arith.constant 0 : i32
      %dma_wait3A_31 = tpu.memref_slice %arg3[%add3A, %dma_wait3A_29, %dma_wait3A_30] : memref<32x79x128xi32, #tpu.memory_space<hbm>> -> memref<1x79x128xi32, #tpu.memory_space<hbm>>
      %dma_wait3A_32 = tpu.memref_squeeze %dma_wait3A_31 : memref<1x79x128xi32, #tpu.memory_space<hbm>> -> memref<79x128xi32, #tpu.memory_space<hbm>>
      tpu.wait_dma2 semaphore(%run_scoped3A : memref<!tpu.dma_semaphore, #tpu.memory_space<semaphore_mem>>) src(%dma_wait3A_32 : memref<79x128xi32, #tpu.memory_space<hbm>>) dst(%arg7 : memref<79x128xi32, #tpu.memory_space<vmem>>)
      tpu.yield
    }) : () -> ()
    "tpu.region"() ({
      %run_scoped3A = tpu.sem_alloc : memref<!tpu.dma_semaphore, #tpu.memory_space<semaphore_mem>>
      %dma_start3A = arith.constant 0 : i32
      %dma_start3A_19 = arith.constant 0 : i32
      %dma_start3A_20 = tpu.memref_slice %arg4[%add3A, %dma_start3A, %dma_start3A_19] : memref<32x79x128xi32, #tpu.memory_space<hbm>> -> memref<1x79x128xi32, #tpu.memory_space<hbm>>
      %dma_start3A_21 = tpu.memref_squeeze %dma_start3A_20 : memref<1x79x128xi32, #tpu.memory_space<hbm>> -> memref<79x128xi32, #tpu.memory_space<hbm>>
      %dma_start3A_22 = arith.constant 0 : i32
      %dma_start3A_23 = arith.constant 0 : i32
      %dma_start3A_24 = tpu.memref_slice %arg4[%add3A, %dma_start3A_22, %dma_start3A_23] : memref<32x79x128xi32, #tpu.memory_space<hbm>> -> memref<1x79x128xi32, #tpu.memory_space<hbm>>
      %dma_start3A_25 = tpu.memref_squeeze %dma_start3A_24 : memref<1x79x128xi32, #tpu.memory_space<hbm>> -> memref<79x128xi32, #tpu.memory_space<hbm>>
      tpu.enqueue_dma source(%dma_start3A_25 : memref<79x128xi32, #tpu.memory_space<hbm>>) target(%arg8 : memref<79x128xi32, #tpu.memory_space<vmem>>) target_semaphore(%run_scoped3A : memref<!tpu.dma_semaphore, #tpu.memory_space<semaphore_mem>>)
      %dma_wait3A = arith.constant 0 : i32
      %dma_wait3A_26 = arith.constant 0 : i32
      %dma_wait3A_27 = tpu.memref_slice %arg4[%add3A, %dma_wait3A, %dma_wait3A_26] : memref<32x79x128xi32, #tpu.memory_space<hbm>> -> memref<1x79x128xi32, #tpu.memory_space<hbm>>
      %dma_wait3A_28 = tpu.memref_squeeze %dma_wait3A_27 : memref<1x79x128xi32, #tpu.memory_space<hbm>> -> memref<79x128xi32, #tpu.memory_space<hbm>>
      %dma_wait3A_29 = arith.constant 0 : i32
      %dma_wait3A_30 = arith.constant 0 : i32
      %dma_wait3A_31 = tpu.memref_slice %arg4[%add3A, %dma_wait3A_29, %dma_wait3A_30] : memref<32x79x128xi32, #tpu.memory_space<hbm>> -> memref<1x79x128xi32, #tpu.memory_space<hbm>>
      %dma_wait3A_32 = tpu.memref_squeeze %dma_wait3A_31 : memref<1x79x128xi32, #tpu.memory_space<hbm>> -> memref<79x128xi32, #tpu.memory_space<hbm>>
      tpu.wait_dma2 semaphore(%run_scoped3A : memref<!tpu.dma_semaphore, #tpu.memory_space<semaphore_mem>>) src(%dma_wait3A_32 : memref<79x128xi32, #tpu.memory_space<hbm>>) dst(%arg8 : memref<79x128xi32, #tpu.memory_space<vmem>>)
      tpu.yield
    }) : () -> ()
    %scan3A_6 = arith.constant 0 : i32
    %scan3A_7 = arith.constant 0 : i32
    %scan3A_8 = arith.constant 79 : i32
    %scan3A_9 = arith.addi %scan3A_7, %scan3A_8 : i32
    %scan3A_10 = arith.constant 1 : i32
    scf.for %scan3A_19 = %scan3A_7 to %scan3A_9 step %scan3A_10  : i32 {
      %dma_start3A = arith.constant 0 : i32
      %dma_start3A_20 = tpu.memref_slice %arg7[%scan3A_19, %dma_start3A] : memref<79x128xi32, #tpu.memory_space<vmem>> -> memref<1x128xi32, #tpu.memory_space<vmem>>
      %dma_start3A_21 = tpu.memref_squeeze %dma_start3A_20 : memref<1x128xi32, #tpu.memory_space<vmem>> -> memref<128xi32, #tpu.memory_space<vmem>>
      %dma_start3A_22 = arith.constant 0 : i32
      %dma_start3A_23 = arith.constant 0 : i32
      %dma_start3A_24 = tpu.memref_slice %arg2[%dma_start3A_22, %dma_start3A_23] : memref<10000x128xf32, #tpu.memory_space<hbm>> -> memref<10000x128xf32, #tpu.memory_space<hbm>>
      tpu.enqueue_indirect_dma source(%dma_start3A_24 : memref<10000x128xf32, #tpu.memory_space<hbm>>) target(%arg9 : memref<128x128xf32, #tpu.memory_space<vmem>>) offsets(%dma_start3A_21 : memref<128xi32, #tpu.memory_space<vmem>>) semaphore(%arg11 : memref<!tpu.dma_semaphore, #tpu.memory_space<semaphore_mem>>)
      %dma_wait3A = arith.constant 0 : i32
      %dma_wait3A_25 = tpu.memref_slice %arg7[%scan3A_19, %dma_wait3A] : memref<79x128xi32, #tpu.memory_space<vmem>> -> memref<1x128xi32, #tpu.memory_space<vmem>>
      %dma_wait3A_26 = tpu.memref_squeeze %dma_wait3A_25 : memref<1x128xi32, #tpu.memory_space<vmem>> -> memref<128xi32, #tpu.memory_space<vmem>>
      %dma_wait3A_27 = arith.constant 0 : i32
      %dma_wait3A_28 = arith.constant 0 : i32
      %dma_wait3A_29 = tpu.memref_slice %arg2[%dma_wait3A_27, %dma_wait3A_28] : memref<10000x128xf32, #tpu.memory_space<hbm>> -> memref<10000x128xf32, #tpu.memory_space<hbm>>
      tpu.wait_indirect_dma semaphore(%arg11 : memref<!tpu.dma_semaphore, #tpu.memory_space<semaphore_mem>>) src(%dma_wait3A_29 : memref<10000x128xf32, #tpu.memory_space<hbm>>) dst(%arg9 : memref<128x128xf32, #tpu.memory_space<vmem>>)
      "tpu.region"() ({
        %run_scoped3A = tpu.sem_alloc : memref<!tpu.dma_semaphore, #tpu.memory_space<semaphore_mem>>
        %dma_start3A_30 = arith.constant 0 : i32
        %dma_start3A_31 = tpu.memref_slice %arg8[%scan3A_19, %dma_start3A_30] : memref<79x128xi32, #tpu.memory_space<vmem>> -> memref<1x128xi32, #tpu.memory_space<vmem>>
        %dma_start3A_32 = tpu.memref_squeeze %dma_start3A_31 : memref<1x128xi32, #tpu.memory_space<vmem>> -> memref<128xi32, #tpu.memory_space<vmem>>
        %dma_start3A_33 = arith.constant 0 : i32
        %dma_start3A_34 = arith.constant 0 : i32
        %dma_start3A_35 = tpu.memref_slice %arg10[%dma_start3A_33, %dma_start3A_34] : memref<10240x128xf32, #tpu.memory_space<vmem_shared>> -> memref<10240x128xf32, #tpu.memory_space<vmem_shared>>
        tpu.enqueue_indirect_dma source(%arg9 : memref<128x128xf32, #tpu.memory_space<vmem>>) target(%dma_start3A_35 : memref<10240x128xf32, #tpu.memory_space<vmem_shared>>) offsets(%dma_start3A_32 : memref<128xi32, #tpu.memory_space<vmem>>) semaphore(%run_scoped3A : memref<!tpu.dma_semaphore, #tpu.memory_space<semaphore_mem>>) {add = true}
        %dma_wait3A_36 = arith.constant 0 : i32
        %dma_wait3A_37 = tpu.memref_slice %arg8[%scan3A_19, %dma_wait3A_36] : memref<79x128xi32, #tpu.memory_space<vmem>> -> memref<1x128xi32, #tpu.memory_space<vmem>>
        %dma_wait3A_38 = tpu.memref_squeeze %dma_wait3A_37 : memref<1x128xi32, #tpu.memory_space<vmem>> -> memref<128xi32, #tpu.memory_space<vmem>>
        %dma_wait3A_39 = arith.constant 0 : i32
        %dma_wait3A_40 = arith.constant 0 : i32
        %dma_wait3A_41 = tpu.memref_slice %arg10[%dma_wait3A_39, %dma_wait3A_40] : memref<10240x128xf32, #tpu.memory_space<vmem_shared>> -> memref<10240x128xf32, #tpu.memory_space<vmem_shared>>
        tpu.wait_indirect_dma semaphore(%run_scoped3A : memref<!tpu.dma_semaphore, #tpu.memory_space<semaphore_mem>>) src(%arg9 : memref<128x128xf32, #tpu.memory_space<vmem>>) dst(%dma_wait3A_41 : memref<10240x128xf32, #tpu.memory_space<vmem_shared>>)
        tpu.yield
      }) : () -> ()
    }
    %scan3A_11 = arith.constant 79 : i32
    %barrier3A_12 = arith.constant 0 : index
    tpu.barrier barrier_id(%barrier3A_12)
    %scan3A_13 = arith.constant 0 : i32
    %scan3A_14 = arith.constant 0 : i32
    %scan3A_15 = arith.constant 5 : i32
    %scan3A_16 = arith.addi %scan3A_14, %scan3A_15 : i32
    %scan3A_17 = arith.constant 1 : i32
    scf.for %scan3A_19 = %scan3A_14 to %scan3A_16 step %scan3A_17  : i32 {
      %mul3A_20 = arith.constant 640 : i32
      %mul3A_21 = arith.muli %arg1, %mul3A_20 : i32
      %mul3A_22 = arith.constant 128 : i32
      %mul3A_23 = arith.muli %scan3A_19, %mul3A_22 : i32
      %add3A_24 = arith.addi %mul3A_21, %mul3A_23 : i32
      "tpu.region"() ({
        %run_scoped3A = tpu.sem_alloc : memref<!tpu.dma_semaphore, #tpu.memory_space<semaphore_mem>>
        %dma_start3A = arith.constant 0 : i32
        %dma_start3A_25 = arith.constant 0 : i32
        %dma_start3A_26 = tpu.memref_slice %arg9[%dma_start3A, %dma_start3A_25] : memref<128x128xf32, #tpu.memory_space<vmem>> -> memref<128x128xf32, #tpu.memory_space<vmem>>
        %dma_start3A_27 = arith.constant 0 : i32
        %dma_start3A_28 = tpu.memref_slice %arg10[%add3A_24, %dma_start3A_27] : memref<10240x128xf32, #tpu.memory_space<vmem_shared>> -> memref<128x128xf32, #tpu.memory_space<vmem_shared>>
        %dma_start3A_29 = arith.constant 0 : i32
        %dma_start3A_30 = arith.constant 0 : i32
        %dma_start3A_31 = tpu.memref_slice %arg9[%dma_start3A_29, %dma_start3A_30] : memref<128x128xf32, #tpu.memory_space<vmem>> -> memref<128x128xf32, #tpu.memory_space<vmem>>
        %dma_start3A_32 = arith.constant 0 : i32
        %dma_start3A_33 = tpu.memref_slice %arg10[%add3A_24, %dma_start3A_32] : memref<10240x128xf32, #tpu.memory_space<vmem_shared>> -> memref<128x128xf32, #tpu.memory_space<vmem_shared>>
        tpu.enqueue_dma source(%dma_start3A_33 : memref<128x128xf32, #tpu.memory_space<vmem_shared>>) target(%dma_start3A_31 : memref<128x128xf32, #tpu.memory_space<vmem>>) target_semaphore(%run_scoped3A : memref<!tpu.dma_semaphore, #tpu.memory_space<semaphore_mem>>)
        %dma_wait3A = arith.constant 0 : i32
        %dma_wait3A_34 = arith.constant 0 : i32
        %dma_wait3A_35 = tpu.memref_slice %arg9[%dma_wait3A, %dma_wait3A_34] : memref<128x128xf32, #tpu.memory_space<vmem>> -> memref<128x128xf32, #tpu.memory_space<vmem>>
        %dma_wait3A_36 = arith.constant 0 : i32
        %dma_wait3A_37 = tpu.memref_slice %arg10[%add3A_24, %dma_wait3A_36] : memref<10240x128xf32, #tpu.memory_space<vmem_shared>> -> memref<128x128xf32, #tpu.memory_space<vmem_shared>>
        %dma_wait3A_38 = arith.constant 0 : i32
        %dma_wait3A_39 = arith.constant 0 : i32
        %dma_wait3A_40 = tpu.memref_slice %arg9[%dma_wait3A_38, %dma_wait3A_39] : memref<128x128xf32, #tpu.memory_space<vmem>> -> memref<128x128xf32, #tpu.memory_space<vmem>>
        %dma_wait3A_41 = arith.constant 0 : i32
        %dma_wait3A_42 = tpu.memref_slice %arg10[%add3A_24, %dma_wait3A_41] : memref<10240x128xf32, #tpu.memory_space<vmem_shared>> -> memref<128x128xf32, #tpu.memory_space<vmem_shared>>
        tpu.wait_dma2 semaphore(%run_scoped3A : memref<!tpu.dma_semaphore, #tpu.memory_space<semaphore_mem>>) src(%dma_wait3A_42 : memref<128x128xf32, #tpu.memory_space<vmem_shared>>) dst(%dma_wait3A_40 : memref<128x128xf32, #tpu.memory_space<vmem>>)
        tpu.yield
      }) : () -> ()
      "tpu.region"() ({
        %run_scoped3A = tpu.sem_alloc : memref<!tpu.dma_semaphore, #tpu.memory_space<semaphore_mem>>
        %dma_start3A = arith.constant 0 : i32
        %dma_start3A_25 = arith.constant 0 : i32
        %dma_start3A_26 = tpu.memref_slice %arg9[%dma_start3A, %dma_start3A_25] : memref<128x128xf32, #tpu.memory_space<vmem>> -> memref<128x128xf32, #tpu.memory_space<vmem>>
        %dma_start3A_27 = arith.constant 0 : i32
        %dma_start3A_28 = tpu.memref_slice %arg6[%arg0, %add3A_24, %dma_start3A_27] : memref<2x10240x128xf32, #tpu.memory_space<hbm>> -> memref<1x128x128xf32, #tpu.memory_space<hbm>>
        %dma_start3A_29 = tpu.memref_squeeze %dma_start3A_28 : memref<1x128x128xf32, #tpu.memory_space<hbm>> -> memref<128x128xf32, #tpu.memory_space<hbm>>
        %dma_start3A_30 = arith.constant 0 : i32
        %dma_start3A_31 = tpu.memref_slice %arg6[%arg0, %add3A_24, %dma_start3A_30] : memref<2x10240x128xf32, #tpu.memory_space<hbm>> -> memref<1x128x128xf32, #tpu.memory_space<hbm>>
        %dma_start3A_32 = tpu.memref_squeeze %dma_start3A_31 : memref<1x128x128xf32, #tpu.memory_space<hbm>> -> memref<128x128xf32, #tpu.memory_space<hbm>>
        %dma_start3A_33 = arith.constant 0 : i32
        %dma_start3A_34 = arith.constant 0 : i32
        %dma_start3A_35 = tpu.memref_slice %arg9[%dma_start3A_33, %dma_start3A_34] : memref<128x128xf32, #tpu.memory_space<vmem>> -> memref<128x128xf32, #tpu.memory_space<vmem>>
        tpu.enqueue_dma source(%dma_start3A_35 : memref<128x128xf32, #tpu.memory_space<vmem>>) target(%dma_start3A_32 : memref<128x128xf32, #tpu.memory_space<hbm>>) target_semaphore(%run_scoped3A : memref<!tpu.dma_semaphore, #tpu.memory_space<semaphore_mem>>)
        %dma_wait3A = arith.constant 0 : i32
        %dma_wait3A_36 = arith.constant 0 : i32
        %dma_wait3A_37 = tpu.memref_slice %arg9[%dma_wait3A, %dma_wait3A_36] : memref<128x128xf32, #tpu.memory_space<vmem>> -> memref<128x128xf32, #tpu.memory_space<vmem>>
        %dma_wait3A_38 = arith.constant 0 : i32
        %dma_wait3A_39 = tpu.memref_slice %arg6[%arg0, %add3A_24, %dma_wait3A_38] : memref<2x10240x128xf32, #tpu.memory_space<hbm>> -> memref<1x128x128xf32, #tpu.memory_space<hbm>>
        %dma_wait3A_40 = tpu.memref_squeeze %dma_wait3A_39 : memref<1x128x128xf32, #tpu.memory_space<hbm>> -> memref<128x128xf32, #tpu.memory_space<hbm>>
        %dma_wait3A_41 = arith.constant 0 : i32
        %dma_wait3A_42 = tpu.memref_slice %arg6[%arg0, %add3A_24, %dma_wait3A_41] : memref<2x10240x128xf32, #tpu.memory_space<hbm>> -> memref<1x128x128xf32, #tpu.memory_space<hbm>>
        %dma_wait3A_43 = tpu.memref_squeeze %dma_wait3A_42 : memref<1x128x128xf32, #tpu.memory_space<hbm>> -> memref<128x128xf32, #tpu.memory_space<hbm>>
        %dma_wait3A_44 = arith.constant 0 : i32
        %dma_wait3A_45 = arith.constant 0 : i32
        %dma_wait3A_46 = tpu.memref_slice %arg9[%dma_wait3A_44, %dma_wait3A_45] : memref<128x128xf32, #tpu.memory_space<vmem>> -> memref<128x128xf32, #tpu.memory_space<vmem>>
        tpu.wait_dma2 semaphore(%run_scoped3A : memref<!tpu.dma_semaphore, #tpu.memory_space<semaphore_mem>>) src(%dma_wait3A_46 : memref<128x128xf32, #tpu.memory_space<vmem>>) dst(%dma_wait3A_43 : memref<128x128xf32, #tpu.memory_space<hbm>>)
        tpu.yield
      }) : () -> ()
    }
    %scan3A_18 = arith.constant 5 : i32
    return
  }
}

#map = affine_map<(d0, d1) -> (0, 0)>
#map1 = affine_map<(d0, d1) -> (0, 0, 0)>
module attributes {stable_mosaic.version = 14 : i64} {
  func.func @_seg_sum_sc_body(%arg0: i32, %arg1: i32, %arg2: memref<10000x128xf32, #tpu.memory_space<hbm>>, %arg3: memref<32x79x128xi32, #tpu.memory_space<hbm>>, %arg4: memref<32x79x128xi32, #tpu.memory_space<hbm>>, %arg5: memref<128x128xf32, #tpu.memory_space<hbm>>, %arg6: memref<2x10240x128xf32, #tpu.memory_space<hbm>>, %arg7: memref<79x128xi32, #tpu.memory_space<vmem>>, %arg8: memref<79x128xi32, #tpu.memory_space<vmem>>, %arg9: memref<128x128xf32, #tpu.memory_space<vmem>>, %arg10: memref<10240x128xf32, #tpu.memory_space<vmem_shared>>, %arg11: memref<!tpu.dma_semaphore, #tpu.memory_space<semaphore_mem>>) attributes {dimension_semantics = [#tpu.dimension_semantics<core_parallel>, #tpu.dimension_semantics<subcore_parallel>], iteration_bounds = array<i64: 2, 16>, scalar_prefetch = 0 : i64, scratch_operands = 5 : i64, tpu.core_type = #tpu.core_type<sc_vector_subcore>, window_params = [{transform_indices = #map}, {transform_indices = #map1}, {transform_indices = #map1}, {transform_indices = #map}, {transform_indices = #map1}]} {
    %mul3A = arith.constant 2 : i32
    %mul3A_0 = arith.muli %arg1, %mul3A : i32
    %add3A = arith.addi %mul3A_0, %arg0 : i32
    "tpu.region"() ({
      %run_scoped3A = tpu.sem_alloc : memref<!tpu.dma_semaphore, #tpu.memory_space<semaphore_mem>>
      tpu.enqueue_dma source(%arg5 : memref<128x128xf32, #tpu.memory_space<hbm>>) target(%arg9 : memref<128x128xf32, #tpu.memory_space<vmem>>) target_semaphore(%run_scoped3A : memref<!tpu.dma_semaphore, #tpu.memory_space<semaphore_mem>>)
      tpu.wait_dma2 semaphore(%run_scoped3A : memref<!tpu.dma_semaphore, #tpu.memory_space<semaphore_mem>>) src(%arg5 : memref<128x128xf32, #tpu.memory_space<hbm>>) dst(%arg9 : memref<128x128xf32, #tpu.memory_space<vmem>>)
      tpu.yield
    }) : () -> ()
    %scan3A = arith.constant 0 : i32
    %scan3A_1 = arith.constant 0 : i32
    %scan3A_2 = arith.constant 5 : i32
    %scan3A_3 = arith.addi %scan3A_1, %scan3A_2 : i32
    %scan3A_4 = arith.constant 1 : i32
    scf.for %scan3A_19 = %scan3A_1 to %scan3A_3 step %scan3A_4  : i32 {
      %mul3A_20 = arith.constant 640 : i32
      %mul3A_21 = arith.muli %arg1, %mul3A_20 : i32
      %mul3A_22 = arith.constant 128 : i32
      %mul3A_23 = arith.muli %scan3A_19, %mul3A_22 : i32
      %add3A_24 = arith.addi %mul3A_21, %mul3A_23 : i32
      "tpu.region"() ({
        %run_scoped3A = tpu.sem_alloc : memref<!tpu.dma_semaphore, #tpu.memory_space<semaphore_mem>>
        %dma_start3A = arith.constant 0 : i32
        %dma_start3A_25 = arith.constant 0 : i32
        %dma_start3A_26 = tpu.memref_slice %arg9[%dma_start3A, %dma_start3A_25] : memref<128x128xf32, #tpu.memory_space<vmem>> -> memref<128x128xf32, #tpu.memory_space<vmem>>
        %dma_start3A_27 = arith.constant 0 : i32
        %dma_start3A_28 = tpu.memref_slice %arg10[%add3A_24, %dma_start3A_27] : memref<10240x128xf32, #tpu.memory_space<vmem_shared>> -> memref<128x128xf32, #tpu.memory_space<vmem_shared>>
        %dma_start3A_29 = arith.constant 0 : i32
        %dma_start3A_30 = tpu.memref_slice %arg10[%add3A_24, %dma_start3A_29] : memref<10240x128xf32, #tpu.memory_space<vmem_shared>> -> memref<128x128xf32, #tpu.memory_space<vmem_shared>>
        %dma_start3A_31 = arith.constant 0 : i32
        %dma_start3A_32 = arith.constant 0 : i32
        %dma_start3A_33 = tpu.memref_slice %arg9[%dma_start3A_31, %dma_start3A_32] : memref<128x128xf32, #tpu.memory_space<vmem>> -> memref<128x128xf32, #tpu.memory_space<vmem>>
        tpu.enqueue_dma source(%dma_start3A_33 : memref<128x128xf32, #tpu.memory_space<vmem>>) target(%dma_start3A_30 : memref<128x128xf32, #tpu.memory_space<vmem_shared>>) target_semaphore(%run_scoped3A : memref<!tpu.dma_semaphore, #tpu.memory_space<semaphore_mem>>)
        %dma_wait3A = arith.constant 0 : i32
        %dma_wait3A_34 = arith.constant 0 : i32
        %dma_wait3A_35 = tpu.memref_slice %arg9[%dma_wait3A, %dma_wait3A_34] : memref<128x128xf32, #tpu.memory_space<vmem>> -> memref<128x128xf32, #tpu.memory_space<vmem>>
        %dma_wait3A_36 = arith.constant 0 : i32
        %dma_wait3A_37 = tpu.memref_slice %arg10[%add3A_24, %dma_wait3A_36] : memref<10240x128xf32, #tpu.memory_space<vmem_shared>> -> memref<128x128xf32, #tpu.memory_space<vmem_shared>>
        %dma_wait3A_38 = arith.constant 0 : i32
        %dma_wait3A_39 = tpu.memref_slice %arg10[%add3A_24, %dma_wait3A_38] : memref<10240x128xf32, #tpu.memory_space<vmem_shared>> -> memref<128x128xf32, #tpu.memory_space<vmem_shared>>
        %dma_wait3A_40 = arith.constant 0 : i32
        %dma_wait3A_41 = arith.constant 0 : i32
        %dma_wait3A_42 = tpu.memref_slice %arg9[%dma_wait3A_40, %dma_wait3A_41] : memref<128x128xf32, #tpu.memory_space<vmem>> -> memref<128x128xf32, #tpu.memory_space<vmem>>
        tpu.wait_dma2 semaphore(%run_scoped3A : memref<!tpu.dma_semaphore, #tpu.memory_space<semaphore_mem>>) src(%dma_wait3A_42 : memref<128x128xf32, #tpu.memory_space<vmem>>) dst(%dma_wait3A_39 : memref<128x128xf32, #tpu.memory_space<vmem_shared>>)
        tpu.yield
      }) : () -> ()
    }
    %scan3A_5 = arith.constant 5 : i32
    %barrier3A = arith.constant 0 : index
    tpu.barrier barrier_id(%barrier3A)
    "tpu.region"() ({
      %run_scoped3A = tpu.sem_alloc : memref<!tpu.dma_semaphore, #tpu.memory_space<semaphore_mem>>
      %dma_start3A = arith.constant 0 : i32
      %dma_start3A_19 = arith.constant 0 : i32
      %dma_start3A_20 = tpu.memref_slice %arg3[%add3A, %dma_start3A, %dma_start3A_19] : memref<32x79x128xi32, #tpu.memory_space<hbm>> -> memref<1x79x128xi32, #tpu.memory_space<hbm>>
      %dma_start3A_21 = tpu.memref_squeeze %dma_start3A_20 : memref<1x79x128xi32, #tpu.memory_space<hbm>> -> memref<79x128xi32, #tpu.memory_space<hbm>>
      %dma_start3A_22 = arith.constant 0 : i32
      %dma_start3A_23 = arith.constant 0 : i32
      %dma_start3A_24 = tpu.memref_slice %arg3[%add3A, %dma_start3A_22, %dma_start3A_23] : memref<32x79x128xi32, #tpu.memory_space<hbm>> -> memref<1x79x128xi32, #tpu.memory_space<hbm>>
      %dma_start3A_25 = tpu.memref_squeeze %dma_start3A_24 : memref<1x79x128xi32, #tpu.memory_space<hbm>> -> memref<79x128xi32, #tpu.memory_space<hbm>>
      tpu.enqueue_dma source(%dma_start3A_25 : memref<79x128xi32, #tpu.memory_space<hbm>>) target(%arg7 : memref<79x128xi32, #tpu.memory_space<vmem>>) target_semaphore(%run_scoped3A : memref<!tpu.dma_semaphore, #tpu.memory_space<semaphore_mem>>)
      %dma_wait3A = arith.constant 0 : i32
      %dma_wait3A_26 = arith.constant 0 : i32
      %dma_wait3A_27 = tpu.memref_slice %arg3[%add3A, %dma_wait3A, %dma_wait3A_26] : memref<32x79x128xi32, #tpu.memory_space<hbm>> -> memref<1x79x128xi32, #tpu.memory_space<hbm>>
      %dma_wait3A_28 = tpu.memref_squeeze %dma_wait3A_27 : memref<1x79x128xi32, #tpu.memory_space<hbm>> -> memref<79x128xi32, #tpu.memory_space<hbm>>
      %dma_wait3A_29 = arith.constant 0 : i32
      %dma_wait3A_30 = arith.constant 0 : i32
      %dma_wait3A_31 = tpu.memref_slice %arg3[%add3A, %dma_wait3A_29, %dma_wait3A_30] : memref<32x79x128xi32, #tpu.memory_space<hbm>> -> memref<1x79x128xi32, #tpu.memory_space<hbm>>
      %dma_wait3A_32 = tpu.memref_squeeze %dma_wait3A_31 : memref<1x79x128xi32, #tpu.memory_space<hbm>> -> memref<79x128xi32, #tpu.memory_space<hbm>>
      tpu.wait_dma2 semaphore(%run_scoped3A : memref<!tpu.dma_semaphore, #tpu.memory_space<semaphore_mem>>) src(%dma_wait3A_32 : memref<79x128xi32, #tpu.memory_space<hbm>>) dst(%arg7 : memref<79x128xi32, #tpu.memory_space<vmem>>)
      tpu.yield
    }) : () -> ()
    "tpu.region"() ({
      %run_scoped3A = tpu.sem_alloc : memref<!tpu.dma_semaphore, #tpu.memory_space<semaphore_mem>>
      %dma_start3A = arith.constant 0 : i32
      %dma_start3A_19 = arith.constant 0 : i32
      %dma_start3A_20 = tpu.memref_slice %arg4[%add3A, %dma_start3A, %dma_start3A_19] : memref<32x79x128xi32, #tpu.memory_space<hbm>> -> memref<1x79x128xi32, #tpu.memory_space<hbm>>
      %dma_start3A_21 = tpu.memref_squeeze %dma_start3A_20 : memref<1x79x128xi32, #tpu.memory_space<hbm>> -> memref<79x128xi32, #tpu.memory_space<hbm>>
      %dma_start3A_22 = arith.constant 0 : i32
      %dma_start3A_23 = arith.constant 0 : i32
      %dma_start3A_24 = tpu.memref_slice %arg4[%add3A, %dma_start3A_22, %dma_start3A_23] : memref<32x79x128xi32, #tpu.memory_space<hbm>> -> memref<1x79x128xi32, #tpu.memory_space<hbm>>
      %dma_start3A_25 = tpu.memref_squeeze %dma_start3A_24 : memref<1x79x128xi32, #tpu.memory_space<hbm>> -> memref<79x128xi32, #tpu.memory_space<hbm>>
      tpu.enqueue_dma source(%dma_start3A_25 : memref<79x128xi32, #tpu.memory_space<hbm>>) target(%arg8 : memref<79x128xi32, #tpu.memory_space<vmem>>) target_semaphore(%run_scoped3A : memref<!tpu.dma_semaphore, #tpu.memory_space<semaphore_mem>>)
      %dma_wait3A = arith.constant 0 : i32
      %dma_wait3A_26 = arith.constant 0 : i32
      %dma_wait3A_27 = tpu.memref_slice %arg4[%add3A, %dma_wait3A, %dma_wait3A_26] : memref<32x79x128xi32, #tpu.memory_space<hbm>> -> memref<1x79x128xi32, #tpu.memory_space<hbm>>
      %dma_wait3A_28 = tpu.memref_squeeze %dma_wait3A_27 : memref<1x79x128xi32, #tpu.memory_space<hbm>> -> memref<79x128xi32, #tpu.memory_space<hbm>>
      %dma_wait3A_29 = arith.constant 0 : i32
      %dma_wait3A_30 = arith.constant 0 : i32
      %dma_wait3A_31 = tpu.memref_slice %arg4[%add3A, %dma_wait3A_29, %dma_wait3A_30] : memref<32x79x128xi32, #tpu.memory_space<hbm>> -> memref<1x79x128xi32, #tpu.memory_space<hbm>>
      %dma_wait3A_32 = tpu.memref_squeeze %dma_wait3A_31 : memref<1x79x128xi32, #tpu.memory_space<hbm>> -> memref<79x128xi32, #tpu.memory_space<hbm>>
      tpu.wait_dma2 semaphore(%run_scoped3A : memref<!tpu.dma_semaphore, #tpu.memory_space<semaphore_mem>>) src(%dma_wait3A_32 : memref<79x128xi32, #tpu.memory_space<hbm>>) dst(%arg8 : memref<79x128xi32, #tpu.memory_space<vmem>>)
      tpu.yield
    }) : () -> ()
    %scan3A_6 = arith.constant 0 : i32
    %scan3A_7 = arith.constant 0 : i32
    %scan3A_8 = arith.constant 79 : i32
    %scan3A_9 = arith.addi %scan3A_7, %scan3A_8 : i32
    %scan3A_10 = arith.constant 1 : i32
    scf.for %scan3A_19 = %scan3A_7 to %scan3A_9 step %scan3A_10  : i32 {
      %dma_start3A = arith.constant 0 : i32
      %dma_start3A_20 = tpu.memref_slice %arg7[%scan3A_19, %dma_start3A] : memref<79x128xi32, #tpu.memory_space<vmem>> -> memref<1x128xi32, #tpu.memory_space<vmem>>
      %dma_start3A_21 = tpu.memref_squeeze %dma_start3A_20 : memref<1x128xi32, #tpu.memory_space<vmem>> -> memref<128xi32, #tpu.memory_space<vmem>>
      %dma_start3A_22 = arith.constant 0 : i32
      %dma_start3A_23 = arith.constant 0 : i32
      %dma_start3A_24 = tpu.memref_slice %arg2[%dma_start3A_22, %dma_start3A_23] : memref<10000x128xf32, #tpu.memory_space<hbm>> -> memref<10000x128xf32, #tpu.memory_space<hbm>>
      tpu.enqueue_indirect_dma source(%dma_start3A_24 : memref<10000x128xf32, #tpu.memory_space<hbm>>) target(%arg9 : memref<128x128xf32, #tpu.memory_space<vmem>>) offsets(%dma_start3A_21 : memref<128xi32, #tpu.memory_space<vmem>>) semaphore(%arg11 : memref<!tpu.dma_semaphore, #tpu.memory_space<semaphore_mem>>)
      %dma_wait3A = arith.constant 0 : i32
      %dma_wait3A_25 = tpu.memref_slice %arg7[%scan3A_19, %dma_wait3A] : memref<79x128xi32, #tpu.memory_space<vmem>> -> memref<1x128xi32, #tpu.memory_space<vmem>>
      %dma_wait3A_26 = tpu.memref_squeeze %dma_wait3A_25 : memref<1x128xi32, #tpu.memory_space<vmem>> -> memref<128xi32, #tpu.memory_space<vmem>>
      %dma_wait3A_27 = arith.constant 0 : i32
      %dma_wait3A_28 = arith.constant 0 : i32
      %dma_wait3A_29 = tpu.memref_slice %arg2[%dma_wait3A_27, %dma_wait3A_28] : memref<10000x128xf32, #tpu.memory_space<hbm>> -> memref<10000x128xf32, #tpu.memory_space<hbm>>
      tpu.wait_indirect_dma semaphore(%arg11 : memref<!tpu.dma_semaphore, #tpu.memory_space<semaphore_mem>>) src(%dma_wait3A_29 : memref<10000x128xf32, #tpu.memory_space<hbm>>) dst(%arg9 : memref<128x128xf32, #tpu.memory_space<vmem>>)
      "tpu.region"() ({
        %run_scoped3A = tpu.sem_alloc : memref<!tpu.dma_semaphore, #tpu.memory_space<semaphore_mem>>
        %dma_start3A_30 = arith.constant 0 : i32
        %dma_start3A_31 = tpu.memref_slice %arg8[%scan3A_19, %dma_start3A_30] : memref<79x128xi32, #tpu.memory_space<vmem>> -> memref<1x128xi32, #tpu.memory_space<vmem>>
        %dma_start3A_32 = tpu.memref_squeeze %dma_start3A_31 : memref<1x128xi32, #tpu.memory_space<vmem>> -> memref<128xi32, #tpu.memory_space<vmem>>
        %dma_start3A_33 = arith.constant 0 : i32
        %dma_start3A_34 = arith.constant 0 : i32
        %dma_start3A_35 = tpu.memref_slice %arg10[%dma_start3A_33, %dma_start3A_34] : memref<10240x128xf32, #tpu.memory_space<vmem_shared>> -> memref<10240x128xf32, #tpu.memory_space<vmem_shared>>
        tpu.enqueue_indirect_dma source(%arg9 : memref<128x128xf32, #tpu.memory_space<vmem>>) target(%dma_start3A_35 : memref<10240x128xf32, #tpu.memory_space<vmem_shared>>) offsets(%dma_start3A_32 : memref<128xi32, #tpu.memory_space<vmem>>) semaphore(%run_scoped3A : memref<!tpu.dma_semaphore, #tpu.memory_space<semaphore_mem>>) {add = true}
        %dma_wait3A_36 = arith.constant 0 : i32
        %dma_wait3A_37 = tpu.memref_slice %arg8[%scan3A_19, %dma_wait3A_36] : memref<79x128xi32, #tpu.memory_space<vmem>> -> memref<1x128xi32, #tpu.memory_space<vmem>>
        %dma_wait3A_38 = tpu.memref_squeeze %dma_wait3A_37 : memref<1x128xi32, #tpu.memory_space<vmem>> -> memref<128xi32, #tpu.memory_space<vmem>>
        %dma_wait3A_39 = arith.constant 0 : i32
        %dma_wait3A_40 = arith.constant 0 : i32
        %dma_wait3A_41 = tpu.memref_slice %arg10[%dma_wait3A_39, %dma_wait3A_40] : memref<10240x128xf32, #tpu.memory_space<vmem_shared>> -> memref<10240x128xf32, #tpu.memory_space<vmem_shared>>
        tpu.wait_indirect_dma semaphore(%run_scoped3A : memref<!tpu.dma_semaphore, #tpu.memory_space<semaphore_mem>>) src(%arg9 : memref<128x128xf32, #tpu.memory_space<vmem>>) dst(%dma_wait3A_41 : memref<10240x128xf32, #tpu.memory_space<vmem_shared>>)
        tpu.yield
      }) : () -> ()
    }
    %scan3A_11 = arith.constant 79 : i32
    %barrier3A_12 = arith.constant 0 : index
    tpu.barrier barrier_id(%barrier3A_12)
    %scan3A_13 = arith.constant 0 : i32
    %scan3A_14 = arith.constant 0 : i32
    %scan3A_15 = arith.constant 5 : i32
    %scan3A_16 = arith.addi %scan3A_14, %scan3A_15 : i32
    %scan3A_17 = arith.constant 1 : i32
    scf.for %scan3A_19 = %scan3A_14 to %scan3A_16 step %scan3A_17  : i32 {
      %mul3A_20 = arith.constant 640 : i32
      %mul3A_21 = arith.muli %arg1, %mul3A_20 : i32
      %mul3A_22 = arith.constant 128 : i32
      %mul3A_23 = arith.muli %scan3A_19, %mul3A_22 : i32
      %add3A_24 = arith.addi %mul3A_21, %mul3A_23 : i32
      "tpu.region"() ({
        %run_scoped3A = tpu.sem_alloc : memref<!tpu.dma_semaphore, #tpu.memory_space<semaphore_mem>>
        %dma_start3A = arith.constant 0 : i32
        %dma_start3A_25 = arith.constant 0 : i32
        %dma_start3A_26 = tpu.memref_slice %arg9[%dma_start3A, %dma_start3A_25] : memref<128x128xf32, #tpu.memory_space<vmem>> -> memref<128x128xf32, #tpu.memory_space<vmem>>
        %dma_start3A_27 = arith.constant 0 : i32
        %dma_start3A_28 = tpu.memref_slice %arg10[%add3A_24, %dma_start3A_27] : memref<10240x128xf32, #tpu.memory_space<vmem_shared>> -> memref<128x128xf32, #tpu.memory_space<vmem_shared>>
        %dma_start3A_29 = arith.constant 0 : i32
        %dma_start3A_30 = arith.constant 0 : i32
        %dma_start3A_31 = tpu.memref_slice %arg9[%dma_start3A_29, %dma_start3A_30] : memref<128x128xf32, #tpu.memory_space<vmem>> -> memref<128x128xf32, #tpu.memory_space<vmem>>
        %dma_start3A_32 = arith.constant 0 : i32
        %dma_start3A_33 = tpu.memref_slice %arg10[%add3A_24, %dma_start3A_32] : memref<10240x128xf32, #tpu.memory_space<vmem_shared>> -> memref<128x128xf32, #tpu.memory_space<vmem_shared>>
        tpu.enqueue_dma source(%dma_start3A_33 : memref<128x128xf32, #tpu.memory_space<vmem_shared>>) target(%dma_start3A_31 : memref<128x128xf32, #tpu.memory_space<vmem>>) target_semaphore(%run_scoped3A : memref<!tpu.dma_semaphore, #tpu.memory_space<semaphore_mem>>)
        %dma_wait3A = arith.constant 0 : i32
        %dma_wait3A_34 = arith.constant 0 : i32
        %dma_wait3A_35 = tpu.memref_slice %arg9[%dma_wait3A, %dma_wait3A_34] : memref<128x128xf32, #tpu.memory_space<vmem>> -> memref<128x128xf32, #tpu.memory_space<vmem>>
        %dma_wait3A_36 = arith.constant 0 : i32
        %dma_wait3A_37 = tpu.memref_slice %arg10[%add3A_24, %dma_wait3A_36] : memref<10240x128xf32, #tpu.memory_space<vmem_shared>> -> memref<128x128xf32, #tpu.memory_space<vmem_shared>>
        %dma_wait3A_38 = arith.constant 0 : i32
        %dma_wait3A_39 = arith.constant 0 : i32
        %dma_wait3A_40 = tpu.memref_slice %arg9[%dma_wait3A_38, %dma_wait3A_39] : memref<128x128xf32, #tpu.memory_space<vmem>> -> memref<128x128xf32, #tpu.memory_space<vmem>>
        %dma_wait3A_41 = arith.constant 0 : i32
        %dma_wait3A_42 = tpu.memref_slice %arg10[%add3A_24, %dma_wait3A_41] : memref<10240x128xf32, #tpu.memory_space<vmem_shared>> -> memref<128x128xf32, #tpu.memory_space<vmem_shared>>
        tpu.wait_dma2 semaphore(%run_scoped3A : memref<!tpu.dma_semaphore, #tpu.memory_space<semaphore_mem>>) src(%dma_wait3A_42 : memref<128x128xf32, #tpu.memory_space<vmem_shared>>) dst(%dma_wait3A_40 : memref<128x128xf32, #tpu.memory_space<vmem>>)
        tpu.yield
      }) : () -> ()
      "tpu.region"() ({
        %run_scoped3A = tpu.sem_alloc : memref<!tpu.dma_semaphore, #tpu.memory_space<semaphore_mem>>
        %dma_start3A = arith.constant 0 : i32
        %dma_start3A_25 = arith.constant 0 : i32
        %dma_start3A_26 = tpu.memref_slice %arg9[%dma_start3A, %dma_start3A_25] : memref<128x128xf32, #tpu.memory_space<vmem>> -> memref<128x128xf32, #tpu.memory_space<vmem>>
        %dma_start3A_27 = arith.constant 0 : i32
        %dma_start3A_28 = tpu.memref_slice %arg6[%arg0, %add3A_24, %dma_start3A_27] : memref<2x10240x128xf32, #tpu.memory_space<hbm>> -> memref<1x128x128xf32, #tpu.memory_space<hbm>>
        %dma_start3A_29 = tpu.memref_squeeze %dma_start3A_28 : memref<1x128x128xf32, #tpu.memory_space<hbm>> -> memref<128x128xf32, #tpu.memory_space<hbm>>
        %dma_start3A_30 = arith.constant 0 : i32
        %dma_start3A_31 = tpu.memref_slice %arg6[%arg0, %add3A_24, %dma_start3A_30] : memref<2x10240x128xf32, #tpu.memory_space<hbm>> -> memref<1x128x128xf32, #tpu.memory_space<hbm>>
        %dma_start3A_32 = tpu.memref_squeeze %dma_start3A_31 : memref<1x128x128xf32, #tpu.memory_space<hbm>> -> memref<128x128xf32, #tpu.memory_space<hbm>>
        %dma_start3A_33 = arith.constant 0 : i32
        %dma_start3A_34 = arith.constant 0 : i32
        %dma_start3A_35 = tpu.memref_slice %arg9[%dma_start3A_33, %dma_start3A_34] : memref<128x128xf32, #tpu.memory_space<vmem>> -> memref<128x128xf32, #tpu.memory_space<vmem>>
        tpu.enqueue_dma source(%dma_start3A_35 : memref<128x128xf32, #tpu.memory_space<vmem>>) target(%dma_start3A_32 : memref<128x128xf32, #tpu.memory_space<hbm>>) target_semaphore(%run_scoped3A : memref<!tpu.dma_semaphore, #tpu.memory_space<semaphore_mem>>)
        %dma_wait3A = arith.constant 0 : i32
        %dma_wait3A_36 = arith.constant 0 : i32
        %dma_wait3A_37 = tpu.memref_slice %arg9[%dma_wait3A, %dma_wait3A_36] : memref<128x128xf32, #tpu.memory_space<vmem>> -> memref<128x128xf32, #tpu.memory_space<vmem>>
        %dma_wait3A_38 = arith.constant 0 : i32
        %dma_wait3A_39 = tpu.memref_slice %arg6[%arg0, %add3A_24, %dma_wait3A_38] : memref<2x10240x128xf32, #tpu.memory_space<hbm>> -> memref<1x128x128xf32, #tpu.memory_space<hbm>>
        %dma_wait3A_40 = tpu.memref_squeeze %dma_wait3A_39 : memref<1x128x128xf32, #tpu.memory_space<hbm>> -> memref<128x128xf32, #tpu.memory_space<hbm>>
        %dma_wait3A_41 = arith.constant 0 : i32
        %dma_wait3A_42 = tpu.memref_slice %arg6[%arg0, %add3A_24, %dma_wait3A_41] : memref<2x10240x128xf32, #tpu.memory_space<hbm>> -> memref<1x128x128xf32, #tpu.memory_space<hbm>>
        %dma_wait3A_43 = tpu.memref_squeeze %dma_wait3A_42 : memref<1x128x128xf32, #tpu.memory_space<hbm>> -> memref<128x128xf32, #tpu.memory_space<hbm>>
        %dma_wait3A_44 = arith.constant 0 : i32
        %dma_wait3A_45 = arith.constant 0 : i32
        %dma_wait3A_46 = tpu.memref_slice %arg9[%dma_wait3A_44, %dma_wait3A_45] : memref<128x128xf32, #tpu.memory_space<vmem>> -> memref<128x128xf32, #tpu.memory_space<vmem>>
        tpu.wait_dma2 semaphore(%run_scoped3A : memref<!tpu.dma_semaphore, #tpu.memory_space<semaphore_mem>>) src(%dma_wait3A_46 : memref<128x128xf32, #tpu.memory_space<vmem>>) dst(%dma_wait3A_43 : memref<128x128xf32, #tpu.memory_space<hbm>>)
        tpu.yield
      }) : () -> ()
    }
    %scan3A_18 = arith.constant 5 : i32
    return
  }
}

#map = affine_map<(d0, d1) -> (0, 0)>
#map1 = affine_map<(d0, d1) -> (0, 0, 0)>
module attributes {stable_mosaic.version = 14 : i64} {
  func.func @_seg_sum_sc_body(%arg0: i32, %arg1: i32, %arg2: memref<10000x128xf32, #tpu.memory_space<hbm>>, %arg3: memref<32x79x128xi32, #tpu.memory_space<hbm>>, %arg4: memref<32x79x128xi32, #tpu.memory_space<hbm>>, %arg5: memref<128x128xf32, #tpu.memory_space<hbm>>, %arg6: memref<2x10240x128xf32, #tpu.memory_space<hbm>>, %arg7: memref<79x128xi32, #tpu.memory_space<vmem>>, %arg8: memref<79x128xi32, #tpu.memory_space<vmem>>, %arg9: memref<128x128xf32, #tpu.memory_space<vmem>>, %arg10: memref<10240x128xf32, #tpu.memory_space<vmem_shared>>, %arg11: memref<!tpu.dma_semaphore, #tpu.memory_space<semaphore_mem>>) attributes {dimension_semantics = [#tpu.dimension_semantics<core_parallel>, #tpu.dimension_semantics<subcore_parallel>], iteration_bounds = array<i64: 2, 16>, scalar_prefetch = 0 : i64, scratch_operands = 5 : i64, tpu.core_type = #tpu.core_type<sc_vector_subcore>, window_params = [{transform_indices = #map}, {transform_indices = #map1}, {transform_indices = #map1}, {transform_indices = #map}, {transform_indices = #map1}]} {
    %mul3A = arith.constant 2 : i32
    %mul3A_0 = arith.muli %arg1, %mul3A : i32
    %add3A = arith.addi %mul3A_0, %arg0 : i32
    "tpu.region"() ({
      %run_scoped3A = tpu.sem_alloc : memref<!tpu.dma_semaphore, #tpu.memory_space<semaphore_mem>>
      tpu.enqueue_dma source(%arg5 : memref<128x128xf32, #tpu.memory_space<hbm>>) target(%arg9 : memref<128x128xf32, #tpu.memory_space<vmem>>) target_semaphore(%run_scoped3A : memref<!tpu.dma_semaphore, #tpu.memory_space<semaphore_mem>>)
      tpu.wait_dma2 semaphore(%run_scoped3A : memref<!tpu.dma_semaphore, #tpu.memory_space<semaphore_mem>>) src(%arg5 : memref<128x128xf32, #tpu.memory_space<hbm>>) dst(%arg9 : memref<128x128xf32, #tpu.memory_space<vmem>>)
      tpu.yield
    }) : () -> ()
    %scan3A = arith.constant 0 : i32
    %scan3A_1 = arith.constant 0 : i32
    %scan3A_2 = arith.constant 5 : i32
    %scan3A_3 = arith.addi %scan3A_1, %scan3A_2 : i32
    %scan3A_4 = arith.constant 1 : i32
    scf.for %scan3A_19 = %scan3A_1 to %scan3A_3 step %scan3A_4  : i32 {
      %mul3A_20 = arith.constant 640 : i32
      %mul3A_21 = arith.muli %arg1, %mul3A_20 : i32
      %mul3A_22 = arith.constant 128 : i32
      %mul3A_23 = arith.muli %scan3A_19, %mul3A_22 : i32
      %add3A_24 = arith.addi %mul3A_21, %mul3A_23 : i32
      "tpu.region"() ({
        %run_scoped3A = tpu.sem_alloc : memref<!tpu.dma_semaphore, #tpu.memory_space<semaphore_mem>>
        %dma_start3A = arith.constant 0 : i32
        %dma_start3A_25 = arith.constant 0 : i32
        %dma_start3A_26 = tpu.memref_slice %arg9[%dma_start3A, %dma_start3A_25] : memref<128x128xf32, #tpu.memory_space<vmem>> -> memref<128x128xf32, #tpu.memory_space<vmem>>
        %dma_start3A_27 = arith.constant 0 : i32
        %dma_start3A_28 = tpu.memref_slice %arg10[%add3A_24, %dma_start3A_27] : memref<10240x128xf32, #tpu.memory_space<vmem_shared>> -> memref<128x128xf32, #tpu.memory_space<vmem_shared>>
        %dma_start3A_29 = arith.constant 0 : i32
        %dma_start3A_30 = tpu.memref_slice %arg10[%add3A_24, %dma_start3A_29] : memref<10240x128xf32, #tpu.memory_space<vmem_shared>> -> memref<128x128xf32, #tpu.memory_space<vmem_shared>>
        %dma_start3A_31 = arith.constant 0 : i32
        %dma_start3A_32 = arith.constant 0 : i32
        %dma_start3A_33 = tpu.memref_slice %arg9[%dma_start3A_31, %dma_start3A_32] : memref<128x128xf32, #tpu.memory_space<vmem>> -> memref<128x128xf32, #tpu.memory_space<vmem>>
        tpu.enqueue_dma source(%dma_start3A_33 : memref<128x128xf32, #tpu.memory_space<vmem>>) target(%dma_start3A_30 : memref<128x128xf32, #tpu.memory_space<vmem_shared>>) target_semaphore(%run_scoped3A : memref<!tpu.dma_semaphore, #tpu.memory_space<semaphore_mem>>)
        %dma_wait3A = arith.constant 0 : i32
        %dma_wait3A_34 = arith.constant 0 : i32
        %dma_wait3A_35 = tpu.memref_slice %arg9[%dma_wait3A, %dma_wait3A_34] : memref<128x128xf32, #tpu.memory_space<vmem>> -> memref<128x128xf32, #tpu.memory_space<vmem>>
        %dma_wait3A_36 = arith.constant 0 : i32
        %dma_wait3A_37 = tpu.memref_slice %arg10[%add3A_24, %dma_wait3A_36] : memref<10240x128xf32, #tpu.memory_space<vmem_shared>> -> memref<128x128xf32, #tpu.memory_space<vmem_shared>>
        %dma_wait3A_38 = arith.constant 0 : i32
        %dma_wait3A_39 = tpu.memref_slice %arg10[%add3A_24, %dma_wait3A_38] : memref<10240x128xf32, #tpu.memory_space<vmem_shared>> -> memref<128x128xf32, #tpu.memory_space<vmem_shared>>
        %dma_wait3A_40 = arith.constant 0 : i32
        %dma_wait3A_41 = arith.constant 0 : i32
        %dma_wait3A_42 = tpu.memref_slice %arg9[%dma_wait3A_40, %dma_wait3A_41] : memref<128x128xf32, #tpu.memory_space<vmem>> -> memref<128x128xf32, #tpu.memory_space<vmem>>
        tpu.wait_dma2 semaphore(%run_scoped3A : memref<!tpu.dma_semaphore, #tpu.memory_space<semaphore_mem>>) src(%dma_wait3A_42 : memref<128x128xf32, #tpu.memory_space<vmem>>) dst(%dma_wait3A_39 : memref<128x128xf32, #tpu.memory_space<vmem_shared>>)
        tpu.yield
      }) : () -> ()
    }
    %scan3A_5 = arith.constant 5 : i32
    %barrier3A = arith.constant 0 : index
    tpu.barrier barrier_id(%barrier3A)
    "tpu.region"() ({
      %run_scoped3A = tpu.sem_alloc : memref<!tpu.dma_semaphore, #tpu.memory_space<semaphore_mem>>
      %dma_start3A = arith.constant 0 : i32
      %dma_start3A_19 = arith.constant 0 : i32
      %dma_start3A_20 = tpu.memref_slice %arg3[%add3A, %dma_start3A, %dma_start3A_19] : memref<32x79x128xi32, #tpu.memory_space<hbm>> -> memref<1x79x128xi32, #tpu.memory_space<hbm>>
      %dma_start3A_21 = tpu.memref_squeeze %dma_start3A_20 : memref<1x79x128xi32, #tpu.memory_space<hbm>> -> memref<79x128xi32, #tpu.memory_space<hbm>>
      %dma_start3A_22 = arith.constant 0 : i32
      %dma_start3A_23 = arith.constant 0 : i32
      %dma_start3A_24 = tpu.memref_slice %arg3[%add3A, %dma_start3A_22, %dma_start3A_23] : memref<32x79x128xi32, #tpu.memory_space<hbm>> -> memref<1x79x128xi32, #tpu.memory_space<hbm>>
      %dma_start3A_25 = tpu.memref_squeeze %dma_start3A_24 : memref<1x79x128xi32, #tpu.memory_space<hbm>> -> memref<79x128xi32, #tpu.memory_space<hbm>>
      tpu.enqueue_dma source(%dma_start3A_25 : memref<79x128xi32, #tpu.memory_space<hbm>>) target(%arg7 : memref<79x128xi32, #tpu.memory_space<vmem>>) target_semaphore(%run_scoped3A : memref<!tpu.dma_semaphore, #tpu.memory_space<semaphore_mem>>)
      %dma_wait3A = arith.constant 0 : i32
      %dma_wait3A_26 = arith.constant 0 : i32
      %dma_wait3A_27 = tpu.memref_slice %arg3[%add3A, %dma_wait3A, %dma_wait3A_26] : memref<32x79x128xi32, #tpu.memory_space<hbm>> -> memref<1x79x128xi32, #tpu.memory_space<hbm>>
      %dma_wait3A_28 = tpu.memref_squeeze %dma_wait3A_27 : memref<1x79x128xi32, #tpu.memory_space<hbm>> -> memref<79x128xi32, #tpu.memory_space<hbm>>
      %dma_wait3A_29 = arith.constant 0 : i32
      %dma_wait3A_30 = arith.constant 0 : i32
      %dma_wait3A_31 = tpu.memref_slice %arg3[%add3A, %dma_wait3A_29, %dma_wait3A_30] : memref<32x79x128xi32, #tpu.memory_space<hbm>> -> memref<1x79x128xi32, #tpu.memory_space<hbm>>
      %dma_wait3A_32 = tpu.memref_squeeze %dma_wait3A_31 : memref<1x79x128xi32, #tpu.memory_space<hbm>> -> memref<79x128xi32, #tpu.memory_space<hbm>>
      tpu.wait_dma2 semaphore(%run_scoped3A : memref<!tpu.dma_semaphore, #tpu.memory_space<semaphore_mem>>) src(%dma_wait3A_32 : memref<79x128xi32, #tpu.memory_space<hbm>>) dst(%arg7 : memref<79x128xi32, #tpu.memory_space<vmem>>)
      tpu.yield
    }) : () -> ()
    "tpu.region"() ({
      %run_scoped3A = tpu.sem_alloc : memref<!tpu.dma_semaphore, #tpu.memory_space<semaphore_mem>>
      %dma_start3A = arith.constant 0 : i32
      %dma_start3A_19 = arith.constant 0 : i32
      %dma_start3A_20 = tpu.memref_slice %arg4[%add3A, %dma_start3A, %dma_start3A_19] : memref<32x79x128xi32, #tpu.memory_space<hbm>> -> memref<1x79x128xi32, #tpu.memory_space<hbm>>
      %dma_start3A_21 = tpu.memref_squeeze %dma_start3A_20 : memref<1x79x128xi32, #tpu.memory_space<hbm>> -> memref<79x128xi32, #tpu.memory_space<hbm>>
      %dma_start3A_22 = arith.constant 0 : i32
      %dma_start3A_23 = arith.constant 0 : i32
      %dma_start3A_24 = tpu.memref_slice %arg4[%add3A, %dma_start3A_22, %dma_start3A_23] : memref<32x79x128xi32, #tpu.memory_space<hbm>> -> memref<1x79x128xi32, #tpu.memory_space<hbm>>
      %dma_start3A_25 = tpu.memref_squeeze %dma_start3A_24 : memref<1x79x128xi32, #tpu.memory_space<hbm>> -> memref<79x128xi32, #tpu.memory_space<hbm>>
      tpu.enqueue_dma source(%dma_start3A_25 : memref<79x128xi32, #tpu.memory_space<hbm>>) target(%arg8 : memref<79x128xi32, #tpu.memory_space<vmem>>) target_semaphore(%run_scoped3A : memref<!tpu.dma_semaphore, #tpu.memory_space<semaphore_mem>>)
      %dma_wait3A = arith.constant 0 : i32
      %dma_wait3A_26 = arith.constant 0 : i32
      %dma_wait3A_27 = tpu.memref_slice %arg4[%add3A, %dma_wait3A, %dma_wait3A_26] : memref<32x79x128xi32, #tpu.memory_space<hbm>> -> memref<1x79x128xi32, #tpu.memory_space<hbm>>
      %dma_wait3A_28 = tpu.memref_squeeze %dma_wait3A_27 : memref<1x79x128xi32, #tpu.memory_space<hbm>> -> memref<79x128xi32, #tpu.memory_space<hbm>>
      %dma_wait3A_29 = arith.constant 0 : i32
      %dma_wait3A_30 = arith.constant 0 : i32
      %dma_wait3A_31 = tpu.memref_slice %arg4[%add3A, %dma_wait3A_29, %dma_wait3A_30] : memref<32x79x128xi32, #tpu.memory_space<hbm>> -> memref<1x79x128xi32, #tpu.memory_space<hbm>>
      %dma_wait3A_32 = tpu.memref_squeeze %dma_wait3A_31 : memref<1x79x128xi32, #tpu.memory_space<hbm>> -> memref<79x128xi32, #tpu.memory_space<hbm>>
      tpu.wait_dma2 semaphore(%run_scoped3A : memref<!tpu.dma_semaphore, #tpu.memory_space<semaphore_mem>>) src(%dma_wait3A_32 : memref<79x128xi32, #tpu.memory_space<hbm>>) dst(%arg8 : memref<79x128xi32, #tpu.memory_space<vmem>>)
      tpu.yield
    }) : () -> ()
    %scan3A_6 = arith.constant 0 : i32
    %scan3A_7 = arith.constant 0 : i32
    %scan3A_8 = arith.constant 79 : i32
    %scan3A_9 = arith.addi %scan3A_7, %scan3A_8 : i32
    %scan3A_10 = arith.constant 1 : i32
    scf.for %scan3A_19 = %scan3A_7 to %scan3A_9 step %scan3A_10  : i32 {
      %dma_start3A = arith.constant 0 : i32
      %dma_start3A_20 = tpu.memref_slice %arg7[%scan3A_19, %dma_start3A] : memref<79x128xi32, #tpu.memory_space<vmem>> -> memref<1x128xi32, #tpu.memory_space<vmem>>
      %dma_start3A_21 = tpu.memref_squeeze %dma_start3A_20 : memref<1x128xi32, #tpu.memory_space<vmem>> -> memref<128xi32, #tpu.memory_space<vmem>>
      %dma_start3A_22 = arith.constant 0 : i32
      %dma_start3A_23 = arith.constant 0 : i32
      %dma_start3A_24 = tpu.memref_slice %arg2[%dma_start3A_22, %dma_start3A_23] : memref<10000x128xf32, #tpu.memory_space<hbm>> -> memref<10000x128xf32, #tpu.memory_space<hbm>>
      tpu.enqueue_indirect_dma source(%dma_start3A_24 : memref<10000x128xf32, #tpu.memory_space<hbm>>) target(%arg9 : memref<128x128xf32, #tpu.memory_space<vmem>>) offsets(%dma_start3A_21 : memref<128xi32, #tpu.memory_space<vmem>>) semaphore(%arg11 : memref<!tpu.dma_semaphore, #tpu.memory_space<semaphore_mem>>)
      %dma_wait3A = arith.constant 0 : i32
      %dma_wait3A_25 = tpu.memref_slice %arg7[%scan3A_19, %dma_wait3A] : memref<79x128xi32, #tpu.memory_space<vmem>> -> memref<1x128xi32, #tpu.memory_space<vmem>>
      %dma_wait3A_26 = tpu.memref_squeeze %dma_wait3A_25 : memref<1x128xi32, #tpu.memory_space<vmem>> -> memref<128xi32, #tpu.memory_space<vmem>>
      %dma_wait3A_27 = arith.constant 0 : i32
      %dma_wait3A_28 = arith.constant 0 : i32
      %dma_wait3A_29 = tpu.memref_slice %arg2[%dma_wait3A_27, %dma_wait3A_28] : memref<10000x128xf32, #tpu.memory_space<hbm>> -> memref<10000x128xf32, #tpu.memory_space<hbm>>
      tpu.wait_indirect_dma semaphore(%arg11 : memref<!tpu.dma_semaphore, #tpu.memory_space<semaphore_mem>>) src(%dma_wait3A_29 : memref<10000x128xf32, #tpu.memory_space<hbm>>) dst(%arg9 : memref<128x128xf32, #tpu.memory_space<vmem>>)
      "tpu.region"() ({
        %run_scoped3A = tpu.sem_alloc : memref<!tpu.dma_semaphore, #tpu.memory_space<semaphore_mem>>
        %dma_start3A_30 = arith.constant 0 : i32
        %dma_start3A_31 = tpu.memref_slice %arg8[%scan3A_19, %dma_start3A_30] : memref<79x128xi32, #tpu.memory_space<vmem>> -> memref<1x128xi32, #tpu.memory_space<vmem>>
        %dma_start3A_32 = tpu.memref_squeeze %dma_start3A_31 : memref<1x128xi32, #tpu.memory_space<vmem>> -> memref<128xi32, #tpu.memory_space<vmem>>
        %dma_start3A_33 = arith.constant 0 : i32
        %dma_start3A_34 = arith.constant 0 : i32
        %dma_start3A_35 = tpu.memref_slice %arg10[%dma_start3A_33, %dma_start3A_34] : memref<10240x128xf32, #tpu.memory_space<vmem_shared>> -> memref<10240x128xf32, #tpu.memory_space<vmem_shared>>
        tpu.enqueue_indirect_dma source(%arg9 : memref<128x128xf32, #tpu.memory_space<vmem>>) target(%dma_start3A_35 : memref<10240x128xf32, #tpu.memory_space<vmem_shared>>) offsets(%dma_start3A_32 : memref<128xi32, #tpu.memory_space<vmem>>) semaphore(%run_scoped3A : memref<!tpu.dma_semaphore, #tpu.memory_space<semaphore_mem>>) {add = true}
        %dma_wait3A_36 = arith.constant 0 : i32
        %dma_wait3A_37 = tpu.memref_slice %arg8[%scan3A_19, %dma_wait3A_36] : memref<79x128xi32, #tpu.memory_space<vmem>> -> memref<1x128xi32, #tpu.memory_space<vmem>>
        %dma_wait3A_38 = tpu.memref_squeeze %dma_wait3A_37 : memref<1x128xi32, #tpu.memory_space<vmem>> -> memref<128xi32, #tpu.memory_space<vmem>>
        %dma_wait3A_39 = arith.constant 0 : i32
        %dma_wait3A_40 = arith.constant 0 : i32
        %dma_wait3A_41 = tpu.memref_slice %arg10[%dma_wait3A_39, %dma_wait3A_40] : memref<10240x128xf32, #tpu.memory_space<vmem_shared>> -> memref<10240x128xf32, #tpu.memory_space<vmem_shared>>
        tpu.wait_indirect_dma semaphore(%run_scoped3A : memref<!tpu.dma_semaphore, #tpu.memory_space<semaphore_mem>>) src(%arg9 : memref<128x128xf32, #tpu.memory_space<vmem>>) dst(%dma_wait3A_41 : memref<10240x128xf32, #tpu.memory_space<vmem_shared>>)
        tpu.yield
      }) : () -> ()
    }
    %scan3A_11 = arith.constant 79 : i32
    %barrier3A_12 = arith.constant 0 : index
    tpu.barrier barrier_id(%barrier3A_12)
    %scan3A_13 = arith.constant 0 : i32
    %scan3A_14 = arith.constant 0 : i32
    %scan3A_15 = arith.constant 5 : i32
    %scan3A_16 = arith.addi %scan3A_14, %scan3A_15 : i32
    %scan3A_17 = arith.constant 1 : i32
    scf.for %scan3A_19 = %scan3A_14 to %scan3A_16 step %scan3A_17  : i32 {
      %mul3A_20 = arith.constant 640 : i32
      %mul3A_21 = arith.muli %arg1, %mul3A_20 : i32
      %mul3A_22 = arith.constant 128 : i32
      %mul3A_23 = arith.muli %scan3A_19, %mul3A_22 : i32
      %add3A_24 = arith.addi %mul3A_21, %mul3A_23 : i32
      "tpu.region"() ({
        %run_scoped3A = tpu.sem_alloc : memref<!tpu.dma_semaphore, #tpu.memory_space<semaphore_mem>>
        %dma_start3A = arith.constant 0 : i32
        %dma_start3A_25 = arith.constant 0 : i32
        %dma_start3A_26 = tpu.memref_slice %arg9[%dma_start3A, %dma_start3A_25] : memref<128x128xf32, #tpu.memory_space<vmem>> -> memref<128x128xf32, #tpu.memory_space<vmem>>
        %dma_start3A_27 = arith.constant 0 : i32
        %dma_start3A_28 = tpu.memref_slice %arg10[%add3A_24, %dma_start3A_27] : memref<10240x128xf32, #tpu.memory_space<vmem_shared>> -> memref<128x128xf32, #tpu.memory_space<vmem_shared>>
        %dma_start3A_29 = arith.constant 0 : i32
        %dma_start3A_30 = arith.constant 0 : i32
        %dma_start3A_31 = tpu.memref_slice %arg9[%dma_start3A_29, %dma_start3A_30] : memref<128x128xf32, #tpu.memory_space<vmem>> -> memref<128x128xf32, #tpu.memory_space<vmem>>
        %dma_start3A_32 = arith.constant 0 : i32
        %dma_start3A_33 = tpu.memref_slice %arg10[%add3A_24, %dma_start3A_32] : memref<10240x128xf32, #tpu.memory_space<vmem_shared>> -> memref<128x128xf32, #tpu.memory_space<vmem_shared>>
        tpu.enqueue_dma source(%dma_start3A_33 : memref<128x128xf32, #tpu.memory_space<vmem_shared>>) target(%dma_start3A_31 : memref<128x128xf32, #tpu.memory_space<vmem>>) target_semaphore(%run_scoped3A : memref<!tpu.dma_semaphore, #tpu.memory_space<semaphore_mem>>)
        %dma_wait3A = arith.constant 0 : i32
        %dma_wait3A_34 = arith.constant 0 : i32
        %dma_wait3A_35 = tpu.memref_slice %arg9[%dma_wait3A, %dma_wait3A_34] : memref<128x128xf32, #tpu.memory_space<vmem>> -> memref<128x128xf32, #tpu.memory_space<vmem>>
        %dma_wait3A_36 = arith.constant 0 : i32
        %dma_wait3A_37 = tpu.memref_slice %arg10[%add3A_24, %dma_wait3A_36] : memref<10240x128xf32, #tpu.memory_space<vmem_shared>> -> memref<128x128xf32, #tpu.memory_space<vmem_shared>>
        %dma_wait3A_38 = arith.constant 0 : i32
        %dma_wait3A_39 = arith.constant 0 : i32
        %dma_wait3A_40 = tpu.memref_slice %arg9[%dma_wait3A_38, %dma_wait3A_39] : memref<128x128xf32, #tpu.memory_space<vmem>> -> memref<128x128xf32, #tpu.memory_space<vmem>>
        %dma_wait3A_41 = arith.constant 0 : i32
        %dma_wait3A_42 = tpu.memref_slice %arg10[%add3A_24, %dma_wait3A_41] : memref<10240x128xf32, #tpu.memory_space<vmem_shared>> -> memref<128x128xf32, #tpu.memory_space<vmem_shared>>
        tpu.wait_dma2 semaphore(%run_scoped3A : memref<!tpu.dma_semaphore, #tpu.memory_space<semaphore_mem>>) src(%dma_wait3A_42 : memref<128x128xf32, #tpu.memory_space<vmem_shared>>) dst(%dma_wait3A_40 : memref<128x128xf32, #tpu.memory_space<vmem>>)
        tpu.yield
      }) : () -> ()
      "tpu.region"() ({
        %run_scoped3A = tpu.sem_alloc : memref<!tpu.dma_semaphore, #tpu.memory_space<semaphore_mem>>
        %dma_start3A = arith.constant 0 : i32
        %dma_start3A_25 = arith.constant 0 : i32
        %dma_start3A_26 = tpu.memref_slice %arg9[%dma_start3A, %dma_start3A_25] : memref<128x128xf32, #tpu.memory_space<vmem>> -> memref<128x128xf32, #tpu.memory_space<vmem>>
        %dma_start3A_27 = arith.constant 0 : i32
        %dma_start3A_28 = tpu.memref_slice %arg6[%arg0, %add3A_24, %dma_start3A_27] : memref<2x10240x128xf32, #tpu.memory_space<hbm>> -> memref<1x128x128xf32, #tpu.memory_space<hbm>>
        %dma_start3A_29 = tpu.memref_squeeze %dma_start3A_28 : memref<1x128x128xf32, #tpu.memory_space<hbm>> -> memref<128x128xf32, #tpu.memory_space<hbm>>
        %dma_start3A_30 = arith.constant 0 : i32
        %dma_start3A_31 = tpu.memref_slice %arg6[%arg0, %add3A_24, %dma_start3A_30] : memref<2x10240x128xf32, #tpu.memory_space<hbm>> -> memref<1x128x128xf32, #tpu.memory_space<hbm>>
        %dma_start3A_32 = tpu.memref_squeeze %dma_start3A_31 : memref<1x128x128xf32, #tpu.memory_space<hbm>> -> memref<128x128xf32, #tpu.memory_space<hbm>>
        %dma_start3A_33 = arith.constant 0 : i32
        %dma_start3A_34 = arith.constant 0 : i32
        %dma_start3A_35 = tpu.memref_slice %arg9[%dma_start3A_33, %dma_start3A_34] : memref<128x128xf32, #tpu.memory_space<vmem>> -> memref<128x128xf32, #tpu.memory_space<vmem>>
        tpu.enqueue_dma source(%dma_start3A_35 : memref<128x128xf32, #tpu.memory_space<vmem>>) target(%dma_start3A_32 : memref<128x128xf32, #tpu.memory_space<hbm>>) target_semaphore(%run_scoped3A : memref<!tpu.dma_semaphore, #tpu.memory_space<semaphore_mem>>)
        %dma_wait3A = arith.constant 0 : i32
        %dma_wait3A_36 = arith.constant 0 : i32
        %dma_wait3A_37 = tpu.memref_slice %arg9[%dma_wait3A, %dma_wait3A_36] : memref<128x128xf32, #tpu.memory_space<vmem>> -> memref<128x128xf32, #tpu.memory_space<vmem>>
        %dma_wait3A_38 = arith.constant 0 : i32
        %dma_wait3A_39 = tpu.memref_slice %arg6[%arg0, %add3A_24, %dma_wait3A_38] : memref<2x10240x128xf32, #tpu.memory_space<hbm>> -> memref<1x128x128xf32, #tpu.memory_space<hbm>>
        %dma_wait3A_40 = tpu.memref_squeeze %dma_wait3A_39 : memref<1x128x128xf32, #tpu.memory_space<hbm>> -> memref<128x128xf32, #tpu.memory_space<hbm>>
        %dma_wait3A_41 = arith.constant 0 : i32
        %dma_wait3A_42 = tpu.memref_slice %arg6[%arg0, %add3A_24, %dma_wait3A_41] : memref<2x10240x128xf32, #tpu.memory_space<hbm>> -> memref<1x128x128xf32, #tpu.memory_space<hbm>>
        %dma_wait3A_43 = tpu.memref_squeeze %dma_wait3A_42 : memref<1x128x128xf32, #tpu.memory_space<hbm>> -> memref<128x128xf32, #tpu.memory_space<hbm>>
        %dma_wait3A_44 = arith.constant 0 : i32
        %dma_wait3A_45 = arith.constant 0 : i32
        %dma_wait3A_46 = tpu.memref_slice %arg9[%dma_wait3A_44, %dma_wait3A_45] : memref<128x128xf32, #tpu.memory_space<vmem>> -> memref<128x128xf32, #tpu.memory_space<vmem>>
        tpu.wait_dma2 semaphore(%run_scoped3A : memref<!tpu.dma_semaphore, #tpu.memory_space<semaphore_mem>>) src(%dma_wait3A_46 : memref<128x128xf32, #tpu.memory_space<vmem>>) dst(%dma_wait3A_43 : memref<128x128xf32, #tpu.memory_space<hbm>>)
        tpu.yield
      }) : () -> ()
    }
    %scan3A_18 = arith.constant 5 : i32
    return
  }
}

#map = affine_map<(d0, d1) -> (0, 0)>
#map1 = affine_map<(d0, d1) -> (0, 0, 0)>
module attributes {stable_mosaic.version = 14 : i64} {
  func.func @_seg_sum_sc_body(%arg0: i32, %arg1: i32, %arg2: memref<10000x128xf32, #tpu.memory_space<hbm>>, %arg3: memref<32x79x128xi32, #tpu.memory_space<hbm>>, %arg4: memref<32x79x128xi32, #tpu.memory_space<hbm>>, %arg5: memref<128x128xf32, #tpu.memory_space<hbm>>, %arg6: memref<2x10240x128xf32, #tpu.memory_space<hbm>>, %arg7: memref<79x128xi32, #tpu.memory_space<vmem>>, %arg8: memref<79x128xi32, #tpu.memory_space<vmem>>, %arg9: memref<128x128xf32, #tpu.memory_space<vmem>>, %arg10: memref<10240x128xf32, #tpu.memory_space<vmem_shared>>, %arg11: memref<!tpu.dma_semaphore, #tpu.memory_space<semaphore_mem>>) attributes {dimension_semantics = [#tpu.dimension_semantics<core_parallel>, #tpu.dimension_semantics<subcore_parallel>], iteration_bounds = array<i64: 2, 16>, scalar_prefetch = 0 : i64, scratch_operands = 5 : i64, tpu.core_type = #tpu.core_type<sc_vector_subcore>, window_params = [{transform_indices = #map}, {transform_indices = #map1}, {transform_indices = #map1}, {transform_indices = #map}, {transform_indices = #map1}]} {
    %mul3A = arith.constant 2 : i32
    %mul3A_0 = arith.muli %arg1, %mul3A : i32
    %add3A = arith.addi %mul3A_0, %arg0 : i32
    "tpu.region"() ({
      %run_scoped3A = tpu.sem_alloc : memref<!tpu.dma_semaphore, #tpu.memory_space<semaphore_mem>>
      tpu.enqueue_dma source(%arg5 : memref<128x128xf32, #tpu.memory_space<hbm>>) target(%arg9 : memref<128x128xf32, #tpu.memory_space<vmem>>) target_semaphore(%run_scoped3A : memref<!tpu.dma_semaphore, #tpu.memory_space<semaphore_mem>>)
      tpu.wait_dma2 semaphore(%run_scoped3A : memref<!tpu.dma_semaphore, #tpu.memory_space<semaphore_mem>>) src(%arg5 : memref<128x128xf32, #tpu.memory_space<hbm>>) dst(%arg9 : memref<128x128xf32, #tpu.memory_space<vmem>>)
      tpu.yield
    }) : () -> ()
    %scan3A = arith.constant 0 : i32
    %scan3A_1 = arith.constant 0 : i32
    %scan3A_2 = arith.constant 5 : i32
    %scan3A_3 = arith.addi %scan3A_1, %scan3A_2 : i32
    %scan3A_4 = arith.constant 1 : i32
    scf.for %scan3A_19 = %scan3A_1 to %scan3A_3 step %scan3A_4  : i32 {
      %mul3A_20 = arith.constant 640 : i32
      %mul3A_21 = arith.muli %arg1, %mul3A_20 : i32
      %mul3A_22 = arith.constant 128 : i32
      %mul3A_23 = arith.muli %scan3A_19, %mul3A_22 : i32
      %add3A_24 = arith.addi %mul3A_21, %mul3A_23 : i32
      "tpu.region"() ({
        %run_scoped3A = tpu.sem_alloc : memref<!tpu.dma_semaphore, #tpu.memory_space<semaphore_mem>>
        %dma_start3A = arith.constant 0 : i32
        %dma_start3A_25 = arith.constant 0 : i32
        %dma_start3A_26 = tpu.memref_slice %arg9[%dma_start3A, %dma_start3A_25] : memref<128x128xf32, #tpu.memory_space<vmem>> -> memref<128x128xf32, #tpu.memory_space<vmem>>
        %dma_start3A_27 = arith.constant 0 : i32
        %dma_start3A_28 = tpu.memref_slice %arg10[%add3A_24, %dma_start3A_27] : memref<10240x128xf32, #tpu.memory_space<vmem_shared>> -> memref<128x128xf32, #tpu.memory_space<vmem_shared>>
        %dma_start3A_29 = arith.constant 0 : i32
        %dma_start3A_30 = tpu.memref_slice %arg10[%add3A_24, %dma_start3A_29] : memref<10240x128xf32, #tpu.memory_space<vmem_shared>> -> memref<128x128xf32, #tpu.memory_space<vmem_shared>>
        %dma_start3A_31 = arith.constant 0 : i32
        %dma_start3A_32 = arith.constant 0 : i32
        %dma_start3A_33 = tpu.memref_slice %arg9[%dma_start3A_31, %dma_start3A_32] : memref<128x128xf32, #tpu.memory_space<vmem>> -> memref<128x128xf32, #tpu.memory_space<vmem>>
        tpu.enqueue_dma source(%dma_start3A_33 : memref<128x128xf32, #tpu.memory_space<vmem>>) target(%dma_start3A_30 : memref<128x128xf32, #tpu.memory_space<vmem_shared>>) target_semaphore(%run_scoped3A : memref<!tpu.dma_semaphore, #tpu.memory_space<semaphore_mem>>)
        %dma_wait3A = arith.constant 0 : i32
        %dma_wait3A_34 = arith.constant 0 : i32
        %dma_wait3A_35 = tpu.memref_slice %arg9[%dma_wait3A, %dma_wait3A_34] : memref<128x128xf32, #tpu.memory_space<vmem>> -> memref<128x128xf32, #tpu.memory_space<vmem>>
        %dma_wait3A_36 = arith.constant 0 : i32
        %dma_wait3A_37 = tpu.memref_slice %arg10[%add3A_24, %dma_wait3A_36] : memref<10240x128xf32, #tpu.memory_space<vmem_shared>> -> memref<128x128xf32, #tpu.memory_space<vmem_shared>>
        %dma_wait3A_38 = arith.constant 0 : i32
        %dma_wait3A_39 = tpu.memref_slice %arg10[%add3A_24, %dma_wait3A_38] : memref<10240x128xf32, #tpu.memory_space<vmem_shared>> -> memref<128x128xf32, #tpu.memory_space<vmem_shared>>
        %dma_wait3A_40 = arith.constant 0 : i32
        %dma_wait3A_41 = arith.constant 0 : i32
        %dma_wait3A_42 = tpu.memref_slice %arg9[%dma_wait3A_40, %dma_wait3A_41] : memref<128x128xf32, #tpu.memory_space<vmem>> -> memref<128x128xf32, #tpu.memory_space<vmem>>
        tpu.wait_dma2 semaphore(%run_scoped3A : memref<!tpu.dma_semaphore, #tpu.memory_space<semaphore_mem>>) src(%dma_wait3A_42 : memref<128x128xf32, #tpu.memory_space<vmem>>) dst(%dma_wait3A_39 : memref<128x128xf32, #tpu.memory_space<vmem_shared>>)
        tpu.yield
      }) : () -> ()
    }
    %scan3A_5 = arith.constant 5 : i32
    %barrier3A = arith.constant 0 : index
    tpu.barrier barrier_id(%barrier3A)
    "tpu.region"() ({
      %run_scoped3A = tpu.sem_alloc : memref<!tpu.dma_semaphore, #tpu.memory_space<semaphore_mem>>
      %dma_start3A = arith.constant 0 : i32
      %dma_start3A_19 = arith.constant 0 : i32
      %dma_start3A_20 = tpu.memref_slice %arg3[%add3A, %dma_start3A, %dma_start3A_19] : memref<32x79x128xi32, #tpu.memory_space<hbm>> -> memref<1x79x128xi32, #tpu.memory_space<hbm>>
      %dma_start3A_21 = tpu.memref_squeeze %dma_start3A_20 : memref<1x79x128xi32, #tpu.memory_space<hbm>> -> memref<79x128xi32, #tpu.memory_space<hbm>>
      %dma_start3A_22 = arith.constant 0 : i32
      %dma_start3A_23 = arith.constant 0 : i32
      %dma_start3A_24 = tpu.memref_slice %arg3[%add3A, %dma_start3A_22, %dma_start3A_23] : memref<32x79x128xi32, #tpu.memory_space<hbm>> -> memref<1x79x128xi32, #tpu.memory_space<hbm>>
      %dma_start3A_25 = tpu.memref_squeeze %dma_start3A_24 : memref<1x79x128xi32, #tpu.memory_space<hbm>> -> memref<79x128xi32, #tpu.memory_space<hbm>>
      tpu.enqueue_dma source(%dma_start3A_25 : memref<79x128xi32, #tpu.memory_space<hbm>>) target(%arg7 : memref<79x128xi32, #tpu.memory_space<vmem>>) target_semaphore(%run_scoped3A : memref<!tpu.dma_semaphore, #tpu.memory_space<semaphore_mem>>)
      %dma_wait3A = arith.constant 0 : i32
      %dma_wait3A_26 = arith.constant 0 : i32
      %dma_wait3A_27 = tpu.memref_slice %arg3[%add3A, %dma_wait3A, %dma_wait3A_26] : memref<32x79x128xi32, #tpu.memory_space<hbm>> -> memref<1x79x128xi32, #tpu.memory_space<hbm>>
      %dma_wait3A_28 = tpu.memref_squeeze %dma_wait3A_27 : memref<1x79x128xi32, #tpu.memory_space<hbm>> -> memref<79x128xi32, #tpu.memory_space<hbm>>
      %dma_wait3A_29 = arith.constant 0 : i32
      %dma_wait3A_30 = arith.constant 0 : i32
      %dma_wait3A_31 = tpu.memref_slice %arg3[%add3A, %dma_wait3A_29, %dma_wait3A_30] : memref<32x79x128xi32, #tpu.memory_space<hbm>> -> memref<1x79x128xi32, #tpu.memory_space<hbm>>
      %dma_wait3A_32 = tpu.memref_squeeze %dma_wait3A_31 : memref<1x79x128xi32, #tpu.memory_space<hbm>> -> memref<79x128xi32, #tpu.memory_space<hbm>>
      tpu.wait_dma2 semaphore(%run_scoped3A : memref<!tpu.dma_semaphore, #tpu.memory_space<semaphore_mem>>) src(%dma_wait3A_32 : memref<79x128xi32, #tpu.memory_space<hbm>>) dst(%arg7 : memref<79x128xi32, #tpu.memory_space<vmem>>)
      tpu.yield
    }) : () -> ()
    "tpu.region"() ({
      %run_scoped3A = tpu.sem_alloc : memref<!tpu.dma_semaphore, #tpu.memory_space<semaphore_mem>>
      %dma_start3A = arith.constant 0 : i32
      %dma_start3A_19 = arith.constant 0 : i32
      %dma_start3A_20 = tpu.memref_slice %arg4[%add3A, %dma_start3A, %dma_start3A_19] : memref<32x79x128xi32, #tpu.memory_space<hbm>> -> memref<1x79x128xi32, #tpu.memory_space<hbm>>
      %dma_start3A_21 = tpu.memref_squeeze %dma_start3A_20 : memref<1x79x128xi32, #tpu.memory_space<hbm>> -> memref<79x128xi32, #tpu.memory_space<hbm>>
      %dma_start3A_22 = arith.constant 0 : i32
      %dma_start3A_23 = arith.constant 0 : i32
      %dma_start3A_24 = tpu.memref_slice %arg4[%add3A, %dma_start3A_22, %dma_start3A_23] : memref<32x79x128xi32, #tpu.memory_space<hbm>> -> memref<1x79x128xi32, #tpu.memory_space<hbm>>
      %dma_start3A_25 = tpu.memref_squeeze %dma_start3A_24 : memref<1x79x128xi32, #tpu.memory_space<hbm>> -> memref<79x128xi32, #tpu.memory_space<hbm>>
      tpu.enqueue_dma source(%dma_start3A_25 : memref<79x128xi32, #tpu.memory_space<hbm>>) target(%arg8 : memref<79x128xi32, #tpu.memory_space<vmem>>) target_semaphore(%run_scoped3A : memref<!tpu.dma_semaphore, #tpu.memory_space<semaphore_mem>>)
      %dma_wait3A = arith.constant 0 : i32
      %dma_wait3A_26 = arith.constant 0 : i32
      %dma_wait3A_27 = tpu.memref_slice %arg4[%add3A, %dma_wait3A, %dma_wait3A_26] : memref<32x79x128xi32, #tpu.memory_space<hbm>> -> memref<1x79x128xi32, #tpu.memory_space<hbm>>
      %dma_wait3A_28 = tpu.memref_squeeze %dma_wait3A_27 : memref<1x79x128xi32, #tpu.memory_space<hbm>> -> memref<79x128xi32, #tpu.memory_space<hbm>>
      %dma_wait3A_29 = arith.constant 0 : i32
      %dma_wait3A_30 = arith.constant 0 : i32
      %dma_wait3A_31 = tpu.memref_slice %arg4[%add3A, %dma_wait3A_29, %dma_wait3A_30] : memref<32x79x128xi32, #tpu.memory_space<hbm>> -> memref<1x79x128xi32, #tpu.memory_space<hbm>>
      %dma_wait3A_32 = tpu.memref_squeeze %dma_wait3A_31 : memref<1x79x128xi32, #tpu.memory_space<hbm>> -> memref<79x128xi32, #tpu.memory_space<hbm>>
      tpu.wait_dma2 semaphore(%run_scoped3A : memref<!tpu.dma_semaphore, #tpu.memory_space<semaphore_mem>>) src(%dma_wait3A_32 : memref<79x128xi32, #tpu.memory_space<hbm>>) dst(%arg8 : memref<79x128xi32, #tpu.memory_space<vmem>>)
      tpu.yield
    }) : () -> ()
    %scan3A_6 = arith.constant 0 : i32
    %scan3A_7 = arith.constant 0 : i32
    %scan3A_8 = arith.constant 79 : i32
    %scan3A_9 = arith.addi %scan3A_7, %scan3A_8 : i32
    %scan3A_10 = arith.constant 1 : i32
    scf.for %scan3A_19 = %scan3A_7 to %scan3A_9 step %scan3A_10  : i32 {
      %dma_start3A = arith.constant 0 : i32
      %dma_start3A_20 = tpu.memref_slice %arg7[%scan3A_19, %dma_start3A] : memref<79x128xi32, #tpu.memory_space<vmem>> -> memref<1x128xi32, #tpu.memory_space<vmem>>
      %dma_start3A_21 = tpu.memref_squeeze %dma_start3A_20 : memref<1x128xi32, #tpu.memory_space<vmem>> -> memref<128xi32, #tpu.memory_space<vmem>>
      %dma_start3A_22 = arith.constant 0 : i32
      %dma_start3A_23 = arith.constant 0 : i32
      %dma_start3A_24 = tpu.memref_slice %arg2[%dma_start3A_22, %dma_start3A_23] : memref<10000x128xf32, #tpu.memory_space<hbm>> -> memref<10000x128xf32, #tpu.memory_space<hbm>>
      tpu.enqueue_indirect_dma source(%dma_start3A_24 : memref<10000x128xf32, #tpu.memory_space<hbm>>) target(%arg9 : memref<128x128xf32, #tpu.memory_space<vmem>>) offsets(%dma_start3A_21 : memref<128xi32, #tpu.memory_space<vmem>>) semaphore(%arg11 : memref<!tpu.dma_semaphore, #tpu.memory_space<semaphore_mem>>)
      %dma_wait3A = arith.constant 0 : i32
      %dma_wait3A_25 = tpu.memref_slice %arg7[%scan3A_19, %dma_wait3A] : memref<79x128xi32, #tpu.memory_space<vmem>> -> memref<1x128xi32, #tpu.memory_space<vmem>>
      %dma_wait3A_26 = tpu.memref_squeeze %dma_wait3A_25 : memref<1x128xi32, #tpu.memory_space<vmem>> -> memref<128xi32, #tpu.memory_space<vmem>>
      %dma_wait3A_27 = arith.constant 0 : i32
      %dma_wait3A_28 = arith.constant 0 : i32
      %dma_wait3A_29 = tpu.memref_slice %arg2[%dma_wait3A_27, %dma_wait3A_28] : memref<10000x128xf32, #tpu.memory_space<hbm>> -> memref<10000x128xf32, #tpu.memory_space<hbm>>
      tpu.wait_indirect_dma semaphore(%arg11 : memref<!tpu.dma_semaphore, #tpu.memory_space<semaphore_mem>>) src(%dma_wait3A_29 : memref<10000x128xf32, #tpu.memory_space<hbm>>) dst(%arg9 : memref<128x128xf32, #tpu.memory_space<vmem>>)
      "tpu.region"() ({
        %run_scoped3A = tpu.sem_alloc : memref<!tpu.dma_semaphore, #tpu.memory_space<semaphore_mem>>
        %dma_start3A_30 = arith.constant 0 : i32
        %dma_start3A_31 = tpu.memref_slice %arg8[%scan3A_19, %dma_start3A_30] : memref<79x128xi32, #tpu.memory_space<vmem>> -> memref<1x128xi32, #tpu.memory_space<vmem>>
        %dma_start3A_32 = tpu.memref_squeeze %dma_start3A_31 : memref<1x128xi32, #tpu.memory_space<vmem>> -> memref<128xi32, #tpu.memory_space<vmem>>
        %dma_start3A_33 = arith.constant 0 : i32
        %dma_start3A_34 = arith.constant 0 : i32
        %dma_start3A_35 = tpu.memref_slice %arg10[%dma_start3A_33, %dma_start3A_34] : memref<10240x128xf32, #tpu.memory_space<vmem_shared>> -> memref<10240x128xf32, #tpu.memory_space<vmem_shared>>
        tpu.enqueue_indirect_dma source(%arg9 : memref<128x128xf32, #tpu.memory_space<vmem>>) target(%dma_start3A_35 : memref<10240x128xf32, #tpu.memory_space<vmem_shared>>) offsets(%dma_start3A_32 : memref<128xi32, #tpu.memory_space<vmem>>) semaphore(%run_scoped3A : memref<!tpu.dma_semaphore, #tpu.memory_space<semaphore_mem>>) {add = true}
        %dma_wait3A_36 = arith.constant 0 : i32
        %dma_wait3A_37 = tpu.memref_slice %arg8[%scan3A_19, %dma_wait3A_36] : memref<79x128xi32, #tpu.memory_space<vmem>> -> memref<1x128xi32, #tpu.memory_space<vmem>>
        %dma_wait3A_38 = tpu.memref_squeeze %dma_wait3A_37 : memref<1x128xi32, #tpu.memory_space<vmem>> -> memref<128xi32, #tpu.memory_space<vmem>>
        %dma_wait3A_39 = arith.constant 0 : i32
        %dma_wait3A_40 = arith.constant 0 : i32
        %dma_wait3A_41 = tpu.memref_slice %arg10[%dma_wait3A_39, %dma_wait3A_40] : memref<10240x128xf32, #tpu.memory_space<vmem_shared>> -> memref<10240x128xf32, #tpu.memory_space<vmem_shared>>
        tpu.wait_indirect_dma semaphore(%run_scoped3A : memref<!tpu.dma_semaphore, #tpu.memory_space<semaphore_mem>>) src(%arg9 : memref<128x128xf32, #tpu.memory_space<vmem>>) dst(%dma_wait3A_41 : memref<10240x128xf32, #tpu.memory_space<vmem_shared>>)
        tpu.yield
      }) : () -> ()
    }
    %scan3A_11 = arith.constant 79 : i32
    %barrier3A_12 = arith.constant 0 : index
    tpu.barrier barrier_id(%barrier3A_12)
    %scan3A_13 = arith.constant 0 : i32
    %scan3A_14 = arith.constant 0 : i32
    %scan3A_15 = arith.constant 5 : i32
    %scan3A_16 = arith.addi %scan3A_14, %scan3A_15 : i32
    %scan3A_17 = arith.constant 1 : i32
    scf.for %scan3A_19 = %scan3A_14 to %scan3A_16 step %scan3A_17  : i32 {
      %mul3A_20 = arith.constant 640 : i32
      %mul3A_21 = arith.muli %arg1, %mul3A_20 : i32
      %mul3A_22 = arith.constant 128 : i32
      %mul3A_23 = arith.muli %scan3A_19, %mul3A_22 : i32
      %add3A_24 = arith.addi %mul3A_21, %mul3A_23 : i32
      "tpu.region"() ({
        %run_scoped3A = tpu.sem_alloc : memref<!tpu.dma_semaphore, #tpu.memory_space<semaphore_mem>>
        %dma_start3A = arith.constant 0 : i32
        %dma_start3A_25 = arith.constant 0 : i32
        %dma_start3A_26 = tpu.memref_slice %arg9[%dma_start3A, %dma_start3A_25] : memref<128x128xf32, #tpu.memory_space<vmem>> -> memref<128x128xf32, #tpu.memory_space<vmem>>
        %dma_start3A_27 = arith.constant 0 : i32
        %dma_start3A_28 = tpu.memref_slice %arg10[%add3A_24, %dma_start3A_27] : memref<10240x128xf32, #tpu.memory_space<vmem_shared>> -> memref<128x128xf32, #tpu.memory_space<vmem_shared>>
        %dma_start3A_29 = arith.constant 0 : i32
        %dma_start3A_30 = arith.constant 0 : i32
        %dma_start3A_31 = tpu.memref_slice %arg9[%dma_start3A_29, %dma_start3A_30] : memref<128x128xf32, #tpu.memory_space<vmem>> -> memref<128x128xf32, #tpu.memory_space<vmem>>
        %dma_start3A_32 = arith.constant 0 : i32
        %dma_start3A_33 = tpu.memref_slice %arg10[%add3A_24, %dma_start3A_32] : memref<10240x128xf32, #tpu.memory_space<vmem_shared>> -> memref<128x128xf32, #tpu.memory_space<vmem_shared>>
        tpu.enqueue_dma source(%dma_start3A_33 : memref<128x128xf32, #tpu.memory_space<vmem_shared>>) target(%dma_start3A_31 : memref<128x128xf32, #tpu.memory_space<vmem>>) target_semaphore(%run_scoped3A : memref<!tpu.dma_semaphore, #tpu.memory_space<semaphore_mem>>)
        %dma_wait3A = arith.constant 0 : i32
        %dma_wait3A_34 = arith.constant 0 : i32
        %dma_wait3A_35 = tpu.memref_slice %arg9[%dma_wait3A, %dma_wait3A_34] : memref<128x128xf32, #tpu.memory_space<vmem>> -> memref<128x128xf32, #tpu.memory_space<vmem>>
        %dma_wait3A_36 = arith.constant 0 : i32
        %dma_wait3A_37 = tpu.memref_slice %arg10[%add3A_24, %dma_wait3A_36] : memref<10240x128xf32, #tpu.memory_space<vmem_shared>> -> memref<128x128xf32, #tpu.memory_space<vmem_shared>>
        %dma_wait3A_38 = arith.constant 0 : i32
        %dma_wait3A_39 = arith.constant 0 : i32
        %dma_wait3A_40 = tpu.memref_slice %arg9[%dma_wait3A_38, %dma_wait3A_39] : memref<128x128xf32, #tpu.memory_space<vmem>> -> memref<128x128xf32, #tpu.memory_space<vmem>>
        %dma_wait3A_41 = arith.constant 0 : i32
        %dma_wait3A_42 = tpu.memref_slice %arg10[%add3A_24, %dma_wait3A_41] : memref<10240x128xf32, #tpu.memory_space<vmem_shared>> -> memref<128x128xf32, #tpu.memory_space<vmem_shared>>
        tpu.wait_dma2 semaphore(%run_scoped3A : memref<!tpu.dma_semaphore, #tpu.memory_space<semaphore_mem>>) src(%dma_wait3A_42 : memref<128x128xf32, #tpu.memory_space<vmem_shared>>) dst(%dma_wait3A_40 : memref<128x128xf32, #tpu.memory_space<vmem>>)
        tpu.yield
      }) : () -> ()
      "tpu.region"() ({
        %run_scoped3A = tpu.sem_alloc : memref<!tpu.dma_semaphore, #tpu.memory_space<semaphore_mem>>
        %dma_start3A = arith.constant 0 : i32
        %dma_start3A_25 = arith.constant 0 : i32
        %dma_start3A_26 = tpu.memref_slice %arg9[%dma_start3A, %dma_start3A_25] : memref<128x128xf32, #tpu.memory_space<vmem>> -> memref<128x128xf32, #tpu.memory_space<vmem>>
        %dma_start3A_27 = arith.constant 0 : i32
        %dma_start3A_28 = tpu.memref_slice %arg6[%arg0, %add3A_24, %dma_start3A_27] : memref<2x10240x128xf32, #tpu.memory_space<hbm>> -> memref<1x128x128xf32, #tpu.memory_space<hbm>>
        %dma_start3A_29 = tpu.memref_squeeze %dma_start3A_28 : memref<1x128x128xf32, #tpu.memory_space<hbm>> -> memref<128x128xf32, #tpu.memory_space<hbm>>
        %dma_start3A_30 = arith.constant 0 : i32
        %dma_start3A_31 = tpu.memref_slice %arg6[%arg0, %add3A_24, %dma_start3A_30] : memref<2x10240x128xf32, #tpu.memory_space<hbm>> -> memref<1x128x128xf32, #tpu.memory_space<hbm>>
        %dma_start3A_32 = tpu.memref_squeeze %dma_start3A_31 : memref<1x128x128xf32, #tpu.memory_space<hbm>> -> memref<128x128xf32, #tpu.memory_space<hbm>>
        %dma_start3A_33 = arith.constant 0 : i32
        %dma_start3A_34 = arith.constant 0 : i32
        %dma_start3A_35 = tpu.memref_slice %arg9[%dma_start3A_33, %dma_start3A_34] : memref<128x128xf32, #tpu.memory_space<vmem>> -> memref<128x128xf32, #tpu.memory_space<vmem>>
        tpu.enqueue_dma source(%dma_start3A_35 : memref<128x128xf32, #tpu.memory_space<vmem>>) target(%dma_start3A_32 : memref<128x128xf32, #tpu.memory_space<hbm>>) target_semaphore(%run_scoped3A : memref<!tpu.dma_semaphore, #tpu.memory_space<semaphore_mem>>)
        %dma_wait3A = arith.constant 0 : i32
        %dma_wait3A_36 = arith.constant 0 : i32
        %dma_wait3A_37 = tpu.memref_slice %arg9[%dma_wait3A, %dma_wait3A_36] : memref<128x128xf32, #tpu.memory_space<vmem>> -> memref<128x128xf32, #tpu.memory_space<vmem>>
        %dma_wait3A_38 = arith.constant 0 : i32
        %dma_wait3A_39 = tpu.memref_slice %arg6[%arg0, %add3A_24, %dma_wait3A_38] : memref<2x10240x128xf32, #tpu.memory_space<hbm>> -> memref<1x128x128xf32, #tpu.memory_space<hbm>>
        %dma_wait3A_40 = tpu.memref_squeeze %dma_wait3A_39 : memref<1x128x128xf32, #tpu.memory_space<hbm>> -> memref<128x128xf32, #tpu.memory_space<hbm>>
        %dma_wait3A_41 = arith.constant 0 : i32
        %dma_wait3A_42 = tpu.memref_slice %arg6[%arg0, %add3A_24, %dma_wait3A_41] : memref<2x10240x128xf32, #tpu.memory_space<hbm>> -> memref<1x128x128xf32, #tpu.memory_space<hbm>>
        %dma_wait3A_43 = tpu.memref_squeeze %dma_wait3A_42 : memref<1x128x128xf32, #tpu.memory_space<hbm>> -> memref<128x128xf32, #tpu.memory_space<hbm>>
        %dma_wait3A_44 = arith.constant 0 : i32
        %dma_wait3A_45 = arith.constant 0 : i32
        %dma_wait3A_46 = tpu.memref_slice %arg9[%dma_wait3A_44, %dma_wait3A_45] : memref<128x128xf32, #tpu.memory_space<vmem>> -> memref<128x128xf32, #tpu.memory_space<vmem>>
        tpu.wait_dma2 semaphore(%run_scoped3A : memref<!tpu.dma_semaphore, #tpu.memory_space<semaphore_mem>>) src(%dma_wait3A_46 : memref<128x128xf32, #tpu.memory_space<vmem>>) dst(%dma_wait3A_43 : memref<128x128xf32, #tpu.memory_space<hbm>>)
        tpu.yield
      }) : () -> ()
    }
    %scan3A_18 = arith.constant 5 : i32
    return
  }
}

#map = affine_map<(d0, d1) -> (0, 0)>
#map1 = affine_map<(d0, d1) -> (0, 0, 0)>
module attributes {stable_mosaic.version = 14 : i64} {
  func.func @_seg_sum_sc_body(%arg0: i32, %arg1: i32, %arg2: memref<10000x128xf32, #tpu.memory_space<hbm>>, %arg3: memref<32x79x128xi32, #tpu.memory_space<hbm>>, %arg4: memref<32x79x128xi32, #tpu.memory_space<hbm>>, %arg5: memref<128x128xf32, #tpu.memory_space<hbm>>, %arg6: memref<2x10240x128xf32, #tpu.memory_space<hbm>>, %arg7: memref<79x128xi32, #tpu.memory_space<vmem>>, %arg8: memref<79x128xi32, #tpu.memory_space<vmem>>, %arg9: memref<128x128xf32, #tpu.memory_space<vmem>>, %arg10: memref<10240x128xf32, #tpu.memory_space<vmem_shared>>, %arg11: memref<!tpu.dma_semaphore, #tpu.memory_space<semaphore_mem>>) attributes {dimension_semantics = [#tpu.dimension_semantics<core_parallel>, #tpu.dimension_semantics<subcore_parallel>], iteration_bounds = array<i64: 2, 16>, scalar_prefetch = 0 : i64, scratch_operands = 5 : i64, tpu.core_type = #tpu.core_type<sc_vector_subcore>, window_params = [{transform_indices = #map}, {transform_indices = #map1}, {transform_indices = #map1}, {transform_indices = #map}, {transform_indices = #map1}]} {
    %mul3A = arith.constant 2 : i32
    %mul3A_0 = arith.muli %arg1, %mul3A : i32
    %add3A = arith.addi %mul3A_0, %arg0 : i32
    "tpu.region"() ({
      %run_scoped3A = tpu.sem_alloc : memref<!tpu.dma_semaphore, #tpu.memory_space<semaphore_mem>>
      tpu.enqueue_dma source(%arg5 : memref<128x128xf32, #tpu.memory_space<hbm>>) target(%arg9 : memref<128x128xf32, #tpu.memory_space<vmem>>) target_semaphore(%run_scoped3A : memref<!tpu.dma_semaphore, #tpu.memory_space<semaphore_mem>>)
      tpu.wait_dma2 semaphore(%run_scoped3A : memref<!tpu.dma_semaphore, #tpu.memory_space<semaphore_mem>>) src(%arg5 : memref<128x128xf32, #tpu.memory_space<hbm>>) dst(%arg9 : memref<128x128xf32, #tpu.memory_space<vmem>>)
      tpu.yield
    }) : () -> ()
    %scan3A = arith.constant 0 : i32
    %scan3A_1 = arith.constant 0 : i32
    %scan3A_2 = arith.constant 5 : i32
    %scan3A_3 = arith.addi %scan3A_1, %scan3A_2 : i32
    %scan3A_4 = arith.constant 1 : i32
    scf.for %scan3A_19 = %scan3A_1 to %scan3A_3 step %scan3A_4  : i32 {
      %mul3A_20 = arith.constant 640 : i32
      %mul3A_21 = arith.muli %arg1, %mul3A_20 : i32
      %mul3A_22 = arith.constant 128 : i32
      %mul3A_23 = arith.muli %scan3A_19, %mul3A_22 : i32
      %add3A_24 = arith.addi %mul3A_21, %mul3A_23 : i32
      "tpu.region"() ({
        %run_scoped3A = tpu.sem_alloc : memref<!tpu.dma_semaphore, #tpu.memory_space<semaphore_mem>>
        %dma_start3A = arith.constant 0 : i32
        %dma_start3A_25 = arith.constant 0 : i32
        %dma_start3A_26 = tpu.memref_slice %arg9[%dma_start3A, %dma_start3A_25] : memref<128x128xf32, #tpu.memory_space<vmem>> -> memref<128x128xf32, #tpu.memory_space<vmem>>
        %dma_start3A_27 = arith.constant 0 : i32
        %dma_start3A_28 = tpu.memref_slice %arg10[%add3A_24, %dma_start3A_27] : memref<10240x128xf32, #tpu.memory_space<vmem_shared>> -> memref<128x128xf32, #tpu.memory_space<vmem_shared>>
        %dma_start3A_29 = arith.constant 0 : i32
        %dma_start3A_30 = tpu.memref_slice %arg10[%add3A_24, %dma_start3A_29] : memref<10240x128xf32, #tpu.memory_space<vmem_shared>> -> memref<128x128xf32, #tpu.memory_space<vmem_shared>>
        %dma_start3A_31 = arith.constant 0 : i32
        %dma_start3A_32 = arith.constant 0 : i32
        %dma_start3A_33 = tpu.memref_slice %arg9[%dma_start3A_31, %dma_start3A_32] : memref<128x128xf32, #tpu.memory_space<vmem>> -> memref<128x128xf32, #tpu.memory_space<vmem>>
        tpu.enqueue_dma source(%dma_start3A_33 : memref<128x128xf32, #tpu.memory_space<vmem>>) target(%dma_start3A_30 : memref<128x128xf32, #tpu.memory_space<vmem_shared>>) target_semaphore(%run_scoped3A : memref<!tpu.dma_semaphore, #tpu.memory_space<semaphore_mem>>)
        %dma_wait3A = arith.constant 0 : i32
        %dma_wait3A_34 = arith.constant 0 : i32
        %dma_wait3A_35 = tpu.memref_slice %arg9[%dma_wait3A, %dma_wait3A_34] : memref<128x128xf32, #tpu.memory_space<vmem>> -> memref<128x128xf32, #tpu.memory_space<vmem>>
        %dma_wait3A_36 = arith.constant 0 : i32
        %dma_wait3A_37 = tpu.memref_slice %arg10[%add3A_24, %dma_wait3A_36] : memref<10240x128xf32, #tpu.memory_space<vmem_shared>> -> memref<128x128xf32, #tpu.memory_space<vmem_shared>>
        %dma_wait3A_38 = arith.constant 0 : i32
        %dma_wait3A_39 = tpu.memref_slice %arg10[%add3A_24, %dma_wait3A_38] : memref<10240x128xf32, #tpu.memory_space<vmem_shared>> -> memref<128x128xf32, #tpu.memory_space<vmem_shared>>
        %dma_wait3A_40 = arith.constant 0 : i32
        %dma_wait3A_41 = arith.constant 0 : i32
        %dma_wait3A_42 = tpu.memref_slice %arg9[%dma_wait3A_40, %dma_wait3A_41] : memref<128x128xf32, #tpu.memory_space<vmem>> -> memref<128x128xf32, #tpu.memory_space<vmem>>
        tpu.wait_dma2 semaphore(%run_scoped3A : memref<!tpu.dma_semaphore, #tpu.memory_space<semaphore_mem>>) src(%dma_wait3A_42 : memref<128x128xf32, #tpu.memory_space<vmem>>) dst(%dma_wait3A_39 : memref<128x128xf32, #tpu.memory_space<vmem_shared>>)
        tpu.yield
      }) : () -> ()
    }
    %scan3A_5 = arith.constant 5 : i32
    %barrier3A = arith.constant 0 : index
    tpu.barrier barrier_id(%barrier3A)
    "tpu.region"() ({
      %run_scoped3A = tpu.sem_alloc : memref<!tpu.dma_semaphore, #tpu.memory_space<semaphore_mem>>
      %dma_start3A = arith.constant 0 : i32
      %dma_start3A_19 = arith.constant 0 : i32
      %dma_start3A_20 = tpu.memref_slice %arg3[%add3A, %dma_start3A, %dma_start3A_19] : memref<32x79x128xi32, #tpu.memory_space<hbm>> -> memref<1x79x128xi32, #tpu.memory_space<hbm>>
      %dma_start3A_21 = tpu.memref_squeeze %dma_start3A_20 : memref<1x79x128xi32, #tpu.memory_space<hbm>> -> memref<79x128xi32, #tpu.memory_space<hbm>>
      %dma_start3A_22 = arith.constant 0 : i32
      %dma_start3A_23 = arith.constant 0 : i32
      %dma_start3A_24 = tpu.memref_slice %arg3[%add3A, %dma_start3A_22, %dma_start3A_23] : memref<32x79x128xi32, #tpu.memory_space<hbm>> -> memref<1x79x128xi32, #tpu.memory_space<hbm>>
      %dma_start3A_25 = tpu.memref_squeeze %dma_start3A_24 : memref<1x79x128xi32, #tpu.memory_space<hbm>> -> memref<79x128xi32, #tpu.memory_space<hbm>>
      tpu.enqueue_dma source(%dma_start3A_25 : memref<79x128xi32, #tpu.memory_space<hbm>>) target(%arg7 : memref<79x128xi32, #tpu.memory_space<vmem>>) target_semaphore(%run_scoped3A : memref<!tpu.dma_semaphore, #tpu.memory_space<semaphore_mem>>)
      %dma_wait3A = arith.constant 0 : i32
      %dma_wait3A_26 = arith.constant 0 : i32
      %dma_wait3A_27 = tpu.memref_slice %arg3[%add3A, %dma_wait3A, %dma_wait3A_26] : memref<32x79x128xi32, #tpu.memory_space<hbm>> -> memref<1x79x128xi32, #tpu.memory_space<hbm>>
      %dma_wait3A_28 = tpu.memref_squeeze %dma_wait3A_27 : memref<1x79x128xi32, #tpu.memory_space<hbm>> -> memref<79x128xi32, #tpu.memory_space<hbm>>
      %dma_wait3A_29 = arith.constant 0 : i32
      %dma_wait3A_30 = arith.constant 0 : i32
      %dma_wait3A_31 = tpu.memref_slice %arg3[%add3A, %dma_wait3A_29, %dma_wait3A_30] : memref<32x79x128xi32, #tpu.memory_space<hbm>> -> memref<1x79x128xi32, #tpu.memory_space<hbm>>
      %dma_wait3A_32 = tpu.memref_squeeze %dma_wait3A_31 : memref<1x79x128xi32, #tpu.memory_space<hbm>> -> memref<79x128xi32, #tpu.memory_space<hbm>>
      tpu.wait_dma2 semaphore(%run_scoped3A : memref<!tpu.dma_semaphore, #tpu.memory_space<semaphore_mem>>) src(%dma_wait3A_32 : memref<79x128xi32, #tpu.memory_space<hbm>>) dst(%arg7 : memref<79x128xi32, #tpu.memory_space<vmem>>)
      tpu.yield
    }) : () -> ()
    "tpu.region"() ({
      %run_scoped3A = tpu.sem_alloc : memref<!tpu.dma_semaphore, #tpu.memory_space<semaphore_mem>>
      %dma_start3A = arith.constant 0 : i32
      %dma_start3A_19 = arith.constant 0 : i32
      %dma_start3A_20 = tpu.memref_slice %arg4[%add3A, %dma_start3A, %dma_start3A_19] : memref<32x79x128xi32, #tpu.memory_space<hbm>> -> memref<1x79x128xi32, #tpu.memory_space<hbm>>
      %dma_start3A_21 = tpu.memref_squeeze %dma_start3A_20 : memref<1x79x128xi32, #tpu.memory_space<hbm>> -> memref<79x128xi32, #tpu.memory_space<hbm>>
      %dma_start3A_22 = arith.constant 0 : i32
      %dma_start3A_23 = arith.constant 0 : i32
      %dma_start3A_24 = tpu.memref_slice %arg4[%add3A, %dma_start3A_22, %dma_start3A_23] : memref<32x79x128xi32, #tpu.memory_space<hbm>> -> memref<1x79x128xi32, #tpu.memory_space<hbm>>
      %dma_start3A_25 = tpu.memref_squeeze %dma_start3A_24 : memref<1x79x128xi32, #tpu.memory_space<hbm>> -> memref<79x128xi32, #tpu.memory_space<hbm>>
      tpu.enqueue_dma source(%dma_start3A_25 : memref<79x128xi32, #tpu.memory_space<hbm>>) target(%arg8 : memref<79x128xi32, #tpu.memory_space<vmem>>) target_semaphore(%run_scoped3A : memref<!tpu.dma_semaphore, #tpu.memory_space<semaphore_mem>>)
      %dma_wait3A = arith.constant 0 : i32
      %dma_wait3A_26 = arith.constant 0 : i32
      %dma_wait3A_27 = tpu.memref_slice %arg4[%add3A, %dma_wait3A, %dma_wait3A_26] : memref<32x79x128xi32, #tpu.memory_space<hbm>> -> memref<1x79x128xi32, #tpu.memory_space<hbm>>
      %dma_wait3A_28 = tpu.memref_squeeze %dma_wait3A_27 : memref<1x79x128xi32, #tpu.memory_space<hbm>> -> memref<79x128xi32, #tpu.memory_space<hbm>>
      %dma_wait3A_29 = arith.constant 0 : i32
      %dma_wait3A_30 = arith.constant 0 : i32
      %dma_wait3A_31 = tpu.memref_slice %arg4[%add3A, %dma_wait3A_29, %dma_wait3A_30] : memref<32x79x128xi32, #tpu.memory_space<hbm>> -> memref<1x79x128xi32, #tpu.memory_space<hbm>>
      %dma_wait3A_32 = tpu.memref_squeeze %dma_wait3A_31 : memref<1x79x128xi32, #tpu.memory_space<hbm>> -> memref<79x128xi32, #tpu.memory_space<hbm>>
      tpu.wait_dma2 semaphore(%run_scoped3A : memref<!tpu.dma_semaphore, #tpu.memory_space<semaphore_mem>>) src(%dma_wait3A_32 : memref<79x128xi32, #tpu.memory_space<hbm>>) dst(%arg8 : memref<79x128xi32, #tpu.memory_space<vmem>>)
      tpu.yield
    }) : () -> ()
    %scan3A_6 = arith.constant 0 : i32
    %scan3A_7 = arith.constant 0 : i32
    %scan3A_8 = arith.constant 79 : i32
    %scan3A_9 = arith.addi %scan3A_7, %scan3A_8 : i32
    %scan3A_10 = arith.constant 1 : i32
    scf.for %scan3A_19 = %scan3A_7 to %scan3A_9 step %scan3A_10  : i32 {
      %dma_start3A = arith.constant 0 : i32
      %dma_start3A_20 = tpu.memref_slice %arg7[%scan3A_19, %dma_start3A] : memref<79x128xi32, #tpu.memory_space<vmem>> -> memref<1x128xi32, #tpu.memory_space<vmem>>
      %dma_start3A_21 = tpu.memref_squeeze %dma_start3A_20 : memref<1x128xi32, #tpu.memory_space<vmem>> -> memref<128xi32, #tpu.memory_space<vmem>>
      %dma_start3A_22 = arith.constant 0 : i32
      %dma_start3A_23 = arith.constant 0 : i32
      %dma_start3A_24 = tpu.memref_slice %arg2[%dma_start3A_22, %dma_start3A_23] : memref<10000x128xf32, #tpu.memory_space<hbm>> -> memref<10000x128xf32, #tpu.memory_space<hbm>>
      tpu.enqueue_indirect_dma source(%dma_start3A_24 : memref<10000x128xf32, #tpu.memory_space<hbm>>) target(%arg9 : memref<128x128xf32, #tpu.memory_space<vmem>>) offsets(%dma_start3A_21 : memref<128xi32, #tpu.memory_space<vmem>>) semaphore(%arg11 : memref<!tpu.dma_semaphore, #tpu.memory_space<semaphore_mem>>)
      %dma_wait3A = arith.constant 0 : i32
      %dma_wait3A_25 = tpu.memref_slice %arg7[%scan3A_19, %dma_wait3A] : memref<79x128xi32, #tpu.memory_space<vmem>> -> memref<1x128xi32, #tpu.memory_space<vmem>>
      %dma_wait3A_26 = tpu.memref_squeeze %dma_wait3A_25 : memref<1x128xi32, #tpu.memory_space<vmem>> -> memref<128xi32, #tpu.memory_space<vmem>>
      %dma_wait3A_27 = arith.constant 0 : i32
      %dma_wait3A_28 = arith.constant 0 : i32
      %dma_wait3A_29 = tpu.memref_slice %arg2[%dma_wait3A_27, %dma_wait3A_28] : memref<10000x128xf32, #tpu.memory_space<hbm>> -> memref<10000x128xf32, #tpu.memory_space<hbm>>
      tpu.wait_indirect_dma semaphore(%arg11 : memref<!tpu.dma_semaphore, #tpu.memory_space<semaphore_mem>>) src(%dma_wait3A_29 : memref<10000x128xf32, #tpu.memory_space<hbm>>) dst(%arg9 : memref<128x128xf32, #tpu.memory_space<vmem>>)
      "tpu.region"() ({
        %run_scoped3A = tpu.sem_alloc : memref<!tpu.dma_semaphore, #tpu.memory_space<semaphore_mem>>
        %dma_start3A_30 = arith.constant 0 : i32
        %dma_start3A_31 = tpu.memref_slice %arg8[%scan3A_19, %dma_start3A_30] : memref<79x128xi32, #tpu.memory_space<vmem>> -> memref<1x128xi32, #tpu.memory_space<vmem>>
        %dma_start3A_32 = tpu.memref_squeeze %dma_start3A_31 : memref<1x128xi32, #tpu.memory_space<vmem>> -> memref<128xi32, #tpu.memory_space<vmem>>
        %dma_start3A_33 = arith.constant 0 : i32
        %dma_start3A_34 = arith.constant 0 : i32
        %dma_start3A_35 = tpu.memref_slice %arg10[%dma_start3A_33, %dma_start3A_34] : memref<10240x128xf32, #tpu.memory_space<vmem_shared>> -> memref<10240x128xf32, #tpu.memory_space<vmem_shared>>
        tpu.enqueue_indirect_dma source(%arg9 : memref<128x128xf32, #tpu.memory_space<vmem>>) target(%dma_start3A_35 : memref<10240x128xf32, #tpu.memory_space<vmem_shared>>) offsets(%dma_start3A_32 : memref<128xi32, #tpu.memory_space<vmem>>) semaphore(%run_scoped3A : memref<!tpu.dma_semaphore, #tpu.memory_space<semaphore_mem>>) {add = true}
        %dma_wait3A_36 = arith.constant 0 : i32
        %dma_wait3A_37 = tpu.memref_slice %arg8[%scan3A_19, %dma_wait3A_36] : memref<79x128xi32, #tpu.memory_space<vmem>> -> memref<1x128xi32, #tpu.memory_space<vmem>>
        %dma_wait3A_38 = tpu.memref_squeeze %dma_wait3A_37 : memref<1x128xi32, #tpu.memory_space<vmem>> -> memref<128xi32, #tpu.memory_space<vmem>>
        %dma_wait3A_39 = arith.constant 0 : i32
        %dma_wait3A_40 = arith.constant 0 : i32
        %dma_wait3A_41 = tpu.memref_slice %arg10[%dma_wait3A_39, %dma_wait3A_40] : memref<10240x128xf32, #tpu.memory_space<vmem_shared>> -> memref<10240x128xf32, #tpu.memory_space<vmem_shared>>
        tpu.wait_indirect_dma semaphore(%run_scoped3A : memref<!tpu.dma_semaphore, #tpu.memory_space<semaphore_mem>>) src(%arg9 : memref<128x128xf32, #tpu.memory_space<vmem>>) dst(%dma_wait3A_41 : memref<10240x128xf32, #tpu.memory_space<vmem_shared>>)
        tpu.yield
      }) : () -> ()
    }
    %scan3A_11 = arith.constant 79 : i32
    %barrier3A_12 = arith.constant 0 : index
    tpu.barrier barrier_id(%barrier3A_12)
    %scan3A_13 = arith.constant 0 : i32
    %scan3A_14 = arith.constant 0 : i32
    %scan3A_15 = arith.constant 5 : i32
    %scan3A_16 = arith.addi %scan3A_14, %scan3A_15 : i32
    %scan3A_17 = arith.constant 1 : i32
    scf.for %scan3A_19 = %scan3A_14 to %scan3A_16 step %scan3A_17  : i32 {
      %mul3A_20 = arith.constant 640 : i32
      %mul3A_21 = arith.muli %arg1, %mul3A_20 : i32
      %mul3A_22 = arith.constant 128 : i32
      %mul3A_23 = arith.muli %scan3A_19, %mul3A_22 : i32
      %add3A_24 = arith.addi %mul3A_21, %mul3A_23 : i32
      "tpu.region"() ({
        %run_scoped3A = tpu.sem_alloc : memref<!tpu.dma_semaphore, #tpu.memory_space<semaphore_mem>>
        %dma_start3A = arith.constant 0 : i32
        %dma_start3A_25 = arith.constant 0 : i32
        %dma_start3A_26 = tpu.memref_slice %arg9[%dma_start3A, %dma_start3A_25] : memref<128x128xf32, #tpu.memory_space<vmem>> -> memref<128x128xf32, #tpu.memory_space<vmem>>
        %dma_start3A_27 = arith.constant 0 : i32
        %dma_start3A_28 = tpu.memref_slice %arg10[%add3A_24, %dma_start3A_27] : memref<10240x128xf32, #tpu.memory_space<vmem_shared>> -> memref<128x128xf32, #tpu.memory_space<vmem_shared>>
        %dma_start3A_29 = arith.constant 0 : i32
        %dma_start3A_30 = arith.constant 0 : i32
        %dma_start3A_31 = tpu.memref_slice %arg9[%dma_start3A_29, %dma_start3A_30] : memref<128x128xf32, #tpu.memory_space<vmem>> -> memref<128x128xf32, #tpu.memory_space<vmem>>
        %dma_start3A_32 = arith.constant 0 : i32
        %dma_start3A_33 = tpu.memref_slice %arg10[%add3A_24, %dma_start3A_32] : memref<10240x128xf32, #tpu.memory_space<vmem_shared>> -> memref<128x128xf32, #tpu.memory_space<vmem_shared>>
        tpu.enqueue_dma source(%dma_start3A_33 : memref<128x128xf32, #tpu.memory_space<vmem_shared>>) target(%dma_start3A_31 : memref<128x128xf32, #tpu.memory_space<vmem>>) target_semaphore(%run_scoped3A : memref<!tpu.dma_semaphore, #tpu.memory_space<semaphore_mem>>)
        %dma_wait3A = arith.constant 0 : i32
        %dma_wait3A_34 = arith.constant 0 : i32
        %dma_wait3A_35 = tpu.memref_slice %arg9[%dma_wait3A, %dma_wait3A_34] : memref<128x128xf32, #tpu.memory_space<vmem>> -> memref<128x128xf32, #tpu.memory_space<vmem>>
        %dma_wait3A_36 = arith.constant 0 : i32
        %dma_wait3A_37 = tpu.memref_slice %arg10[%add3A_24, %dma_wait3A_36] : memref<10240x128xf32, #tpu.memory_space<vmem_shared>> -> memref<128x128xf32, #tpu.memory_space<vmem_shared>>
        %dma_wait3A_38 = arith.constant 0 : i32
        %dma_wait3A_39 = arith.constant 0 : i32
        %dma_wait3A_40 = tpu.memref_slice %arg9[%dma_wait3A_38, %dma_wait3A_39] : memref<128x128xf32, #tpu.memory_space<vmem>> -> memref<128x128xf32, #tpu.memory_space<vmem>>
        %dma_wait3A_41 = arith.constant 0 : i32
        %dma_wait3A_42 = tpu.memref_slice %arg10[%add3A_24, %dma_wait3A_41] : memref<10240x128xf32, #tpu.memory_space<vmem_shared>> -> memref<128x128xf32, #tpu.memory_space<vmem_shared>>
        tpu.wait_dma2 semaphore(%run_scoped3A : memref<!tpu.dma_semaphore, #tpu.memory_space<semaphore_mem>>) src(%dma_wait3A_42 : memref<128x128xf32, #tpu.memory_space<vmem_shared>>) dst(%dma_wait3A_40 : memref<128x128xf32, #tpu.memory_space<vmem>>)
        tpu.yield
      }) : () -> ()
      "tpu.region"() ({
        %run_scoped3A = tpu.sem_alloc : memref<!tpu.dma_semaphore, #tpu.memory_space<semaphore_mem>>
        %dma_start3A = arith.constant 0 : i32
        %dma_start3A_25 = arith.constant 0 : i32
        %dma_start3A_26 = tpu.memref_slice %arg9[%dma_start3A, %dma_start3A_25] : memref<128x128xf32, #tpu.memory_space<vmem>> -> memref<128x128xf32, #tpu.memory_space<vmem>>
        %dma_start3A_27 = arith.constant 0 : i32
        %dma_start3A_28 = tpu.memref_slice %arg6[%arg0, %add3A_24, %dma_start3A_27] : memref<2x10240x128xf32, #tpu.memory_space<hbm>> -> memref<1x128x128xf32, #tpu.memory_space<hbm>>
        %dma_start3A_29 = tpu.memref_squeeze %dma_start3A_28 : memref<1x128x128xf32, #tpu.memory_space<hbm>> -> memref<128x128xf32, #tpu.memory_space<hbm>>
        %dma_start3A_30 = arith.constant 0 : i32
        %dma_start3A_31 = tpu.memref_slice %arg6[%arg0, %add3A_24, %dma_start3A_30] : memref<2x10240x128xf32, #tpu.memory_space<hbm>> -> memref<1x128x128xf32, #tpu.memory_space<hbm>>
        %dma_start3A_32 = tpu.memref_squeeze %dma_start3A_31 : memref<1x128x128xf32, #tpu.memory_space<hbm>> -> memref<128x128xf32, #tpu.memory_space<hbm>>
        %dma_start3A_33 = arith.constant 0 : i32
        %dma_start3A_34 = arith.constant 0 : i32
        %dma_start3A_35 = tpu.memref_slice %arg9[%dma_start3A_33, %dma_start3A_34] : memref<128x128xf32, #tpu.memory_space<vmem>> -> memref<128x128xf32, #tpu.memory_space<vmem>>
        tpu.enqueue_dma source(%dma_start3A_35 : memref<128x128xf32, #tpu.memory_space<vmem>>) target(%dma_start3A_32 : memref<128x128xf32, #tpu.memory_space<hbm>>) target_semaphore(%run_scoped3A : memref<!tpu.dma_semaphore, #tpu.memory_space<semaphore_mem>>)
        %dma_wait3A = arith.constant 0 : i32
        %dma_wait3A_36 = arith.constant 0 : i32
        %dma_wait3A_37 = tpu.memref_slice %arg9[%dma_wait3A, %dma_wait3A_36] : memref<128x128xf32, #tpu.memory_space<vmem>> -> memref<128x128xf32, #tpu.memory_space<vmem>>
        %dma_wait3A_38 = arith.constant 0 : i32
        %dma_wait3A_39 = tpu.memref_slice %arg6[%arg0, %add3A_24, %dma_wait3A_38] : memref<2x10240x128xf32, #tpu.memory_space<hbm>> -> memref<1x128x128xf32, #tpu.memory_space<hbm>>
        %dma_wait3A_40 = tpu.memref_squeeze %dma_wait3A_39 : memref<1x128x128xf32, #tpu.memory_space<hbm>> -> memref<128x128xf32, #tpu.memory_space<hbm>>
        %dma_wait3A_41 = arith.constant 0 : i32
        %dma_wait3A_42 = tpu.memref_slice %arg6[%arg0, %add3A_24, %dma_wait3A_41] : memref<2x10240x128xf32, #tpu.memory_space<hbm>> -> memref<1x128x128xf32, #tpu.memory_space<hbm>>
        %dma_wait3A_43 = tpu.memref_squeeze %dma_wait3A_42 : memref<1x128x128xf32, #tpu.memory_space<hbm>> -> memref<128x128xf32, #tpu.memory_space<hbm>>
        %dma_wait3A_44 = arith.constant 0 : i32
        %dma_wait3A_45 = arith.constant 0 : i32
        %dma_wait3A_46 = tpu.memref_slice %arg9[%dma_wait3A_44, %dma_wait3A_45] : memref<128x128xf32, #tpu.memory_space<vmem>> -> memref<128x128xf32, #tpu.memory_space<vmem>>
        tpu.wait_dma2 semaphore(%run_scoped3A : memref<!tpu.dma_semaphore, #tpu.memory_space<semaphore_mem>>) src(%dma_wait3A_46 : memref<128x128xf32, #tpu.memory_space<vmem>>) dst(%dma_wait3A_43 : memref<128x128xf32, #tpu.memory_space<hbm>>)
        tpu.yield
      }) : () -> ()
    }
    %scan3A_18 = arith.constant 5 : i32
    return
  }
}

#map = affine_map<(d0, d1) -> (0, 0)>
#map1 = affine_map<(d0, d1) -> (0, 0, 0)>
module attributes {stable_mosaic.version = 14 : i64} {
  func.func @_seg_sum_sc_body(%arg0: i32, %arg1: i32, %arg2: memref<10000x128xf32, #tpu.memory_space<hbm>>, %arg3: memref<32x79x128xi32, #tpu.memory_space<hbm>>, %arg4: memref<32x79x128xi32, #tpu.memory_space<hbm>>, %arg5: memref<128x128xf32, #tpu.memory_space<hbm>>, %arg6: memref<2x10240x128xf32, #tpu.memory_space<hbm>>, %arg7: memref<79x128xi32, #tpu.memory_space<vmem>>, %arg8: memref<79x128xi32, #tpu.memory_space<vmem>>, %arg9: memref<128x128xf32, #tpu.memory_space<vmem>>, %arg10: memref<10240x128xf32, #tpu.memory_space<vmem_shared>>, %arg11: memref<!tpu.dma_semaphore, #tpu.memory_space<semaphore_mem>>) attributes {dimension_semantics = [#tpu.dimension_semantics<core_parallel>, #tpu.dimension_semantics<subcore_parallel>], iteration_bounds = array<i64: 2, 16>, scalar_prefetch = 0 : i64, scratch_operands = 5 : i64, tpu.core_type = #tpu.core_type<sc_vector_subcore>, window_params = [{transform_indices = #map}, {transform_indices = #map1}, {transform_indices = #map1}, {transform_indices = #map}, {transform_indices = #map1}]} {
    %mul3A = arith.constant 2 : i32
    %mul3A_0 = arith.muli %arg1, %mul3A : i32
    %add3A = arith.addi %mul3A_0, %arg0 : i32
    "tpu.region"() ({
      %run_scoped3A = tpu.sem_alloc : memref<!tpu.dma_semaphore, #tpu.memory_space<semaphore_mem>>
      tpu.enqueue_dma source(%arg5 : memref<128x128xf32, #tpu.memory_space<hbm>>) target(%arg9 : memref<128x128xf32, #tpu.memory_space<vmem>>) target_semaphore(%run_scoped3A : memref<!tpu.dma_semaphore, #tpu.memory_space<semaphore_mem>>)
      tpu.wait_dma2 semaphore(%run_scoped3A : memref<!tpu.dma_semaphore, #tpu.memory_space<semaphore_mem>>) src(%arg5 : memref<128x128xf32, #tpu.memory_space<hbm>>) dst(%arg9 : memref<128x128xf32, #tpu.memory_space<vmem>>)
      tpu.yield
    }) : () -> ()
    %scan3A = arith.constant 0 : i32
    %scan3A_1 = arith.constant 0 : i32
    %scan3A_2 = arith.constant 5 : i32
    %scan3A_3 = arith.addi %scan3A_1, %scan3A_2 : i32
    %scan3A_4 = arith.constant 1 : i32
    scf.for %scan3A_19 = %scan3A_1 to %scan3A_3 step %scan3A_4  : i32 {
      %mul3A_20 = arith.constant 640 : i32
      %mul3A_21 = arith.muli %arg1, %mul3A_20 : i32
      %mul3A_22 = arith.constant 128 : i32
      %mul3A_23 = arith.muli %scan3A_19, %mul3A_22 : i32
      %add3A_24 = arith.addi %mul3A_21, %mul3A_23 : i32
      "tpu.region"() ({
        %run_scoped3A = tpu.sem_alloc : memref<!tpu.dma_semaphore, #tpu.memory_space<semaphore_mem>>
        %dma_start3A = arith.constant 0 : i32
        %dma_start3A_25 = arith.constant 0 : i32
        %dma_start3A_26 = tpu.memref_slice %arg9[%dma_start3A, %dma_start3A_25] : memref<128x128xf32, #tpu.memory_space<vmem>> -> memref<128x128xf32, #tpu.memory_space<vmem>>
        %dma_start3A_27 = arith.constant 0 : i32
        %dma_start3A_28 = tpu.memref_slice %arg10[%add3A_24, %dma_start3A_27] : memref<10240x128xf32, #tpu.memory_space<vmem_shared>> -> memref<128x128xf32, #tpu.memory_space<vmem_shared>>
        %dma_start3A_29 = arith.constant 0 : i32
        %dma_start3A_30 = tpu.memref_slice %arg10[%add3A_24, %dma_start3A_29] : memref<10240x128xf32, #tpu.memory_space<vmem_shared>> -> memref<128x128xf32, #tpu.memory_space<vmem_shared>>
        %dma_start3A_31 = arith.constant 0 : i32
        %dma_start3A_32 = arith.constant 0 : i32
        %dma_start3A_33 = tpu.memref_slice %arg9[%dma_start3A_31, %dma_start3A_32] : memref<128x128xf32, #tpu.memory_space<vmem>> -> memref<128x128xf32, #tpu.memory_space<vmem>>
        tpu.enqueue_dma source(%dma_start3A_33 : memref<128x128xf32, #tpu.memory_space<vmem>>) target(%dma_start3A_30 : memref<128x128xf32, #tpu.memory_space<vmem_shared>>) target_semaphore(%run_scoped3A : memref<!tpu.dma_semaphore, #tpu.memory_space<semaphore_mem>>)
        %dma_wait3A = arith.constant 0 : i32
        %dma_wait3A_34 = arith.constant 0 : i32
        %dma_wait3A_35 = tpu.memref_slice %arg9[%dma_wait3A, %dma_wait3A_34] : memref<128x128xf32, #tpu.memory_space<vmem>> -> memref<128x128xf32, #tpu.memory_space<vmem>>
        %dma_wait3A_36 = arith.constant 0 : i32
        %dma_wait3A_37 = tpu.memref_slice %arg10[%add3A_24, %dma_wait3A_36] : memref<10240x128xf32, #tpu.memory_space<vmem_shared>> -> memref<128x128xf32, #tpu.memory_space<vmem_shared>>
        %dma_wait3A_38 = arith.constant 0 : i32
        %dma_wait3A_39 = tpu.memref_slice %arg10[%add3A_24, %dma_wait3A_38] : memref<10240x128xf32, #tpu.memory_space<vmem_shared>> -> memref<128x128xf32, #tpu.memory_space<vmem_shared>>
        %dma_wait3A_40 = arith.constant 0 : i32
        %dma_wait3A_41 = arith.constant 0 : i32
        %dma_wait3A_42 = tpu.memref_slice %arg9[%dma_wait3A_40, %dma_wait3A_41] : memref<128x128xf32, #tpu.memory_space<vmem>> -> memref<128x128xf32, #tpu.memory_space<vmem>>
        tpu.wait_dma2 semaphore(%run_scoped3A : memref<!tpu.dma_semaphore, #tpu.memory_space<semaphore_mem>>) src(%dma_wait3A_42 : memref<128x128xf32, #tpu.memory_space<vmem>>) dst(%dma_wait3A_39 : memref<128x128xf32, #tpu.memory_space<vmem_shared>>)
        tpu.yield
      }) : () -> ()
    }
    %scan3A_5 = arith.constant 5 : i32
    %barrier3A = arith.constant 0 : index
    tpu.barrier barrier_id(%barrier3A)
    "tpu.region"() ({
      %run_scoped3A = tpu.sem_alloc : memref<!tpu.dma_semaphore, #tpu.memory_space<semaphore_mem>>
      %dma_start3A = arith.constant 0 : i32
      %dma_start3A_19 = arith.constant 0 : i32
      %dma_start3A_20 = tpu.memref_slice %arg3[%add3A, %dma_start3A, %dma_start3A_19] : memref<32x79x128xi32, #tpu.memory_space<hbm>> -> memref<1x79x128xi32, #tpu.memory_space<hbm>>
      %dma_start3A_21 = tpu.memref_squeeze %dma_start3A_20 : memref<1x79x128xi32, #tpu.memory_space<hbm>> -> memref<79x128xi32, #tpu.memory_space<hbm>>
      %dma_start3A_22 = arith.constant 0 : i32
      %dma_start3A_23 = arith.constant 0 : i32
      %dma_start3A_24 = tpu.memref_slice %arg3[%add3A, %dma_start3A_22, %dma_start3A_23] : memref<32x79x128xi32, #tpu.memory_space<hbm>> -> memref<1x79x128xi32, #tpu.memory_space<hbm>>
      %dma_start3A_25 = tpu.memref_squeeze %dma_start3A_24 : memref<1x79x128xi32, #tpu.memory_space<hbm>> -> memref<79x128xi32, #tpu.memory_space<hbm>>
      tpu.enqueue_dma source(%dma_start3A_25 : memref<79x128xi32, #tpu.memory_space<hbm>>) target(%arg7 : memref<79x128xi32, #tpu.memory_space<vmem>>) target_semaphore(%run_scoped3A : memref<!tpu.dma_semaphore, #tpu.memory_space<semaphore_mem>>)
      %dma_wait3A = arith.constant 0 : i32
      %dma_wait3A_26 = arith.constant 0 : i32
      %dma_wait3A_27 = tpu.memref_slice %arg3[%add3A, %dma_wait3A, %dma_wait3A_26] : memref<32x79x128xi32, #tpu.memory_space<hbm>> -> memref<1x79x128xi32, #tpu.memory_space<hbm>>
      %dma_wait3A_28 = tpu.memref_squeeze %dma_wait3A_27 : memref<1x79x128xi32, #tpu.memory_space<hbm>> -> memref<79x128xi32, #tpu.memory_space<hbm>>
      %dma_wait3A_29 = arith.constant 0 : i32
      %dma_wait3A_30 = arith.constant 0 : i32
      %dma_wait3A_31 = tpu.memref_slice %arg3[%add3A, %dma_wait3A_29, %dma_wait3A_30] : memref<32x79x128xi32, #tpu.memory_space<hbm>> -> memref<1x79x128xi32, #tpu.memory_space<hbm>>
      %dma_wait3A_32 = tpu.memref_squeeze %dma_wait3A_31 : memref<1x79x128xi32, #tpu.memory_space<hbm>> -> memref<79x128xi32, #tpu.memory_space<hbm>>
      tpu.wait_dma2 semaphore(%run_scoped3A : memref<!tpu.dma_semaphore, #tpu.memory_space<semaphore_mem>>) src(%dma_wait3A_32 : memref<79x128xi32, #tpu.memory_space<hbm>>) dst(%arg7 : memref<79x128xi32, #tpu.memory_space<vmem>>)
      tpu.yield
    }) : () -> ()
    "tpu.region"() ({
      %run_scoped3A = tpu.sem_alloc : memref<!tpu.dma_semaphore, #tpu.memory_space<semaphore_mem>>
      %dma_start3A = arith.constant 0 : i32
      %dma_start3A_19 = arith.constant 0 : i32
      %dma_start3A_20 = tpu.memref_slice %arg4[%add3A, %dma_start3A, %dma_start3A_19] : memref<32x79x128xi32, #tpu.memory_space<hbm>> -> memref<1x79x128xi32, #tpu.memory_space<hbm>>
      %dma_start3A_21 = tpu.memref_squeeze %dma_start3A_20 : memref<1x79x128xi32, #tpu.memory_space<hbm>> -> memref<79x128xi32, #tpu.memory_space<hbm>>
      %dma_start3A_22 = arith.constant 0 : i32
      %dma_start3A_23 = arith.constant 0 : i32
      %dma_start3A_24 = tpu.memref_slice %arg4[%add3A, %dma_start3A_22, %dma_start3A_23] : memref<32x79x128xi32, #tpu.memory_space<hbm>> -> memref<1x79x128xi32, #tpu.memory_space<hbm>>
      %dma_start3A_25 = tpu.memref_squeeze %dma_start3A_24 : memref<1x79x128xi32, #tpu.memory_space<hbm>> -> memref<79x128xi32, #tpu.memory_space<hbm>>
      tpu.enqueue_dma source(%dma_start3A_25 : memref<79x128xi32, #tpu.memory_space<hbm>>) target(%arg8 : memref<79x128xi32, #tpu.memory_space<vmem>>) target_semaphore(%run_scoped3A : memref<!tpu.dma_semaphore, #tpu.memory_space<semaphore_mem>>)
      %dma_wait3A = arith.constant 0 : i32
      %dma_wait3A_26 = arith.constant 0 : i32
      %dma_wait3A_27 = tpu.memref_slice %arg4[%add3A, %dma_wait3A, %dma_wait3A_26] : memref<32x79x128xi32, #tpu.memory_space<hbm>> -> memref<1x79x128xi32, #tpu.memory_space<hbm>>
      %dma_wait3A_28 = tpu.memref_squeeze %dma_wait3A_27 : memref<1x79x128xi32, #tpu.memory_space<hbm>> -> memref<79x128xi32, #tpu.memory_space<hbm>>
      %dma_wait3A_29 = arith.constant 0 : i32
      %dma_wait3A_30 = arith.constant 0 : i32
      %dma_wait3A_31 = tpu.memref_slice %arg4[%add3A, %dma_wait3A_29, %dma_wait3A_30] : memref<32x79x128xi32, #tpu.memory_space<hbm>> -> memref<1x79x128xi32, #tpu.memory_space<hbm>>
      %dma_wait3A_32 = tpu.memref_squeeze %dma_wait3A_31 : memref<1x79x128xi32, #tpu.memory_space<hbm>> -> memref<79x128xi32, #tpu.memory_space<hbm>>
      tpu.wait_dma2 semaphore(%run_scoped3A : memref<!tpu.dma_semaphore, #tpu.memory_space<semaphore_mem>>) src(%dma_wait3A_32 : memref<79x128xi32, #tpu.memory_space<hbm>>) dst(%arg8 : memref<79x128xi32, #tpu.memory_space<vmem>>)
      tpu.yield
    }) : () -> ()
    %scan3A_6 = arith.constant 0 : i32
    %scan3A_7 = arith.constant 0 : i32
    %scan3A_8 = arith.constant 79 : i32
    %scan3A_9 = arith.addi %scan3A_7, %scan3A_8 : i32
    %scan3A_10 = arith.constant 1 : i32
    scf.for %scan3A_19 = %scan3A_7 to %scan3A_9 step %scan3A_10  : i32 {
      %dma_start3A = arith.constant 0 : i32
      %dma_start3A_20 = tpu.memref_slice %arg7[%scan3A_19, %dma_start3A] : memref<79x128xi32, #tpu.memory_space<vmem>> -> memref<1x128xi32, #tpu.memory_space<vmem>>
      %dma_start3A_21 = tpu.memref_squeeze %dma_start3A_20 : memref<1x128xi32, #tpu.memory_space<vmem>> -> memref<128xi32, #tpu.memory_space<vmem>>
      %dma_start3A_22 = arith.constant 0 : i32
      %dma_start3A_23 = arith.constant 0 : i32
      %dma_start3A_24 = tpu.memref_slice %arg2[%dma_start3A_22, %dma_start3A_23] : memref<10000x128xf32, #tpu.memory_space<hbm>> -> memref<10000x128xf32, #tpu.memory_space<hbm>>
      tpu.enqueue_indirect_dma source(%dma_start3A_24 : memref<10000x128xf32, #tpu.memory_space<hbm>>) target(%arg9 : memref<128x128xf32, #tpu.memory_space<vmem>>) offsets(%dma_start3A_21 : memref<128xi32, #tpu.memory_space<vmem>>) semaphore(%arg11 : memref<!tpu.dma_semaphore, #tpu.memory_space<semaphore_mem>>)
      %dma_wait3A = arith.constant 0 : i32
      %dma_wait3A_25 = tpu.memref_slice %arg7[%scan3A_19, %dma_wait3A] : memref<79x128xi32, #tpu.memory_space<vmem>> -> memref<1x128xi32, #tpu.memory_space<vmem>>
      %dma_wait3A_26 = tpu.memref_squeeze %dma_wait3A_25 : memref<1x128xi32, #tpu.memory_space<vmem>> -> memref<128xi32, #tpu.memory_space<vmem>>
      %dma_wait3A_27 = arith.constant 0 : i32
      %dma_wait3A_28 = arith.constant 0 : i32
      %dma_wait3A_29 = tpu.memref_slice %arg2[%dma_wait3A_27, %dma_wait3A_28] : memref<10000x128xf32, #tpu.memory_space<hbm>> -> memref<10000x128xf32, #tpu.memory_space<hbm>>
      tpu.wait_indirect_dma semaphore(%arg11 : memref<!tpu.dma_semaphore, #tpu.memory_space<semaphore_mem>>) src(%dma_wait3A_29 : memref<10000x128xf32, #tpu.memory_space<hbm>>) dst(%arg9 : memref<128x128xf32, #tpu.memory_space<vmem>>)
      "tpu.region"() ({
        %run_scoped3A = tpu.sem_alloc : memref<!tpu.dma_semaphore, #tpu.memory_space<semaphore_mem>>
        %dma_start3A_30 = arith.constant 0 : i32
        %dma_start3A_31 = tpu.memref_slice %arg8[%scan3A_19, %dma_start3A_30] : memref<79x128xi32, #tpu.memory_space<vmem>> -> memref<1x128xi32, #tpu.memory_space<vmem>>
        %dma_start3A_32 = tpu.memref_squeeze %dma_start3A_31 : memref<1x128xi32, #tpu.memory_space<vmem>> -> memref<128xi32, #tpu.memory_space<vmem>>
        %dma_start3A_33 = arith.constant 0 : i32
        %dma_start3A_34 = arith.constant 0 : i32
        %dma_start3A_35 = tpu.memref_slice %arg10[%dma_start3A_33, %dma_start3A_34] : memref<10240x128xf32, #tpu.memory_space<vmem_shared>> -> memref<10240x128xf32, #tpu.memory_space<vmem_shared>>
        tpu.enqueue_indirect_dma source(%arg9 : memref<128x128xf32, #tpu.memory_space<vmem>>) target(%dma_start3A_35 : memref<10240x128xf32, #tpu.memory_space<vmem_shared>>) offsets(%dma_start3A_32 : memref<128xi32, #tpu.memory_space<vmem>>) semaphore(%run_scoped3A : memref<!tpu.dma_semaphore, #tpu.memory_space<semaphore_mem>>) {add = true}
        %dma_wait3A_36 = arith.constant 0 : i32
        %dma_wait3A_37 = tpu.memref_slice %arg8[%scan3A_19, %dma_wait3A_36] : memref<79x128xi32, #tpu.memory_space<vmem>> -> memref<1x128xi32, #tpu.memory_space<vmem>>
        %dma_wait3A_38 = tpu.memref_squeeze %dma_wait3A_37 : memref<1x128xi32, #tpu.memory_space<vmem>> -> memref<128xi32, #tpu.memory_space<vmem>>
        %dma_wait3A_39 = arith.constant 0 : i32
        %dma_wait3A_40 = arith.constant 0 : i32
        %dma_wait3A_41 = tpu.memref_slice %arg10[%dma_wait3A_39, %dma_wait3A_40] : memref<10240x128xf32, #tpu.memory_space<vmem_shared>> -> memref<10240x128xf32, #tpu.memory_space<vmem_shared>>
        tpu.wait_indirect_dma semaphore(%run_scoped3A : memref<!tpu.dma_semaphore, #tpu.memory_space<semaphore_mem>>) src(%arg9 : memref<128x128xf32, #tpu.memory_space<vmem>>) dst(%dma_wait3A_41 : memref<10240x128xf32, #tpu.memory_space<vmem_shared>>)
        tpu.yield
      }) : () -> ()
    }
    %scan3A_11 = arith.constant 79 : i32
    %barrier3A_12 = arith.constant 0 : index
    tpu.barrier barrier_id(%barrier3A_12)
    %scan3A_13 = arith.constant 0 : i32
    %scan3A_14 = arith.constant 0 : i32
    %scan3A_15 = arith.constant 5 : i32
    %scan3A_16 = arith.addi %scan3A_14, %scan3A_15 : i32
    %scan3A_17 = arith.constant 1 : i32
    scf.for %scan3A_19 = %scan3A_14 to %scan3A_16 step %scan3A_17  : i32 {
      %mul3A_20 = arith.constant 640 : i32
      %mul3A_21 = arith.muli %arg1, %mul3A_20 : i32
      %mul3A_22 = arith.constant 128 : i32
      %mul3A_23 = arith.muli %scan3A_19, %mul3A_22 : i32
      %add3A_24 = arith.addi %mul3A_21, %mul3A_23 : i32
      "tpu.region"() ({
        %run_scoped3A = tpu.sem_alloc : memref<!tpu.dma_semaphore, #tpu.memory_space<semaphore_mem>>
        %dma_start3A = arith.constant 0 : i32
        %dma_start3A_25 = arith.constant 0 : i32
        %dma_start3A_26 = tpu.memref_slice %arg9[%dma_start3A, %dma_start3A_25] : memref<128x128xf32, #tpu.memory_space<vmem>> -> memref<128x128xf32, #tpu.memory_space<vmem>>
        %dma_start3A_27 = arith.constant 0 : i32
        %dma_start3A_28 = tpu.memref_slice %arg10[%add3A_24, %dma_start3A_27] : memref<10240x128xf32, #tpu.memory_space<vmem_shared>> -> memref<128x128xf32, #tpu.memory_space<vmem_shared>>
        %dma_start3A_29 = arith.constant 0 : i32
        %dma_start3A_30 = arith.constant 0 : i32
        %dma_start3A_31 = tpu.memref_slice %arg9[%dma_start3A_29, %dma_start3A_30] : memref<128x128xf32, #tpu.memory_space<vmem>> -> memref<128x128xf32, #tpu.memory_space<vmem>>
        %dma_start3A_32 = arith.constant 0 : i32
        %dma_start3A_33 = tpu.memref_slice %arg10[%add3A_24, %dma_start3A_32] : memref<10240x128xf32, #tpu.memory_space<vmem_shared>> -> memref<128x128xf32, #tpu.memory_space<vmem_shared>>
        tpu.enqueue_dma source(%dma_start3A_33 : memref<128x128xf32, #tpu.memory_space<vmem_shared>>) target(%dma_start3A_31 : memref<128x128xf32, #tpu.memory_space<vmem>>) target_semaphore(%run_scoped3A : memref<!tpu.dma_semaphore, #tpu.memory_space<semaphore_mem>>)
        %dma_wait3A = arith.constant 0 : i32
        %dma_wait3A_34 = arith.constant 0 : i32
        %dma_wait3A_35 = tpu.memref_slice %arg9[%dma_wait3A, %dma_wait3A_34] : memref<128x128xf32, #tpu.memory_space<vmem>> -> memref<128x128xf32, #tpu.memory_space<vmem>>
        %dma_wait3A_36 = arith.constant 0 : i32
        %dma_wait3A_37 = tpu.memref_slice %arg10[%add3A_24, %dma_wait3A_36] : memref<10240x128xf32, #tpu.memory_space<vmem_shared>> -> memref<128x128xf32, #tpu.memory_space<vmem_shared>>
        %dma_wait3A_38 = arith.constant 0 : i32
        %dma_wait3A_39 = arith.constant 0 : i32
        %dma_wait3A_40 = tpu.memref_slice %arg9[%dma_wait3A_38, %dma_wait3A_39] : memref<128x128xf32, #tpu.memory_space<vmem>> -> memref<128x128xf32, #tpu.memory_space<vmem>>
        %dma_wait3A_41 = arith.constant 0 : i32
        %dma_wait3A_42 = tpu.memref_slice %arg10[%add3A_24, %dma_wait3A_41] : memref<10240x128xf32, #tpu.memory_space<vmem_shared>> -> memref<128x128xf32, #tpu.memory_space<vmem_shared>>
        tpu.wait_dma2 semaphore(%run_scoped3A : memref<!tpu.dma_semaphore, #tpu.memory_space<semaphore_mem>>) src(%dma_wait3A_42 : memref<128x128xf32, #tpu.memory_space<vmem_shared>>) dst(%dma_wait3A_40 : memref<128x128xf32, #tpu.memory_space<vmem>>)
        tpu.yield
      }) : () -> ()
      "tpu.region"() ({
        %run_scoped3A = tpu.sem_alloc : memref<!tpu.dma_semaphore, #tpu.memory_space<semaphore_mem>>
        %dma_start3A = arith.constant 0 : i32
        %dma_start3A_25 = arith.constant 0 : i32
        %dma_start3A_26 = tpu.memref_slice %arg9[%dma_start3A, %dma_start3A_25] : memref<128x128xf32, #tpu.memory_space<vmem>> -> memref<128x128xf32, #tpu.memory_space<vmem>>
        %dma_start3A_27 = arith.constant 0 : i32
        %dma_start3A_28 = tpu.memref_slice %arg6[%arg0, %add3A_24, %dma_start3A_27] : memref<2x10240x128xf32, #tpu.memory_space<hbm>> -> memref<1x128x128xf32, #tpu.memory_space<hbm>>
        %dma_start3A_29 = tpu.memref_squeeze %dma_start3A_28 : memref<1x128x128xf32, #tpu.memory_space<hbm>> -> memref<128x128xf32, #tpu.memory_space<hbm>>
        %dma_start3A_30 = arith.constant 0 : i32
        %dma_start3A_31 = tpu.memref_slice %arg6[%arg0, %add3A_24, %dma_start3A_30] : memref<2x10240x128xf32, #tpu.memory_space<hbm>> -> memref<1x128x128xf32, #tpu.memory_space<hbm>>
        %dma_start3A_32 = tpu.memref_squeeze %dma_start3A_31 : memref<1x128x128xf32, #tpu.memory_space<hbm>> -> memref<128x128xf32, #tpu.memory_space<hbm>>
        %dma_start3A_33 = arith.constant 0 : i32
        %dma_start3A_34 = arith.constant 0 : i32
        %dma_start3A_35 = tpu.memref_slice %arg9[%dma_start3A_33, %dma_start3A_34] : memref<128x128xf32, #tpu.memory_space<vmem>> -> memref<128x128xf32, #tpu.memory_space<vmem>>
        tpu.enqueue_dma source(%dma_start3A_35 : memref<128x128xf32, #tpu.memory_space<vmem>>) target(%dma_start3A_32 : memref<128x128xf32, #tpu.memory_space<hbm>>) target_semaphore(%run_scoped3A : memref<!tpu.dma_semaphore, #tpu.memory_space<semaphore_mem>>)
        %dma_wait3A = arith.constant 0 : i32
        %dma_wait3A_36 = arith.constant 0 : i32
        %dma_wait3A_37 = tpu.memref_slice %arg9[%dma_wait3A, %dma_wait3A_36] : memref<128x128xf32, #tpu.memory_space<vmem>> -> memref<128x128xf32, #tpu.memory_space<vmem>>
        %dma_wait3A_38 = arith.constant 0 : i32
        %dma_wait3A_39 = tpu.memref_slice %arg6[%arg0, %add3A_24, %dma_wait3A_38] : memref<2x10240x128xf32, #tpu.memory_space<hbm>> -> memref<1x128x128xf32, #tpu.memory_space<hbm>>
        %dma_wait3A_40 = tpu.memref_squeeze %dma_wait3A_39 : memref<1x128x128xf32, #tpu.memory_space<hbm>> -> memref<128x128xf32, #tpu.memory_space<hbm>>
        %dma_wait3A_41 = arith.constant 0 : i32
        %dma_wait3A_42 = tpu.memref_slice %arg6[%arg0, %add3A_24, %dma_wait3A_41] : memref<2x10240x128xf32, #tpu.memory_space<hbm>> -> memref<1x128x128xf32, #tpu.memory_space<hbm>>
        %dma_wait3A_43 = tpu.memref_squeeze %dma_wait3A_42 : memref<1x128x128xf32, #tpu.memory_space<hbm>> -> memref<128x128xf32, #tpu.memory_space<hbm>>
        %dma_wait3A_44 = arith.constant 0 : i32
        %dma_wait3A_45 = arith.constant 0 : i32
        %dma_wait3A_46 = tpu.memref_slice %arg9[%dma_wait3A_44, %dma_wait3A_45] : memref<128x128xf32, #tpu.memory_space<vmem>> -> memref<128x128xf32, #tpu.memory_space<vmem>>
        tpu.wait_dma2 semaphore(%run_scoped3A : memref<!tpu.dma_semaphore, #tpu.memory_space<semaphore_mem>>) src(%dma_wait3A_46 : memref<128x128xf32, #tpu.memory_space<vmem>>) dst(%dma_wait3A_43 : memref<128x128xf32, #tpu.memory_space<hbm>>)
        tpu.yield
      }) : () -> ()
    }
    %scan3A_18 = arith.constant 5 : i32
    return
  }
}

module attributes {stable_mosaic.version = 14 : i64} {
  func.func @_lin0_body(%arg0: i32, %arg1: memref<1000x128xf32, #tpu.memory_space<vmem>>, %arg2: memref<128x128xf32, #tpu.memory_space<vmem>>, %arg3: memref<1x128xf32, #tpu.memory_space<vmem>>, %arg4: memref<1000x128xf32, #tpu.memory_space<vmem>>) attributes {dimension_semantics = [#tpu.dimension_semantics<arbitrary>], iteration_bounds = array<i64: 10>, scalar_prefetch = 0 : i64, scratch_operands = 0 : i64, tpu.core_type = #tpu.core_type<tc>, window_params = [{transform_indices = @transform_0, window_bounds = array<i64: 1000, 128>}, {pipeline_mode = #tpu.pipeline_mode<synchronous>, transform_indices = @transform_1, window_bounds = array<i64: 128, 128>}, {pipeline_mode = #tpu.pipeline_mode<synchronous>, transform_indices = @transform_2, window_bounds = array<i64: 1, 128>}, {transform_indices = @transform_3, window_bounds = array<i64: 1000, 128>}]} {
    %get3A = arith.constant 0 : index
    %get3A_0 = arith.constant 0 : index
    %get3A_1 = vector.load %arg1[%get3A, %get3A_0] : memref<1000x128xf32, #tpu.memory_space<vmem>>, vector<1000x128xf32>
    %get3A_2 = arith.constant 0 : index
    %get3A_3 = arith.constant 0 : index
    %get3A_4 = vector.load %arg2[%get3A_2, %get3A_3] : memref<128x128xf32, #tpu.memory_space<vmem>>, vector<128x128xf32>
    %dot_general3A = arith.constant dense<0.000000e+00> : vector<1000x128xf32>
    %dot_general3A_5 = tpu.matmul %get3A_1, %get3A_4, %dot_general3A {dimension_numbers = #tpu.dot_dimension_numbers<[1], [0], [0], [1], [0, 0, 1, 1], [], []>, transpose_lhs_hint = false} : vector<1000x128xf32>, vector<128x128xf32>, vector<1000x128xf32> -> vector<1000x128xf32>
    %get3A_6 = arith.constant 0 : index
    %get3A_7 = arith.constant 0 : index
    %get3A_8 = vector.load %arg3[%get3A_6, %get3A_7] : memref<1x128xf32, #tpu.memory_space<vmem>>, vector<1x128xf32>
    %add3A = vector.broadcast %get3A_8 : vector<1x128xf32> to vector<1000x128xf32>
    %add3A_9 = arith.addf %dot_general3A_5, %add3A : vector<1000x128xf32>
    %swap3A = arith.constant 0 : index
    %swap3A_10 = arith.constant 0 : index
    %swap3A_11 = vector.load %arg4[%swap3A, %swap3A_10] : memref<1000x128xf32, #tpu.memory_space<vmem>>, vector<1000x128xf32>
    tpu.vector_store %arg4[%swap3A, %swap3A_10], %add3A_9 {strides = array<i32>} : memref<1000x128xf32, #tpu.memory_space<vmem>>, vector<1000x128xf32>,
    return
  }
  func.func @transform_0(%arg0: i32) -> (i32, i32) {
    %c0_i32 = arith.constant 0 : i32
    %c0_i32_0 = arith.constant 0 : i32
    return %arg0, %c0_i32 : i32, i32
  }
  func.func @transform_1(%arg0: i32) -> (i32, i32) {
    %c0_i32 = arith.constant 0 : i32
    %c0_i32_0 = arith.constant 0 : i32
    %c0_i32_1 = arith.constant 0 : i32
    return %c0_i32, %c0_i32_0 : i32, i32
  }
  func.func @transform_2(%arg0: i32) -> (i32, i32) {
    %c0_i32 = arith.constant 0 : i32
    %c0_i32_0 = arith.constant 0 : i32
    %c0_i32_1 = arith.constant 0 : i32
    return %c0_i32, %c0_i32_0 : i32, i32
  }
  func.func @transform_3(%arg0: i32) -> (i32, i32) {
    %c0_i32 = arith.constant 0 : i32
    %c0_i32_0 = arith.constant 0 : i32
    return %arg0, %c0_i32 : i32, i32
  }
}

module attributes {stable_mosaic.version = 14 : i64} {
  func.func @_mask_body(%arg0: i32, %arg1: memref<2x1000x128xf32, #tpu.memory_space<vmem>>, %arg2: memref<1000x128xf32, #tpu.memory_space<vmem>>, %arg3: memref<1000x128xf32, #tpu.memory_space<vmem>>, %arg4: memref<128x128xf32, #tpu.memory_space<vmem>>, %arg5: memref<128x128xf32, #tpu.memory_space<vmem>>, %arg6: memref<1x128xf32, #tpu.memory_space<vmem>>, %arg7: memref<128x1xf32, #tpu.memory_space<vmem>>, %arg8: memref<1x1xf32, #tpu.memory_space<vmem>>, %arg9: memref<1000x128xf32, #tpu.memory_space<vmem>>, %arg10: memref<1000x128xf32, #tpu.memory_space<vmem>>) attributes {dimension_semantics = [#tpu.dimension_semantics<arbitrary>], iteration_bounds = array<i64: 10>, scalar_prefetch = 0 : i64, scratch_operands = 0 : i64, tpu.core_type = #tpu.core_type<tc>, window_params = [{transform_indices = @transform_0, window_bounds = array<i64: 2, 1000, 128>}, {transform_indices = @transform_1, window_bounds = array<i64: 1000, 128>}, {transform_indices = @transform_2, window_bounds = array<i64: 1000, 128>}, {pipeline_mode = #tpu.pipeline_mode<synchronous>, transform_indices = @transform_3, window_bounds = array<i64: 128, 128>}, {pipeline_mode = #tpu.pipeline_mode<synchronous>, transform_indices = @transform_4, window_bounds = array<i64: 128, 128>}, {pipeline_mode = #tpu.pipeline_mode<synchronous>, transform_indices = @transform_5, window_bounds = array<i64: 1, 128>}, {pipeline_mode = #tpu.pipeline_mode<synchronous>, transform_indices = @transform_6, window_bounds = array<i64: 128, 1>}, {pipeline_mode = #tpu.pipeline_mode<synchronous>, transform_indices = @transform_7, window_bounds = array<i64: 1, 1>}, {transform_indices = @transform_8, window_bounds = array<i64: 1000, 128>}, {transform_indices = @transform_9, window_bounds = array<i64: 1000, 128>}]} {
    %get3A = arith.constant 0 : index
    %get3A_0 = arith.constant 0 : index
    %get3A_1 = arith.constant 0 : index
    %get3A_2 = vector.load %arg1[%get3A, %get3A_0, %get3A_1] : memref<2x1000x128xf32, #tpu.memory_space<vmem>>, vector<1x1000x128xf32>
    %get3A_3 = vector.shape_cast %get3A_2 : vector<1x1000x128xf32> to vector<1000x128xf32>
    %get3A_4 = arith.constant 1 : index
    %get3A_5 = arith.constant 0 : index
    %get3A_6 = arith.constant 0 : index
    %get3A_7 = vector.load %arg1[%get3A_4, %get3A_5, %get3A_6] : memref<2x1000x128xf32, #tpu.memory_space<vmem>>, vector<1x1000x128xf32>
    %get3A_8 = vector.shape_cast %get3A_7 : vector<1x1000x128xf32> to vector<1000x128xf32>
    %add3A = arith.addf %get3A_3, %get3A_8 : vector<1000x128xf32>
    %get3A_9 = arith.constant 0 : index
    %get3A_10 = arith.constant 0 : index
    %get3A_11 = vector.load %arg4[%get3A_9, %get3A_10] : memref<128x128xf32, #tpu.memory_space<vmem>>, vector<128x128xf32>
    %dot_general3A = arith.constant dense<0.000000e+00> : vector<1000x128xf32>
    %dot_general3A_12 = tpu.matmul %add3A, %get3A_11, %dot_general3A {dimension_numbers = #tpu.dot_dimension_numbers<[1], [0], [0], [1], [0, 0, 1, 1], [], []>, transpose_lhs_hint = false} : vector<1000x128xf32>, vector<128x128xf32>, vector<1000x128xf32> -> vector<1000x128xf32>
    %get3A_13 = arith.constant 0 : index
    %get3A_14 = arith.constant 0 : index
    %get3A_15 = vector.load %arg2[%get3A_13, %get3A_14] : memref<1000x128xf32, #tpu.memory_space<vmem>>, vector<1000x128xf32>
    %get3A_16 = arith.constant 0 : index
    %get3A_17 = arith.constant 0 : index
    %get3A_18 = vector.load %arg5[%get3A_16, %get3A_17] : memref<128x128xf32, #tpu.memory_space<vmem>>, vector<128x128xf32>
    %dot_general3A_19 = arith.constant dense<0.000000e+00> : vector<1000x128xf32>
    %dot_general3A_20 = tpu.matmul %get3A_15, %get3A_18, %dot_general3A_19 {dimension_numbers = #tpu.dot_dimension_numbers<[1], [0], [0], [1], [0, 0, 1, 1], [], []>, transpose_lhs_hint = false} : vector<1000x128xf32>, vector<128x128xf32>, vector<1000x128xf32> -> vector<1000x128xf32>
    %add3A_21 = arith.addf %dot_general3A_12, %dot_general3A_20 : vector<1000x128xf32>
    %get3A_22 = arith.constant 0 : index
    %get3A_23 = arith.constant 0 : index
    %get3A_24 = vector.load %arg6[%get3A_22, %get3A_23] : memref<1x128xf32, #tpu.memory_space<vmem>>, vector<1x128xf32>
    %add3A_25 = vector.broadcast %get3A_24 : vector<1x128xf32> to vector<1000x128xf32>
    %add3A_26 = arith.addf %add3A_21, %add3A_25 : vector<1000x128xf32>
    %max3A = arith.constant 0.000000e+00 : f32
    %max3A_27 = vector.broadcast %max3A : f32 to vector<1000x128xf32>
    %max3A_28 = arith.maximumf %add3A_26, %max3A_27 : vector<1000x128xf32>
    %get3A_29 = arith.constant 0 : index
    %get3A_30 = arith.constant 0 : index
    %get3A_31 = vector.load %arg7[%get3A_29, %get3A_30] : memref<128x1xf32, #tpu.memory_space<vmem>>, vector<128x1xf32>
    %dot_general3A_32 = arith.constant dense<0.000000e+00> : vector<1000x1xf32>
    %dot_general3A_33 = tpu.matmul %max3A_28, %get3A_31, %dot_general3A_32 {dimension_numbers = #tpu.dot_dimension_numbers<[1], [0], [0], [1], [0, 0, 1, 1], [], []>, transpose_lhs_hint = false} : vector<1000x128xf32>, vector<128x1xf32>, vector<1000x1xf32> -> vector<1000x1xf32>
    %get3A_34 = arith.constant 0 : index
    %get3A_35 = arith.constant 0 : index
    %get3A_36 = vector.load %arg8[%get3A_34, %get3A_35] : memref<1x1xf32, #tpu.memory_space<vmem>>, vector<1x1xf32>
    %add3A_37 = vector.broadcast %get3A_36 : vector<1x1xf32> to vector<1000x1xf32>
    %add3A_38 = arith.addf %dot_general3A_33, %add3A_37 : vector<1000x1xf32>
    %neg3A = arith.constant 0.000000e+00 : f32
    %neg3A_39 = vector.broadcast %neg3A : f32 to vector<1000x1xf32>
    %neg3A_40 = arith.subf %neg3A_39, %add3A_38 : vector<1000x1xf32>
    %exp3A = math.exp %neg3A_40 : vector<1000x1xf32>
    %add3A_41 = arith.constant 1.000000e+00 : f32
    %add3A_42 = vector.broadcast %add3A_41 : f32 to vector<1000x1xf32>
    %add3A_43 = arith.addf %add3A_42, %exp3A : vector<1000x1xf32>
    %div3A = arith.constant 1.000000e+00 : f32
    %div3A_44 = vector.broadcast %div3A : f32 to vector<1000x1xf32>
    %div3A_45 = arith.divf %div3A_44, %add3A_43 : vector<1000x1xf32>
    %get3A_46 = arith.constant 0 : index
    %get3A_47 = arith.constant 0 : index
    %get3A_48 = vector.load %arg3[%get3A_46, %get3A_47] : memref<1000x128xf32, #tpu.memory_space<vmem>>, vector<1000x128xf32>
    %mul3A = vector.broadcast %div3A_45 : vector<1000x1xf32> to vector<1000x128xf32>
    %mul3A_49 = arith.mulf %get3A_48, %mul3A : vector<1000x128xf32>
    %swap3A = arith.constant 0 : index
    %swap3A_50 = arith.constant 0 : index
    %swap3A_51 = vector.load %arg9[%swap3A, %swap3A_50] : memref<1000x128xf32, #tpu.memory_space<vmem>>, vector<1000x128xf32>
    tpu.vector_store %arg9[%swap3A, %swap3A_50], %mul3A_49 {strides = array<i32>} : memref<1000x128xf32, #tpu.memory_space<vmem>>, vector<1000x128xf32>,
    %broadcast_in_dim3A = vector.shape_cast %div3A_45 : vector<1000x1xf32> to vector<1000x1xf32>
    %broadcast_in_dim3A_52 = vector.broadcast %broadcast_in_dim3A : vector<1000x1xf32> to vector<1000x128xf32>
    %swap3A_53 = arith.constant 0 : index
    %swap3A_54 = arith.constant 0 : index
    %swap3A_55 = vector.load %arg10[%swap3A_53, %swap3A_54] : memref<1000x128xf32, #tpu.memory_space<vmem>>, vector<1000x128xf32>
    tpu.vector_store %arg10[%swap3A_53, %swap3A_54], %broadcast_in_dim3A_52 {strides = array<i32>} : memref<1000x128xf32, #tpu.memory_space<vmem>>, vector<1000x128xf32>,
    return
  }
  func.func @transform_0(%arg0: i32) -> (i32, i32, i32) {
    %c0_i32 = arith.constant 0 : i32
    %c0_i32_0 = arith.constant 0 : i32
    %c0_i32_1 = arith.constant 0 : i32
    return %c0_i32, %arg0, %c0_i32_0 : i32, i32, i32
  }
  func.func @transform_1(%arg0: i32) -> (i32, i32) {
    %c0_i32 = arith.constant 0 : i32
    %c0_i32_0 = arith.constant 0 : i32
    return %arg0, %c0_i32 : i32, i32
  }
  func.func @transform_2(%arg0: i32) -> (i32, i32) {
    %c0_i32 = arith.constant 0 : i32
    %c0_i32_0 = arith.constant 0 : i32
    return %arg0, %c0_i32 : i32, i32
  }
  func.func @transform_3(%arg0: i32) -> (i32, i32) {
    %c0_i32 = arith.constant 0 : i32
    %c0_i32_0 = arith.constant 0 : i32
    %c0_i32_1 = arith.constant 0 : i32
    return %c0_i32, %c0_i32_0 : i32, i32
  }
  func.func @transform_4(%arg0: i32) -> (i32, i32) {
    %c0_i32 = arith.constant 0 : i32
    %c0_i32_0 = arith.constant 0 : i32
    %c0_i32_1 = arith.constant 0 : i32
    return %c0_i32, %c0_i32_0 : i32, i32
  }
  func.func @transform_5(%arg0: i32) -> (i32, i32) {
    %c0_i32 = arith.constant 0 : i32
    %c0_i32_0 = arith.constant 0 : i32
    %c0_i32_1 = arith.constant 0 : i32
    return %c0_i32, %c0_i32_0 : i32, i32
  }
  func.func @transform_6(%arg0: i32) -> (i32, i32) {
    %c0_i32 = arith.constant 0 : i32
    %c0_i32_0 = arith.constant 0 : i32
    %c0_i32_1 = arith.constant 0 : i32
    return %c0_i32, %c0_i32_0 : i32, i32
  }
  func.func @transform_7(%arg0: i32) -> (i32, i32) {
    %c0_i32 = arith.constant 0 : i32
    %c0_i32_0 = arith.constant 0 : i32
    %c0_i32_1 = arith.constant 0 : i32
    return %c0_i32, %c0_i32_0 : i32, i32
  }
  func.func @transform_8(%arg0: i32) -> (i32, i32) {
    %c0_i32 = arith.constant 0 : i32
    %c0_i32_0 = arith.constant 0 : i32
    return %arg0, %c0_i32 : i32, i32
  }
  func.func @transform_9(%arg0: i32) -> (i32, i32) {
    %c0_i32 = arith.constant 0 : i32
    %c0_i32_0 = arith.constant 0 : i32
    return %arg0, %c0_i32 : i32, i32
  }
}

module attributes {stable_mosaic.version = 14 : i64} {
  func.func @_conv_body(%arg0: i32, %arg1: memref<2x1000x128xf32, #tpu.memory_space<vmem>>, %arg2: memref<1000x128xf32, #tpu.memory_space<vmem>>, %arg3: memref<1000x128xf32, #tpu.memory_space<vmem>>, %arg4: memref<1x64x1000xf32, #tpu.memory_space<vmem>>, %arg5: memref<128x128xf32, #tpu.memory_space<vmem>>, %arg6: memref<128x128xf32, #tpu.memory_space<vmem>>, %arg7: memref<1x128xf32, #tpu.memory_space<vmem>>, %arg8: memref<128x256xf32, #tpu.memory_space<vmem>>, %arg9: memref<1x256xf32, #tpu.memory_space<vmem>>, %arg10: memref<256x128xf32, #tpu.memory_space<vmem>>, %arg11: memref<1x128xf32, #tpu.memory_space<vmem>>, %arg12: memref<1000x128xf32, #tpu.memory_space<vmem>>, %arg13: memref<1000x128xf32, #tpu.memory_space<vmem>>, %arg14: memref<64x128xf32, #tpu.memory_space<vmem>>, %arg15: memref<64x128xf32, #tpu.memory_space<vmem>>) attributes {dimension_semantics = [#tpu.dimension_semantics<arbitrary>], iteration_bounds = array<i64: 10>, scalar_prefetch = 0 : i64, scratch_operands = 1 : i64, tpu.core_type = #tpu.core_type<tc>, window_params = [{transform_indices = @transform_0, window_bounds = array<i64: 2, 1000, 128>}, {transform_indices = @transform_1, window_bounds = array<i64: 1000, 128>}, {transform_indices = @transform_2, window_bounds = array<i64: 1000, 128>}, {transform_indices = @transform_3, window_bounds = array<i64: 1, 64, 1000>}, {pipeline_mode = #tpu.pipeline_mode<synchronous>, transform_indices = @transform_4, window_bounds = array<i64: 128, 128>}, {pipeline_mode = #tpu.pipeline_mode<synchronous>, transform_indices = @transform_5, window_bounds = array<i64: 128, 128>}, {pipeline_mode = #tpu.pipeline_mode<synchronous>, transform_indices = @transform_6, window_bounds = array<i64: 1, 128>}, {pipeline_mode = #tpu.pipeline_mode<synchronous>, transform_indices = @transform_7, window_bounds = array<i64: 128, 256>}, {pipeline_mode = #tpu.pipeline_mode<synchronous>, transform_indices = @transform_8, window_bounds = array<i64: 1, 256>}, {pipeline_mode = #tpu.pipeline_mode<synchronous>, transform_indices = @transform_9, window_bounds = array<i64: 256, 128>}, {pipeline_mode = #tpu.pipeline_mode<synchronous>, transform_indices = @transform_10, window_bounds = array<i64: 1, 128>}, {transform_indices = @transform_11, window_bounds = array<i64: 1000, 128>}, {transform_indices = @transform_12, window_bounds = array<i64: 1000, 128>}, {pipeline_mode = #tpu.pipeline_mode<synchronous>, transform_indices = @transform_13, window_bounds = array<i64: 64, 128>}]} {
    %get3A = arith.constant 0 : index
    %get3A_0 = arith.constant 0 : index
    %get3A_1 = arith.constant 0 : index
    %get3A_2 = vector.load %arg1[%get3A, %get3A_0, %get3A_1] : memref<2x1000x128xf32, #tpu.memory_space<vmem>>, vector<1x1000x128xf32>
    %get3A_3 = vector.shape_cast %get3A_2 : vector<1x1000x128xf32> to vector<1000x128xf32>
    %get3A_4 = arith.constant 1 : index
    %get3A_5 = arith.constant 0 : index
    %get3A_6 = arith.constant 0 : index
    %get3A_7 = vector.load %arg1[%get3A_4, %get3A_5, %get3A_6] : memref<2x1000x128xf32, #tpu.memory_space<vmem>>, vector<1x1000x128xf32>
    %get3A_8 = vector.shape_cast %get3A_7 : vector<1x1000x128xf32> to vector<1000x128xf32>
    %add3A = arith.addf %get3A_3, %get3A_8 : vector<1000x128xf32>
    %get3A_9 = arith.constant 0 : index
    %get3A_10 = arith.constant 0 : index
    %get3A_11 = vector.load %arg5[%get3A_9, %get3A_10] : memref<128x128xf32, #tpu.memory_space<vmem>>, vector<128x128xf32>
    %dot_general3A = arith.constant dense<0.000000e+00> : vector<1000x128xf32>
    %dot_general3A_12 = tpu.matmul %add3A, %get3A_11, %dot_general3A {dimension_numbers = #tpu.dot_dimension_numbers<[1], [0], [0], [1], [0, 0, 1, 1], [], []>, transpose_lhs_hint = false} : vector<1000x128xf32>, vector<128x128xf32>, vector<1000x128xf32> -> vector<1000x128xf32>
    %get3A_13 = arith.constant 0 : index
    %get3A_14 = arith.constant 0 : index
    %get3A_15 = vector.load %arg2[%get3A_13, %get3A_14] : memref<1000x128xf32, #tpu.memory_space<vmem>>, vector<1000x128xf32>
    %get3A_16 = arith.constant 0 : index
    %get3A_17 = arith.constant 0 : index
    %get3A_18 = vector.load %arg6[%get3A_16, %get3A_17] : memref<128x128xf32, #tpu.memory_space<vmem>>, vector<128x128xf32>
    %dot_general3A_19 = arith.constant dense<0.000000e+00> : vector<1000x128xf32>
    %dot_general3A_20 = tpu.matmul %get3A_15, %get3A_18, %dot_general3A_19 {dimension_numbers = #tpu.dot_dimension_numbers<[1], [0], [0], [1], [0, 0, 1, 1], [], []>, transpose_lhs_hint = false} : vector<1000x128xf32>, vector<128x128xf32>, vector<1000x128xf32> -> vector<1000x128xf32>
    %add3A_21 = arith.addf %dot_general3A_12, %dot_general3A_20 : vector<1000x128xf32>
    %get3A_22 = arith.constant 0 : index
    %get3A_23 = arith.constant 0 : index
    %get3A_24 = vector.load %arg7[%get3A_22, %get3A_23] : memref<1x128xf32, #tpu.memory_space<vmem>>, vector<1x128xf32>
    %add3A_25 = vector.broadcast %get3A_24 : vector<1x128xf32> to vector<1000x128xf32>
    %add3A_26 = arith.addf %add3A_21, %add3A_25 : vector<1000x128xf32>
    %max3A = arith.constant 0.000000e+00 : f32
    %max3A_27 = vector.broadcast %max3A : f32 to vector<1000x128xf32>
    %max3A_28 = arith.maximumf %add3A_26, %max3A_27 : vector<1000x128xf32>
    %swap3A = arith.constant 0 : index
    %swap3A_29 = arith.constant 0 : index
    %swap3A_30 = vector.load %arg12[%swap3A, %swap3A_29] : memref<1000x128xf32, #tpu.memory_space<vmem>>, vector<1000x128xf32>
    tpu.vector_store %arg12[%swap3A, %swap3A_29], %max3A_28 {strides = array<i32>} : memref<1000x128xf32, #tpu.memory_space<vmem>>, vector<1000x128xf32>,
    %get3A_31 = arith.constant 0 : index
    %get3A_32 = arith.constant 0 : index
    %get3A_33 = vector.load %arg3[%get3A_31, %get3A_32] : memref<1000x128xf32, #tpu.memory_space<vmem>>, vector<1000x128xf32>
    %mul3A = arith.mulf %max3A_28, %get3A_33 : vector<1000x128xf32>
    %swap3A_34 = arith.constant 0 : index
    %swap3A_35 = arith.constant 0 : index
    %swap3A_36 = vector.load %arg13[%swap3A_34, %swap3A_35] : memref<1000x128xf32, #tpu.memory_space<vmem>>, vector<1000x128xf32>
    tpu.vector_store %arg13[%swap3A_34, %swap3A_35], %mul3A {strides = array<i32>} : memref<1000x128xf32, #tpu.memory_space<vmem>>, vector<1000x128xf32>,
    %get3A_37 = arith.constant 0 : index
    %get3A_38 = arith.constant 0 : index
    %get3A_39 = arith.constant 0 : index
    %get3A_40 = vector.load %arg4[%get3A_37, %get3A_38, %get3A_39] : memref<1x64x1000xf32, #tpu.memory_space<vmem>>, vector<1x64x1000xf32>
    %get3A_41 = vector.shape_cast %get3A_40 : vector<1x64x1000xf32> to vector<64x1000xf32>
    %dot_general3A_42 = arith.constant dense<0.000000e+00> : vector<64x128xf32>
    %dot_general3A_43 = tpu.matmul %get3A_41, %max3A_28, %dot_general3A_42 {dimension_numbers = #tpu.dot_dimension_numbers<[1], [0], [0], [1], [0, 0, 1, 1], [], []>, transpose_lhs_hint = false} : vector<64x1000xf32>, vector<1000x128xf32>, vector<64x128xf32> -> vector<64x128xf32>
    %eq3A = arith.constant 0 : i32
    %eq3A_44 = arith.cmpi eq, %arg0, %eq3A : i32
    %convert_element_type3A = arith.extui %eq3A_44 : i1 to i32
    %cond3A = arith.constant 0 : i32
    %cond3A_45 = arith.cmpi ne, %convert_element_type3A, %cond3A : i32
    scf.if %cond3A_45 {
      %swap3A_55 = arith.constant 0 : index
      %swap3A_56 = arith.constant 0 : index
      %swap3A_57 = vector.load %arg15[%swap3A_55, %swap3A_56] : memref<64x128xf32, #tpu.memory_space<vmem>>, vector<64x128xf32>
      tpu.vector_store %arg15[%swap3A_55, %swap3A_56], %dot_general3A_43 {strides = array<i32>} : memref<64x128xf32, #tpu.memory_space<vmem>>, vector<64x128xf32>,
    } else {
    }
    %gt3A = arith.constant 0 : i32
    %gt3A_46 = arith.cmpi sgt, %arg0, %gt3A : i32
    %convert_element_type3A_47 = arith.extui %gt3A_46 : i1 to i32
    %cond3A_48 = arith.constant 0 : i32
    %cond3A_49 = arith.cmpi ne, %convert_element_type3A_47, %cond3A_48 : i32
    scf.if %cond3A_49 {
      %get3A_55 = arith.constant 0 : index
      %get3A_56 = arith.constant 0 : index
      %get3A_57 = vector.load %arg15[%get3A_55, %get3A_56] : memref<64x128xf32, #tpu.memory_space<vmem>>, vector<64x128xf32>
      %add3A_58 = arith.addf %get3A_57, %dot_general3A_43 : vector<64x128xf32>
      %swap3A_59 = arith.constant 0 : index
      %swap3A_60 = arith.constant 0 : index
      %swap3A_61 = vector.load %arg15[%swap3A_59, %swap3A_60] : memref<64x128xf32, #tpu.memory_space<vmem>>, vector<64x128xf32>
      tpu.vector_store %arg15[%swap3A_59, %swap3A_60], %add3A_58 {strides = array<i32>} : memref<64x128xf32, #tpu.memory_space<vmem>>, vector<64x128xf32>,
    } else {
    }
    %eq3A_50 = arith.constant 9 : i32
    %eq3A_51 = arith.cmpi eq, %arg0, %eq3A_50 : i32
    %convert_element_type3A_52 = arith.extui %eq3A_51 : i1 to i32
    %cond3A_53 = arith.constant 0 : i32
    %cond3A_54 = arith.cmpi ne, %convert_element_type3A_52, %cond3A_53 : i32
    scf.if %cond3A_54 {
      %get3A_55 = arith.constant 0 : index
      %get3A_56 = arith.constant 0 : index
      %get3A_57 = vector.load %arg15[%get3A_55, %get3A_56] : memref<64x128xf32, #tpu.memory_space<vmem>>, vector<64x128xf32>
      %get3A_58 = arith.constant 0 : index
      %get3A_59 = arith.constant 0 : index
      %get3A_60 = vector.load %arg8[%get3A_58, %get3A_59] : memref<128x256xf32, #tpu.memory_space<vmem>>, vector<128x256xf32>
      %dot_general3A_61 = arith.constant dense<0.000000e+00> : vector<64x256xf32>
      %dot_general3A_62 = tpu.matmul %get3A_57, %get3A_60, %dot_general3A_61 {dimension_numbers = #tpu.dot_dimension_numbers<[1], [0], [0], [1], [0, 0, 1, 1], [], []>, transpose_lhs_hint = false} : vector<64x128xf32>, vector<128x256xf32>, vector<64x256xf32> -> vector<64x256xf32>
      %get3A_63 = arith.constant 0 : index
      %get3A_64 = arith.constant 0 : index
      %get3A_65 = vector.load %arg9[%get3A_63, %get3A_64] : memref<1x256xf32, #tpu.memory_space<vmem>>, vector<1x256xf32>
      %add3A_66 = vector.broadcast %get3A_65 : vector<1x256xf32> to vector<64x256xf32>
      %add3A_67 = arith.addf %dot_general3A_62, %add3A_66 : vector<64x256xf32>
      %max3A_68 = arith.constant 0.000000e+00 : f32
      %max3A_69 = vector.broadcast %max3A_68 : f32 to vector<64x256xf32>
      %max3A_70 = arith.maximumf %add3A_67, %max3A_69 : vector<64x256xf32>
      %get3A_71 = arith.constant 0 : index
      %get3A_72 = arith.constant 0 : index
      %get3A_73 = vector.load %arg10[%get3A_71, %get3A_72] : memref<256x128xf32, #tpu.memory_space<vmem>>, vector<256x128xf32>
      %dot_general3A_74 = arith.constant dense<0.000000e+00> : vector<64x128xf32>
      %dot_general3A_75 = tpu.matmul %max3A_70, %get3A_73, %dot_general3A_74 {dimension_numbers = #tpu.dot_dimension_numbers<[1], [0], [0], [1], [0, 0, 1, 1], [], []>, transpose_lhs_hint = false} : vector<64x256xf32>, vector<256x128xf32>, vector<64x128xf32> -> vector<64x128xf32>
      %get3A_76 = arith.constant 0 : index
      %get3A_77 = arith.constant 0 : index
      %get3A_78 = vector.load %arg11[%get3A_76, %get3A_77] : memref<1x128xf32, #tpu.memory_space<vmem>>, vector<1x128xf32>
      %add3A_79 = vector.broadcast %get3A_78 : vector<1x128xf32> to vector<64x128xf32>
      %add3A_80 = arith.addf %dot_general3A_75, %add3A_79 : vector<64x128xf32>
      %max3A_81 = arith.constant 0.000000e+00 : f32
      %max3A_82 = vector.broadcast %max3A_81 : f32 to vector<64x128xf32>
      %max3A_83 = arith.maximumf %add3A_80, %max3A_82 : vector<64x128xf32>
      %swap3A_84 = arith.constant 0 : index
      %swap3A_85 = arith.constant 0 : index
      %swap3A_86 = vector.load %arg14[%swap3A_84, %swap3A_85] : memref<64x128xf32, #tpu.memory_space<vmem>>, vector<64x128xf32>
      tpu.vector_store %arg14[%swap3A_84, %swap3A_85], %max3A_83 {strides = array<i32>} : memref<64x128xf32, #tpu.memory_space<vmem>>, vector<64x128xf32>,
    } else {
    }
    return
  }
  func.func @transform_0(%arg0: i32) -> (i32, i32, i32) {
    %c0_i32 = arith.constant 0 : i32
    %c0_i32_0 = arith.constant 0 : i32
    %c0_i32_1 = arith.constant 0 : i32
    return %c0_i32, %arg0, %c0_i32_0 : i32, i32, i32
  }
  func.func @transform_1(%arg0: i32) -> (i32, i32) {
    %c0_i32 = arith.constant 0 : i32
    %c0_i32_0 = arith.constant 0 : i32
    return %arg0, %c0_i32 : i32, i32
  }
  func.func @transform_2(%arg0: i32) -> (i32, i32) {
    %c0_i32 = arith.constant 0 : i32
    %c0_i32_0 = arith.constant 0 : i32
    return %arg0, %c0_i32 : i32, i32
  }
  func.func @transform_3(%arg0: i32) -> (i32, i32, i32) {
    %c0_i32 = arith.constant 0 : i32
    %c0_i32_0 = arith.constant 0 : i32
    %c0_i32_1 = arith.constant 0 : i32
    return %arg0, %c0_i32, %c0_i32_0 : i32, i32, i32
  }
  func.func @transform_4(%arg0: i32) -> (i32, i32) {
    %c0_i32 = arith.constant 0 : i32
    %c0_i32_0 = arith.constant 0 : i32
    %c0_i32_1 = arith.constant 0 : i32
    return %c0_i32, %c0_i32_0 : i32, i32
  }
  func.func @transform_5(%arg0: i32) -> (i32, i32) {
    %c0_i32 = arith.constant 0 : i32
    %c0_i32_0 = arith.constant 0 : i32
    %c0_i32_1 = arith.constant 0 : i32
    return %c0_i32, %c0_i32_0 : i32, i32
  }
  func.func @transform_6(%arg0: i32) -> (i32, i32) {
    %c0_i32 = arith.constant 0 : i32
    %c0_i32_0 = arith.constant 0 : i32
    %c0_i32_1 = arith.constant 0 : i32
    return %c0_i32, %c0_i32_0 : i32, i32
  }
  func.func @transform_7(%arg0: i32) -> (i32, i32) {
    %c0_i32 = arith.constant 0 : i32
    %c0_i32_0 = arith.constant 0 : i32
    %c0_i32_1 = arith.constant 0 : i32
    return %c0_i32, %c0_i32_0 : i32, i32
  }
  func.func @transform_8(%arg0: i32) -> (i32, i32) {
    %c0_i32 = arith.constant 0 : i32
    %c0_i32_0 = arith.constant 0 : i32
    %c0_i32_1 = arith.constant 0 : i32
    return %c0_i32, %c0_i32_0 : i32, i32
  }
  func.func @transform_9(%arg0: i32) -> (i32, i32) {
    %c0_i32 = arith.constant 0 : i32
    %c0_i32_0 = arith.constant 0 : i32
    %c0_i32_1 = arith.constant 0 : i32
    return %c0_i32, %c0_i32_0 : i32, i32
  }
  func.func @transform_10(%arg0: i32) -> (i32, i32) {
    %c0_i32 = arith.constant 0 : i32
    %c0_i32_0 = arith.constant 0 : i32
    %c0_i32_1 = arith.constant 0 : i32
    return %c0_i32, %c0_i32_0 : i32, i32
  }
  func.func @transform_11(%arg0: i32) -> (i32, i32) {
    %c0_i32 = arith.constant 0 : i32
    %c0_i32_0 = arith.constant 0 : i32
    return %arg0, %c0_i32 : i32, i32
  }
  func.func @transform_12(%arg0: i32) -> (i32, i32) {
    %c0_i32 = arith.constant 0 : i32
    %c0_i32_0 = arith.constant 0 : i32
    return %arg0, %c0_i32 : i32, i32
  }
  func.func @transform_13(%arg0: i32) -> (i32, i32) {
    %c0_i32 = arith.constant 0 : i32
    %c0_i32_0 = arith.constant 0 : i32
    %c0_i32_1 = arith.constant 0 : i32
    return %c0_i32, %c0_i32_0 : i32, i32
  }
}

module attributes {stable_mosaic.version = 14 : i64} {
  func.func @_conv_body(%arg0: i32, %arg1: memref<2x1000x128xf32, #tpu.memory_space<vmem>>, %arg2: memref<1000x128xf32, #tpu.memory_space<vmem>>, %arg3: memref<1000x128xf32, #tpu.memory_space<vmem>>, %arg4: memref<1x64x1000xf32, #tpu.memory_space<vmem>>, %arg5: memref<128x128xf32, #tpu.memory_space<vmem>>, %arg6: memref<128x128xf32, #tpu.memory_space<vmem>>, %arg7: memref<1x128xf32, #tpu.memory_space<vmem>>, %arg8: memref<128x256xf32, #tpu.memory_space<vmem>>, %arg9: memref<1x256xf32, #tpu.memory_space<vmem>>, %arg10: memref<256x128xf32, #tpu.memory_space<vmem>>, %arg11: memref<1x128xf32, #tpu.memory_space<vmem>>, %arg12: memref<1000x128xf32, #tpu.memory_space<vmem>>, %arg13: memref<1000x128xf32, #tpu.memory_space<vmem>>, %arg14: memref<64x128xf32, #tpu.memory_space<vmem>>, %arg15: memref<64x128xf32, #tpu.memory_space<vmem>>) attributes {dimension_semantics = [#tpu.dimension_semantics<arbitrary>], iteration_bounds = array<i64: 10>, scalar_prefetch = 0 : i64, scratch_operands = 1 : i64, tpu.core_type = #tpu.core_type<tc>, window_params = [{transform_indices = @transform_0, window_bounds = array<i64: 2, 1000, 128>}, {transform_indices = @transform_1, window_bounds = array<i64: 1000, 128>}, {transform_indices = @transform_2, window_bounds = array<i64: 1000, 128>}, {transform_indices = @transform_3, window_bounds = array<i64: 1, 64, 1000>}, {pipeline_mode = #tpu.pipeline_mode<synchronous>, transform_indices = @transform_4, window_bounds = array<i64: 128, 128>}, {pipeline_mode = #tpu.pipeline_mode<synchronous>, transform_indices = @transform_5, window_bounds = array<i64: 128, 128>}, {pipeline_mode = #tpu.pipeline_mode<synchronous>, transform_indices = @transform_6, window_bounds = array<i64: 1, 128>}, {pipeline_mode = #tpu.pipeline_mode<synchronous>, transform_indices = @transform_7, window_bounds = array<i64: 128, 256>}, {pipeline_mode = #tpu.pipeline_mode<synchronous>, transform_indices = @transform_8, window_bounds = array<i64: 1, 256>}, {pipeline_mode = #tpu.pipeline_mode<synchronous>, transform_indices = @transform_9, window_bounds = array<i64: 256, 128>}, {pipeline_mode = #tpu.pipeline_mode<synchronous>, transform_indices = @transform_10, window_bounds = array<i64: 1, 128>}, {transform_indices = @transform_11, window_bounds = array<i64: 1000, 128>}, {transform_indices = @transform_12, window_bounds = array<i64: 1000, 128>}, {pipeline_mode = #tpu.pipeline_mode<synchronous>, transform_indices = @transform_13, window_bounds = array<i64: 64, 128>}]} {
    %get3A = arith.constant 0 : index
    %get3A_0 = arith.constant 0 : index
    %get3A_1 = arith.constant 0 : index
    %get3A_2 = vector.load %arg1[%get3A, %get3A_0, %get3A_1] : memref<2x1000x128xf32, #tpu.memory_space<vmem>>, vector<1x1000x128xf32>
    %get3A_3 = vector.shape_cast %get3A_2 : vector<1x1000x128xf32> to vector<1000x128xf32>
    %get3A_4 = arith.constant 1 : index
    %get3A_5 = arith.constant 0 : index
    %get3A_6 = arith.constant 0 : index
    %get3A_7 = vector.load %arg1[%get3A_4, %get3A_5, %get3A_6] : memref<2x1000x128xf32, #tpu.memory_space<vmem>>, vector<1x1000x128xf32>
    %get3A_8 = vector.shape_cast %get3A_7 : vector<1x1000x128xf32> to vector<1000x128xf32>
    %add3A = arith.addf %get3A_3, %get3A_8 : vector<1000x128xf32>
    %get3A_9 = arith.constant 0 : index
    %get3A_10 = arith.constant 0 : index
    %get3A_11 = vector.load %arg5[%get3A_9, %get3A_10] : memref<128x128xf32, #tpu.memory_space<vmem>>, vector<128x128xf32>
    %dot_general3A = arith.constant dense<0.000000e+00> : vector<1000x128xf32>
    %dot_general3A_12 = tpu.matmul %add3A, %get3A_11, %dot_general3A {dimension_numbers = #tpu.dot_dimension_numbers<[1], [0], [0], [1], [0, 0, 1, 1], [], []>, transpose_lhs_hint = false} : vector<1000x128xf32>, vector<128x128xf32>, vector<1000x128xf32> -> vector<1000x128xf32>
    %get3A_13 = arith.constant 0 : index
    %get3A_14 = arith.constant 0 : index
    %get3A_15 = vector.load %arg2[%get3A_13, %get3A_14] : memref<1000x128xf32, #tpu.memory_space<vmem>>, vector<1000x128xf32>
    %get3A_16 = arith.constant 0 : index
    %get3A_17 = arith.constant 0 : index
    %get3A_18 = vector.load %arg6[%get3A_16, %get3A_17] : memref<128x128xf32, #tpu.memory_space<vmem>>, vector<128x128xf32>
    %dot_general3A_19 = arith.constant dense<0.000000e+00> : vector<1000x128xf32>
    %dot_general3A_20 = tpu.matmul %get3A_15, %get3A_18, %dot_general3A_19 {dimension_numbers = #tpu.dot_dimension_numbers<[1], [0], [0], [1], [0, 0, 1, 1], [], []>, transpose_lhs_hint = false} : vector<1000x128xf32>, vector<128x128xf32>, vector<1000x128xf32> -> vector<1000x128xf32>
    %add3A_21 = arith.addf %dot_general3A_12, %dot_general3A_20 : vector<1000x128xf32>
    %get3A_22 = arith.constant 0 : index
    %get3A_23 = arith.constant 0 : index
    %get3A_24 = vector.load %arg7[%get3A_22, %get3A_23] : memref<1x128xf32, #tpu.memory_space<vmem>>, vector<1x128xf32>
    %add3A_25 = vector.broadcast %get3A_24 : vector<1x128xf32> to vector<1000x128xf32>
    %add3A_26 = arith.addf %add3A_21, %add3A_25 : vector<1000x128xf32>
    %max3A = arith.constant 0.000000e+00 : f32
    %max3A_27 = vector.broadcast %max3A : f32 to vector<1000x128xf32>
    %max3A_28 = arith.maximumf %add3A_26, %max3A_27 : vector<1000x128xf32>
    %swap3A = arith.constant 0 : index
    %swap3A_29 = arith.constant 0 : index
    %swap3A_30 = vector.load %arg12[%swap3A, %swap3A_29] : memref<1000x128xf32, #tpu.memory_space<vmem>>, vector<1000x128xf32>
    tpu.vector_store %arg12[%swap3A, %swap3A_29], %max3A_28 {strides = array<i32>} : memref<1000x128xf32, #tpu.memory_space<vmem>>, vector<1000x128xf32>,
    %get3A_31 = arith.constant 0 : index
    %get3A_32 = arith.constant 0 : index
    %get3A_33 = vector.load %arg3[%get3A_31, %get3A_32] : memref<1000x128xf32, #tpu.memory_space<vmem>>, vector<1000x128xf32>
    %mul3A = arith.mulf %max3A_28, %get3A_33 : vector<1000x128xf32>
    %swap3A_34 = arith.constant 0 : index
    %swap3A_35 = arith.constant 0 : index
    %swap3A_36 = vector.load %arg13[%swap3A_34, %swap3A_35] : memref<1000x128xf32, #tpu.memory_space<vmem>>, vector<1000x128xf32>
    tpu.vector_store %arg13[%swap3A_34, %swap3A_35], %mul3A {strides = array<i32>} : memref<1000x128xf32, #tpu.memory_space<vmem>>, vector<1000x128xf32>,
    %get3A_37 = arith.constant 0 : index
    %get3A_38 = arith.constant 0 : index
    %get3A_39 = arith.constant 0 : index
    %get3A_40 = vector.load %arg4[%get3A_37, %get3A_38, %get3A_39] : memref<1x64x1000xf32, #tpu.memory_space<vmem>>, vector<1x64x1000xf32>
    %get3A_41 = vector.shape_cast %get3A_40 : vector<1x64x1000xf32> to vector<64x1000xf32>
    %dot_general3A_42 = arith.constant dense<0.000000e+00> : vector<64x128xf32>
    %dot_general3A_43 = tpu.matmul %get3A_41, %max3A_28, %dot_general3A_42 {dimension_numbers = #tpu.dot_dimension_numbers<[1], [0], [0], [1], [0, 0, 1, 1], [], []>, transpose_lhs_hint = false} : vector<64x1000xf32>, vector<1000x128xf32>, vector<64x128xf32> -> vector<64x128xf32>
    %eq3A = arith.constant 0 : i32
    %eq3A_44 = arith.cmpi eq, %arg0, %eq3A : i32
    %convert_element_type3A = arith.extui %eq3A_44 : i1 to i32
    %cond3A = arith.constant 0 : i32
    %cond3A_45 = arith.cmpi ne, %convert_element_type3A, %cond3A : i32
    scf.if %cond3A_45 {
      %swap3A_55 = arith.constant 0 : index
      %swap3A_56 = arith.constant 0 : index
      %swap3A_57 = vector.load %arg15[%swap3A_55, %swap3A_56] : memref<64x128xf32, #tpu.memory_space<vmem>>, vector<64x128xf32>
      tpu.vector_store %arg15[%swap3A_55, %swap3A_56], %dot_general3A_43 {strides = array<i32>} : memref<64x128xf32, #tpu.memory_space<vmem>>, vector<64x128xf32>,
    } else {
    }
    %gt3A = arith.constant 0 : i32
    %gt3A_46 = arith.cmpi sgt, %arg0, %gt3A : i32
    %convert_element_type3A_47 = arith.extui %gt3A_46 : i1 to i32
    %cond3A_48 = arith.constant 0 : i32
    %cond3A_49 = arith.cmpi ne, %convert_element_type3A_47, %cond3A_48 : i32
    scf.if %cond3A_49 {
      %get3A_55 = arith.constant 0 : index
      %get3A_56 = arith.constant 0 : index
      %get3A_57 = vector.load %arg15[%get3A_55, %get3A_56] : memref<64x128xf32, #tpu.memory_space<vmem>>, vector<64x128xf32>
      %add3A_58 = arith.addf %get3A_57, %dot_general3A_43 : vector<64x128xf32>
      %swap3A_59 = arith.constant 0 : index
      %swap3A_60 = arith.constant 0 : index
      %swap3A_61 = vector.load %arg15[%swap3A_59, %swap3A_60] : memref<64x128xf32, #tpu.memory_space<vmem>>, vector<64x128xf32>
      tpu.vector_store %arg15[%swap3A_59, %swap3A_60], %add3A_58 {strides = array<i32>} : memref<64x128xf32, #tpu.memory_space<vmem>>, vector<64x128xf32>,
    } else {
    }
    %eq3A_50 = arith.constant 9 : i32
    %eq3A_51 = arith.cmpi eq, %arg0, %eq3A_50 : i32
    %convert_element_type3A_52 = arith.extui %eq3A_51 : i1 to i32
    %cond3A_53 = arith.constant 0 : i32
    %cond3A_54 = arith.cmpi ne, %convert_element_type3A_52, %cond3A_53 : i32
    scf.if %cond3A_54 {
      %get3A_55 = arith.constant 0 : index
      %get3A_56 = arith.constant 0 : index
      %get3A_57 = vector.load %arg15[%get3A_55, %get3A_56] : memref<64x128xf32, #tpu.memory_space<vmem>>, vector<64x128xf32>
      %get3A_58 = arith.constant 0 : index
      %get3A_59 = arith.constant 0 : index
      %get3A_60 = vector.load %arg8[%get3A_58, %get3A_59] : memref<128x256xf32, #tpu.memory_space<vmem>>, vector<128x256xf32>
      %dot_general3A_61 = arith.constant dense<0.000000e+00> : vector<64x256xf32>
      %dot_general3A_62 = tpu.matmul %get3A_57, %get3A_60, %dot_general3A_61 {dimension_numbers = #tpu.dot_dimension_numbers<[1], [0], [0], [1], [0, 0, 1, 1], [], []>, transpose_lhs_hint = false} : vector<64x128xf32>, vector<128x256xf32>, vector<64x256xf32> -> vector<64x256xf32>
      %get3A_63 = arith.constant 0 : index
      %get3A_64 = arith.constant 0 : index
      %get3A_65 = vector.load %arg9[%get3A_63, %get3A_64] : memref<1x256xf32, #tpu.memory_space<vmem>>, vector<1x256xf32>
      %add3A_66 = vector.broadcast %get3A_65 : vector<1x256xf32> to vector<64x256xf32>
      %add3A_67 = arith.addf %dot_general3A_62, %add3A_66 : vector<64x256xf32>
      %max3A_68 = arith.constant 0.000000e+00 : f32
      %max3A_69 = vector.broadcast %max3A_68 : f32 to vector<64x256xf32>
      %max3A_70 = arith.maximumf %add3A_67, %max3A_69 : vector<64x256xf32>
      %get3A_71 = arith.constant 0 : index
      %get3A_72 = arith.constant 0 : index
      %get3A_73 = vector.load %arg10[%get3A_71, %get3A_72] : memref<256x128xf32, #tpu.memory_space<vmem>>, vector<256x128xf32>
      %dot_general3A_74 = arith.constant dense<0.000000e+00> : vector<64x128xf32>
      %dot_general3A_75 = tpu.matmul %max3A_70, %get3A_73, %dot_general3A_74 {dimension_numbers = #tpu.dot_dimension_numbers<[1], [0], [0], [1], [0, 0, 1, 1], [], []>, transpose_lhs_hint = false} : vector<64x256xf32>, vector<256x128xf32>, vector<64x128xf32> -> vector<64x128xf32>
      %get3A_76 = arith.constant 0 : index
      %get3A_77 = arith.constant 0 : index
      %get3A_78 = vector.load %arg11[%get3A_76, %get3A_77] : memref<1x128xf32, #tpu.memory_space<vmem>>, vector<1x128xf32>
      %add3A_79 = vector.broadcast %get3A_78 : vector<1x128xf32> to vector<64x128xf32>
      %add3A_80 = arith.addf %dot_general3A_75, %add3A_79 : vector<64x128xf32>
      %max3A_81 = arith.constant 0.000000e+00 : f32
      %max3A_82 = vector.broadcast %max3A_81 : f32 to vector<64x128xf32>
      %max3A_83 = arith.maximumf %add3A_80, %max3A_82 : vector<64x128xf32>
      %swap3A_84 = arith.constant 0 : index
      %swap3A_85 = arith.constant 0 : index
      %swap3A_86 = vector.load %arg14[%swap3A_84, %swap3A_85] : memref<64x128xf32, #tpu.memory_space<vmem>>, vector<64x128xf32>
      tpu.vector_store %arg14[%swap3A_84, %swap3A_85], %max3A_83 {strides = array<i32>} : memref<64x128xf32, #tpu.memory_space<vmem>>, vector<64x128xf32>,
    } else {
    }
    return
  }
  func.func @transform_0(%arg0: i32) -> (i32, i32, i32) {
    %c0_i32 = arith.constant 0 : i32
    %c0_i32_0 = arith.constant 0 : i32
    %c0_i32_1 = arith.constant 0 : i32
    return %c0_i32, %arg0, %c0_i32_0 : i32, i32, i32
  }
  func.func @transform_1(%arg0: i32) -> (i32, i32) {
    %c0_i32 = arith.constant 0 : i32
    %c0_i32_0 = arith.constant 0 : i32
    return %arg0, %c0_i32 : i32, i32
  }
  func.func @transform_2(%arg0: i32) -> (i32, i32) {
    %c0_i32 = arith.constant 0 : i32
    %c0_i32_0 = arith.constant 0 : i32
    return %arg0, %c0_i32 : i32, i32
  }
  func.func @transform_3(%arg0: i32) -> (i32, i32, i32) {
    %c0_i32 = arith.constant 0 : i32
    %c0_i32_0 = arith.constant 0 : i32
    %c0_i32_1 = arith.constant 0 : i32
    return %arg0, %c0_i32, %c0_i32_0 : i32, i32, i32
  }
  func.func @transform_4(%arg0: i32) -> (i32, i32) {
    %c0_i32 = arith.constant 0 : i32
    %c0_i32_0 = arith.constant 0 : i32
    %c0_i32_1 = arith.constant 0 : i32
    return %c0_i32, %c0_i32_0 : i32, i32
  }
  func.func @transform_5(%arg0: i32) -> (i32, i32) {
    %c0_i32 = arith.constant 0 : i32
    %c0_i32_0 = arith.constant 0 : i32
    %c0_i32_1 = arith.constant 0 : i32
    return %c0_i32, %c0_i32_0 : i32, i32
  }
  func.func @transform_6(%arg0: i32) -> (i32, i32) {
    %c0_i32 = arith.constant 0 : i32
    %c0_i32_0 = arith.constant 0 : i32
    %c0_i32_1 = arith.constant 0 : i32
    return %c0_i32, %c0_i32_0 : i32, i32
  }
  func.func @transform_7(%arg0: i32) -> (i32, i32) {
    %c0_i32 = arith.constant 0 : i32
    %c0_i32_0 = arith.constant 0 : i32
    %c0_i32_1 = arith.constant 0 : i32
    return %c0_i32, %c0_i32_0 : i32, i32
  }
  func.func @transform_8(%arg0: i32) -> (i32, i32) {
    %c0_i32 = arith.constant 0 : i32
    %c0_i32_0 = arith.constant 0 : i32
    %c0_i32_1 = arith.constant 0 : i32
    return %c0_i32, %c0_i32_0 : i32, i32
  }
  func.func @transform_9(%arg0: i32) -> (i32, i32) {
    %c0_i32 = arith.constant 0 : i32
    %c0_i32_0 = arith.constant 0 : i32
    %c0_i32_1 = arith.constant 0 : i32
    return %c0_i32, %c0_i32_0 : i32, i32
  }
  func.func @transform_10(%arg0: i32) -> (i32, i32) {
    %c0_i32 = arith.constant 0 : i32
    %c0_i32_0 = arith.constant 0 : i32
    %c0_i32_1 = arith.constant 0 : i32
    return %c0_i32, %c0_i32_0 : i32, i32
  }
  func.func @transform_11(%arg0: i32) -> (i32, i32) {
    %c0_i32 = arith.constant 0 : i32
    %c0_i32_0 = arith.constant 0 : i32
    return %arg0, %c0_i32 : i32, i32
  }
  func.func @transform_12(%arg0: i32) -> (i32, i32) {
    %c0_i32 = arith.constant 0 : i32
    %c0_i32_0 = arith.constant 0 : i32
    return %arg0, %c0_i32 : i32, i32
  }
  func.func @transform_13(%arg0: i32) -> (i32, i32) {
    %c0_i32 = arith.constant 0 : i32
    %c0_i32_0 = arith.constant 0 : i32
    %c0_i32_1 = arith.constant 0 : i32
    return %c0_i32, %c0_i32_0 : i32, i32
  }
}

</mosaic_0001>

<sc_bundles>
// kernel: kernel.15.cloned.1.call-start
scs
__scs_entry_jumppad:
0x0: {  	(pc) =	sbr.rel $0x88, $3  }
0x1: {  	(tag) =	ssettag $0x0;
	lr =	simm.s32 $0x1  }
0x2: {  	[smem:$0x3F90] =	sst lr;
	_ =	strace $0xD0000000  }
0x3: {  	_ = 	snop  }
0x4: {  	_ = 	snop  }
0x5: {  	_ = 	snop  }
0x6: {  	_ = 	snop  }
0x7: {  	_ = 	snop  }
__scs_overlays_trampoline_lowered:
0x8: {  	[smem:$0x3F9F] =	sst s0  }
0x9: {  	[smem:$0x3FA0] =	sst s1  }
0xa: {  	[smem:$0x3FA1] =	sst s2  }
0xb: {  	[smem:$0x3FA2] =	sst s3  }
0xc: {  	[smem:$0x3FA3] =	sst s4  }
0xd: {  	[smem:$0x3FA4] =	sst s5  }
0xe: {  	[smem:$0x3FA5] =	sst s6  }
0xf: {  	[smem:$0x3FA6] =	sst s7  }
0x10: {  	[smem:$0x3FA7] =	sst s8  }
0x11: {  	[smem:$0x3FA8] =	sst s9;
	s0 =	simm.s32 @!p0 $0x0  }
0x12: {  	s1 =	sld [smem:$0x3F8E];
	s0 =	simm.s32 @p0 $0x1  }
0x13: {  	[smem:$0x3FA9] =	sst s0;
	s0 =	simm.s32 @!p1 $0x0  }
0x14: {  	s2 =	sld [smem:$0x3F8D];
	s0 =	simm.s32 @p1 $0x1  }
0x15: {  	[smem:$0x3FAA] =	sst s0;
	s0 =	simm.s32 @!p2 $0x0  }
0x16: {  	s3 =	sld [smem:$0x3FDB];
	s0 =	simm.s32 @p2 $0x1  }
0x17: {  	s4 =	simm.s32 $0x1BF5;
	[smem:$0x3FAC] =	sst s0  }
0x18: {  	s0 =	sld [smem:$0x3F8F];
	_ =	swait.ge [sflag:s4], $0x0  }
0x19: {  	s7 =	sld [smem:$0x3F90]  }
0x1a: {  	s8 =	sadd.s32 $0xFFFFE003, lr  }
0x1b: {  	s9 =	sadd.s32 $0xFFFFFEF7, lr;
	s5 =	simm.s32 $0xFFFFFFFF;
	p2 =	slt.u32 s8, $0xFFFFF086  }
0x1c: {  	p1 =	slt.u32 s9, $0xF7A;
	s5 =	simm.s32 @!p2 $0x0  }
0x1d: {  	s5 =	simm.s32 @p1 $0x1;
	p0 =	seq.s32 s7, s2  }
0x1e: {  	s7 =	smul.u32 @!p0 $0xF7A, s2;
	p2 =	seq.s32 @!p0 s5, $0x0  }
0x1f: {  	s9 =	smul.u32 $0xF7A, s1;
	s8 =	simm.s32 @!p0 $0x1BF5;
	p2 =	por !p2, p0  }
0x20: {  	[sflag:s8] =	ssyncset.s32 @!p0 $0xFFFFF086;
	s6 =	sadd.s32 @!p0 s3, s7;
	s7 =	simm.s32 @!p0 $0x108  }
0x21: {  	s3 =	sadd.s32 s3, s9;
	s6 =	sadd.s32 @!p0 $0x88, s6;
	s7 =	simm.s32 @p2 $0x1082  }
0x22: {  	[simem:s7], [sflag:s8] =	dma.local @!p0 [hbm:s6], $0xF7A  }
0x23: {  	s9 =	sor.u32 $0xD0000000, s2;
	s6 =	simm.s32 $0x108;
	_ =	swait.ge @!p0 [sflag:s8], $0x0  }
0x24: {  	s3 =	sadd.s32 $0x88, s3;
	s6 =	simm.s32 @!p1 $0x1082;
	[sflag:s4] =	ssyncset.s32 $0xFFFFF086  }
0x25: {  	[simem:s6], [sflag:s4] =	dma.local [hbm:s3], $0xF7A  }
0x26: {  	[smem:$0x3F90] =	sst s1;
	(tag) =	ssettag s2;
	_ =	strace s9  }
0x27: {  	s1 =	sld [smem:$0x3FA0]  }
0x28: {  	s2 =	sld [smem:$0x3FA1]  }
0x29: {  	s4 =	sld [smem:$0x3FA3]  }
0x2a: {  	p0 =	seq.s32 s5, $0x0;
	s5 =	sld [smem:$0x3FA4]  }
0x2b: {  	s6 =	sld [smem:$0x3FA5]  }
0x2c: {  	s7 =	sld [smem:$0x3FA6]  }
0x2d: {  	s3 =	simm.s32 $0x108;
	s8 =	sld [smem:$0x3FA7]  }
0x2e: {  	s3 =	simm.s32 @!p0 $0x1082;
	s9 =	sld [smem:$0x3FA8]  }
0x2f: {  	lr =	sadd.s32 s0, s3;
	s0 =	sld [smem:$0x3F9F]  }
0x30: {  	s3 =	sld [smem:$0x3FA2]  }
0x31: {  	[smem:$0x3FAB] =	sst s10  }
0x32: {  	s10 =	sld [smem:$0x3FA9];
	_ =	sdelay $0x3  }
0x33: {  	p0 =	seq.s32 s10, $0x1;
	s10 =	sld [smem:$0x3FAB];
	_ =	sdelay $0x3  }
0x34: {  	[smem:$0x3FAB] =	sst s10  }
0x35: {  	s10 =	sld [smem:$0x3FAA];
	_ =	sdelay $0x3  }
0x36: {  	p1 =	seq.s32 s10, $0x1;
	s10 =	sld [smem:$0x3FAB];
	_ =	sdelay $0x3  }
0x37: {  	[smem:$0x3FAB] =	sst s10  }
0x38: {  	s10 =	sld [smem:$0x3FAC]  }
0x39: {  	_ = 	snop;
	(pc) =	sbr.ind lr, $3  }
0x3a: {  	_ = 	snop  }
0x3b: {  	_ = 	snop  }
0x3c: {  	p2 =	seq.s32 s10, $0x1;
	s10 =	sld [smem:$0x3FAB]  }
0x3d: {  	_ =	shalt  }
0x3e: {  	_ =	shalt  }
0x3f: {  	_ =	shalt  }
0x40: {  	_ =	shalt  }
0x41: {  	_ =	shalt  }
0x42: {  	_ =	shalt  }
0x43: {  	_ =	shalt  }
0x44: {  	_ =	shalt  }
0x45: {  	_ =	shalt  }
0x46: {  	_ =	shalt  }
0x47: {  	_ =	shalt  }
0x48: {  	_ =	shalt  }
0x49: {  	_ =	shalt  }
0x4a: {  	_ =	shalt  }
0x4b: {  	_ =	shalt  }
0x4c: {  	_ =	shalt  }
0x4d: {  	_ =	shalt  }
0x4e: {  	_ =	shalt  }
0x4f: {  	_ =	shalt  }
0x50: {  	_ =	shalt  }
0x51: {  	_ =	shalt  }
0x52: {  	_ =	shalt  }
0x53: {  	_ =	shalt  }
0x54: {  	_ =	shalt  }
0x55: {  	_ =	shalt  }
0x56: {  	_ =	shalt  }
0x57: {  	_ =	shalt  }
0x58: {  	_ =	shalt  }
0x59: {  	_ =	shalt  }
0x5a: {  	_ =	shalt  }
0x5b: {  	_ =	shalt  }
0x5c: {  	_ =	shalt  }
0x5d: {  	_ =	shalt  }
0x5e: {  	_ =	shalt  }
0x5f: {  	_ =	shalt  }
0x60: {  	_ =	shalt  }
0x61: {  	_ =	shalt  }
0x62: {  	_ =	shalt  }
0x63: {  	_ =	shalt  }
0x64: {  	_ =	shalt  }
0x65: {  	_ =	shalt  }
0x66: {  	_ =	shalt  }
0x67: {  	_ =	shalt  }
0x68: {  	_ =	shalt  }
0x69: {  	_ =	shalt  }
0x6a: {  	_ =	shalt  }
0x6b: {  	_ =	shalt  }
0x6c: {  	_ =	shalt  }
0x6d: {  	_ =	shalt  }
0x6e: {  	_ =	shalt  }
0x6f: {  	_ =	shalt  }
0x70: {  	_ =	shalt  }
0x71: {  	_ =	shalt  }
0x72: {  	_ =	shalt  }
0x73: {  	_ =	shalt  }
0x74: {  	_ =	shalt  }
0x75: {  	_ =	shalt  }
0x76: {  	_ =	shalt  }
0x77: {  	_ =	shalt  }
0x78: {  	_ =	shalt  }
0x79: {  	_ =	shalt  }
0x7a: {  	_ =	shalt  }
0x7b: {  	_ =	shalt  }
0x7c: {  	_ =	shalt  }
0x7d: {  	_ =	shalt  }
0x7e: {  	_ =	shalt  }
0x7f: {  	_ =	shalt  }
0x80: {  	_ =	shalt  }
0x81: {  	_ =	shalt  }
0x82: {  	_ =	shalt  }
0x83: {  	_ =	shalt  }
0x84: {  	_ =	shalt  }
0x85: {  	_ =	shalt  }
0x86: {  	_ =	shalt  }
0x87: {  	_ =	shalt  }
.Lfunc_end0:
.L_simem_size_0:
called_computation_lowered:
.L_overlay_start_0:
0x88: {  	s2 =	sld [smem:$0x3FD9]  }
0x89: {  	s3 =	sld [smem:$0x3FFE];
	_ =	sdelay $0x1  }
0x8a: {  	s1 =	srdreg.scid  }
0x8b: {  	s0 =	sand.u32 $0x1, s1  }
0x8c: {  	s17 =	sshll.u32 s0, $0xA;
	s2 =	sadd.s32 s3, s2  }
0x8d: {  	s2 =	sadd.s32 s2, s17  }
0x8e: {  	[smem:$0x3FB7] =	sst s2  }
0x8f: {  	_ = 	snop  }
0x90: {  	s2 =	sld [smem:$0x3FD0];
	(tm) =	ssettm $0x1  }
0x91: {  	s18 =	sld [smem:$0x3FFB];
	_ =	sdelay $0x3  }
0x92: {  	_ =	strace s18  }
0x93: {  	s3 =	sld [smem:$0x3FFC];
	_ =	sdelay $0x3  }
0x94: {  	_ =	strace s3  }
0x95: {  	s3 =	sld [smem:$0x3FFD];
	_ =	sdelay $0x3  }
0x96: {  	_ =	strace s3  }
0x97: {  	_ =	strace $0x8FFFFFFF  }
0x98: {  	s19 =	sld [smem:$0x3FDB];
	_ =	sdelay $0x1  }
0x99: {  	s4 =	simm.s32 $_scs_section_size  }
0x9a: {  	s5 =	simm.s32 $_size__tile_overlayer_lowered;
	s6 =	simm.s32 $_tile_overlayer_lowered  }
0x9b: {  	s22 =	simm.s32 $0x1BFF;
	s21 =	sshll.u32 s6, $0x1;
	s3 =	sadd.s32 s4, s19  }
0x9c: {  	s7 =	simm.s32 $0x0;
	s20 =	sshll.u32 s5, $0x1;
	s5 =	sadd.s32 s21, s3  }
0x9d: {  	[timem:s7], [sflag:s22] =	dma.local [hbm:s5], s20  }
0x9e: {  	_ =	swait.ge [sflag:s22], s20  }
0x9f: {  	s4 =	ssub.s32 $0x0, s20;
	[sflag:s22] =	ssyncset.done $0x0  }
0xa0: {  	[sflag:s22] =	ssyncadd.s32 s4;
	_ =	sdelay $0x1  }
0xa1: {  	s23 =	simm.s32 $0x1B8B  }
0xa2: {  	_ =	swait.ge [sflag:s23], $0x1  }
0xa3: {  	[sflag:s23] =	ssyncset.done $0x0  }
0xa4: {  	s25 =	simm.s32 $0x1B8E;
	s24 =	sld [smem:$0x3FFE];
	[sflag:s23] =	ssyncadd.s32 $0xFFFFFFFF  }
0xa5: {  	s26 =	simm.s32 $execute0_lowered;
	[smem:$0x3FD2] =	sst s25  }
0xa6: {  	s5 =	sshll.u32 s26, $0x1;
	_ =	strace $0x80000046;
	[dreg:$0x1] =	wrdreg $0xFFFFFFFF  }
0xa7: {  	s28 =	simm.s32 $_size_execute0_lowered;
	s3 =	sadd.s32 s3, s5;
	[dreg:$0x0] =	wrdreg $0x0  }
0xa8: {  	s5 =	sshll.u32 s28, $0x1;
	[dreg:$0x2] =	wrdreg s3  }
0xa9: {  	[dreg:$0x3] =	wrdreg s5  }
0xaa: {  	[dreg:$0x4] =	wrdreg $0xC0  }
0xab: {  	_ =	task [dreg:s7], $0x5FFFF  }
0xac: {  	[dreg:$0x1] =	wrdreg $0xFFFFFFFF  }
0xad: {  	[dreg:$0x0] =	wrdreg $0x60  }
0xae: {  	[dreg:$0x2] =	wrdreg s24  }
0xaf: {  	[dreg:$0x3] =	wrdreg s2  }
0xb0: {  	[dreg:$0x4] =	wrdreg $0x90000  }
0xb1: {  	[dreg:$0x5] =	wrdreg $0x9  }
0xb2: {  	_ =	task.clear_ibuf [dreg:s7], $0x6FFFF;
	_ =	strace $0x90000046  }
0xb3: {  	s29 =	simm.s32 $0x9;
	_ =	strace $0x80000048  }
0xb4: {  	_ =	swait.ge [sflag:s29], $0x1  }
0xb5: {  	[sflag:s29] =	ssyncadd.s32 $0xFFFFFFFF  }
0xb6: {  	_ =	strace $0x90000048  }
0xb7: {  	_ =	sfence  }
0xb8: {  	s30 =	sld [smem:$0x0];
	_ =	sdelay $0x2  }
0xb9: {  	s31 =	sshll.u32 s1, $0xD;
	s1 =	sshrl.u32 s1, $0x2  }
0xba: {  	s3 =	sand.u32 $0x4000, s31;
	s1 =	sadd.s32 s1, s30  }
0xbb: {  	s0 =	sor.u32 s3, s0;
	s1 =	sshll.u32 s1, $0x11  }
0xbc: {  	s0 =	sor.u32 s1, s0  }
0xbd: {  	s0 =	sadd.s32 $0x8F2B, s0  }
0xbe: {  	[sflag:s0] =	ssyncadd.remote.s32 $0x1  }
0xbf: {  	_ =	sfence.sel $0xFFFF  }
0xc0: {  	[dreg:$0x0] =	wrdreg $0xFFFFFFFF;
	(pc) =	sbr.abs _section_cstart, $3  }
0xc1: {  	[dreg:$0x1] =	wrdreg $0xFFFFFFFF  }
0xc2: {  	_ =	task.clear_ibuf [dreg:s7], $0x2FFFF;
	_ =	strace $0x9FFFFFFF  }
0xc3: {  	(tm) =	ssettm $0x7FFFFFFF  }
tec
execute0_lowered:
.L_overlay_start_1:
0x0: {  	(tag) =	ssettag $0x1  }
0x1: {  	s6 =	rddreg [dreg:$0x0]  }
0x2: {  	s2 =	rddreg [dreg:$0x1];
	s1 =	srdreg.scid  }
0x3: {  	s0 =	stileid.u32;
	s3 =	rddreg [dreg:$0x2]  }
0x4: {  	s4 =	simm.s32 $0x0;
	s25 =	simm.s32 $0x2800;
	s26 =	simm.s32 $0x80  }
0x5: {  	s28 =	simm.s32 $0x1;
	s29 =	simm.s32 $0x0;
	s7 =	sand.u32 $0x1, s1  }
0x6: {  	s5 =	sshll.u32 s0, $0x1;
	[smem:$0x7FF] =	sst s4;
	s9 =	smul.u32 $0x50000, s0  }
0x7: {  	s22 =	sadd.s32 $0x42400, s6;
	s18 =	smul.u32 $0x14000, s0;
	s5 =	sor.u32 s7, s5  }
0x8: {  	_ =	strace $0x80000047;
	s30 =	ssub.s32 $0x2, s7;
	s19 =	smul.u32 $0x140000, s7  }
0x9: {  	s8 =	smul.u32 $0x500, s5;
	s5 =	sadd.s32 $0x1B200, s6;
	s10 =	sshrl.u32 s30, $0x1  }
0xa: {  	s9 =	sshrl.u32 s9, $0x2;
	s15 =	sadd.s32 $0x4000, s18;
	s20 =	sadd.s32 $0x8000, s18  }
0xb: {  	s21 =	sadd.s32 $0xC000, s18;
	s23 =	sadd.s32 $0x10000, s18;
	s10 =	ssub.s32 s30, s10  }
0xc: {  	s13 =	sadd.s32 s19, s18;
	s16 =	sadd.s32 s19, s15;
	s15 =	sadd.s32 s15, s3  }
0xd: {  	s17 =	sadd.s32 s20, s3;
	s20 =	sadd.s32 s19, s20;
	s31 =	sadd.s32 s19, s21  }
0xe: {  	s24 =	sadd.s32 s19, s23;
	s19 =	sadd.s32 s21, s3;
	s21 =	sadd.s32 s23, s3  }
0xf: {  	s23 =	simm.s32 $0x5000;
	s8 =	sadd.s32 s8, s6;
	s6 =	sadd.s32 s9, s3  }
0x10: {  	s9 =	smax.u32 s10, $0x1;
	s14 =	sshrl.u32 s13, $0x3;
	s16 =	sshrl.u32 s16, $0x3  }
0x11: {  	s20 =	sshrl.u32 s20, $0x3;
	s24 =	sshrl.u32 s24, $0x3;
	s7 =	sadd.s32 $0x11200, s8  }
0x12: {  	s8 =	sadd.s32 $0x7200, s8;
	s10 =	sadd.s32 $0x4000, s6;
	s11 =	sadd.s32 $0x8000, s6  }
0x13: {  	s12 =	sadd.s32 $0xC000, s6;
	s13 =	sadd.s32 $0x10000, s6;
	s14 =	sadd.s32 s22, s14  }
0x14: {  	s16 =	sadd.s32 s22, s16;
	s18 =	sadd.s32 s22, s20;
	s20 =	sshrl.u32 s31, $0x3  }
0x15: {  	s20 =	sadd.s32 s22, s20;
	s22 =	sadd.s32 s22, s24;
	s24 =	simm.s32 $0x2  }
.LBB2_1:
0x16: {  	[tilespmem:s23], [sflag:$0x2] =	stream.linear.gather [hbm4b:s2+s4], $0x4000, $0x38;
	[tilespmem:$0x1D000] =	vst v63  }
0x17: {  	_ =	swait.ge [sflag:s24], $0x4000  }
0x18: {  	[sflag:s24] =	ssyncset.done $0x0  }
0x19: {  	[sflag:s24] =	ssyncadd.s32 $0xFFFFC000  }
0x1a: {  	[spmem:s6] =	stream.linear.scatter [tilespmem:s23], [sflag:$0x2], $0x4000, $0x38;
	[tilespmem:$0x1D000] =	vst v63  }
0x1b: {  	_ =	swait.ge [sflag:s24], $0x4000  }
0x1c: {  	[sflag:s24] =	ssyncset.done $0x0  }
0x1d: {  	[sflag:s24] =	ssyncadd.s32 $0xFFFFC000  }
0x1e: {  	[spmem:s10] =	stream.linear.scatter [tilespmem:s23], [sflag:$0x2], $0x4000, $0x38;
	[tilespmem:$0x1D000] =	vst v63  }
0x1f: {  	_ =	swait.ge [sflag:s24], $0x4000  }
0x20: {  	[sflag:s24] =	ssyncset.done $0x0  }
0x21: {  	[sflag:s24] =	ssyncadd.s32 $0xFFFFC000  }
0x22: {  	[spmem:s11] =	stream.linear.scatter [tilespmem:s23], [sflag:$0x2], $0x4000, $0x38;
	[tilespmem:$0x1D000] =	vst v63  }
0x23: {  	_ =	swait.ge [sflag:s24], $0x4000  }
0x24: {  	[sflag:s24] =	ssyncset.done $0x0  }
0x25: {  	[sflag:s24] =	ssyncadd.s32 $0xFFFFC000  }
0x26: {  	[spmem:s12] =	stream.linear.scatter [tilespmem:s23], [sflag:$0x2], $0x4000, $0x38;
	[tilespmem:$0x1D000] =	vst v63  }
0x27: {  	_ =	swait.ge [sflag:s24], $0x4000  }
0x28: {  	[sflag:s24] =	ssyncset.done $0x0  }
0x29: {  	[sflag:s24] =	ssyncadd.s32 $0xFFFFC000  }
0x2a: {  	[spmem:s13] =	stream.linear.scatter [tilespmem:s23], [sflag:$0x2], $0x4000, $0x38;
	[tilespmem:$0x1D000] =	vst v63  }
0x2b: {  	_ =	swait.ge [sflag:s24], $0x4000  }
0x2c: {  	[sflag:s24] =	ssyncset.done $0x0  }
0x2d: {  	[sflag:s24] =	ssyncadd.s32 $0xFFFFC000  }
0x2e: {  	[bflag:$0x0] =	sbarrier.arrive $0xFFFF  }
0x2f: {  	[tilespmem:s4], [sflag:$0x2] =	stream.linear.gather [hbm4b:s7+s4], $0x2780, $0x38;
	[tilespmem:$0x1D000] =	vst v63  }
0x30: {  	_ =	swait.ge [sflag:s24], $0x2780  }
0x31: {  	[sflag:s24] =	ssyncset.done $0x0  }
0x32: {  	[sflag:s24] =	ssyncadd.s32 $0xFFFFD880  }
0x33: {  	[tilespmem:s25], [sflag:$0x2] =	stream.linear.gather [hbm4b:s8+s4], $0x2780, $0x38;
	[tilespmem:$0x1D000] =	vst v63  }
0x34: {  	_ =	swait.ge [sflag:s24], $0x2780  }
0x35: {  	[sflag:s24] =	ssyncset.done $0x0  }
0x36: {  	s30 =	simm.s32 $0x0;
	[sflag:s24] =	ssyncadd.s32 $0xFFFFD880  }
0x37: {  	[tilespmem:s23], [sflag:$0x1] =	stream.indirect.gather [hbm4b:s5+s26], $0x80, s30, s26, $0xb8;
	[tilespmem:$0x1D000] =	vst v63  }
0x38: {  	_ =	swait.ge [sflag:s28], $0x4000  }
0x39: {  	[sflag:s28] =	ssyncset.done $0x0  }
0x3a: {  	s30 =	simm.s32 $0x2800;
	[sflag:s28] =	ssyncadd.s32 $0xFFFFC000  }
0x3b: {  	[spmem:s3] =	stream.indirect.scatter.add.f32 [tilespmem:s23], [sflag:$0x2], $0x80, s30, s26, $0xb8;
	[tilespmem:$0x1D000] =	vst v63  }
0x3c: {  	_ =	swait.ge [sflag:s24], $0x4000  }
0x3d: {  	s31 =	simm.s32 $0x400;
	s30 =	simm.s32 $0x200;
	[sflag:s24] =	ssyncset.done $0x0  }
.LBB2_2:
0x3e: {  	s1 =	sshra.s32 s30, $0x2  }
0x3f: {  	[sflag:s24] =	ssyncadd.s32 $0xFFFFC000;
	s30 =	smov.u32 s31;
	s0 =	sadd.s32 $0x200, s31  }
0x40: {  	[tilespmem:s23], [sflag:$0x1] =	stream.indirect.gather [hbm4b:s5+s26], $0x80, s1, s26, $0xb8;
	[tilespmem:$0x1D000] =	vst v63  }
0x41: {  	p0 =	sne.s32 s31, $0x9C00;
	_ =	swait.ge [sflag:s28], $0x4000  }
.Ltmp0:
0x42: {  	[sflag:s28] =	ssyncset.done $0x0;
	(pc) =	sbr.rel @p0 .LBB2_2-.Ltmp0, $4  }
0x43: {  	s1 =	sadd.s32 $0x2800, s1;
	[sflag:s28] =	ssyncadd.s32 $0xFFFFC000  }
0x44: {  	[spmem:s3] =	stream.indirect.scatter.add.f32 [tilespmem:s23], [sflag:$0x2], $0x80, s1, s26, $0xb8;
	[tilespmem:$0x1D000] =	vst v63  }
0x45: {  	_ =	swait.ge [sflag:s24], $0x4000  }
0x46: {  	s31 =	smov.u32 s0;
	[sflag:s24] =	ssyncset.done $0x0  }
0x47: {  	s0 =	sshra.s32 s30, $0x2;
	[sflag:s24] =	ssyncadd.s32 $0xFFFFC000  }
0x48: {  	[tilespmem:s23], [sflag:$0x1] =	stream.indirect.gather [hbm4b:s5+s26], $0x80, s0, s26, $0xb8;
	[tilespmem:$0x1D000] =	vst v63  }
0x49: {  	_ =	swait.ge [sflag:s28], $0x4000  }
0x4a: {  	[sflag:s28] =	ssyncset.done $0x0  }
0x4b: {  	s0 =	sadd.s32 $0x2800, s0;
	[sflag:s28] =	ssyncadd.s32 $0xFFFFC000  }
0x4c: {  	[spmem:s3] =	stream.indirect.scatter.add.f32 [tilespmem:s23], [sflag:$0x2], $0x80, s0, s26, $0xb8;
	[tilespmem:$0x1D000] =	vst v63  }
0x4d: {  	_ =	swait.ge [sflag:s24], $0x4000  }
0x4e: {  	[sflag:s24] =	ssyncset.done $0x0  }
0x4f: {  	[sflag:s24] =	ssyncadd.s32 $0xFFFFC000  }
0x50: {  	[bflag:$0x0] =	sbarrier.arrive $0xFFFF  }
0x51: {  	[tilespmem:s23], [sflag:$0x2] =	stream.linear.gather [spmem:s6], $0x4000, $0x38;
	[tilespmem:$0x1D000] =	vst v63  }
0x52: {  	_ =	swait.ge [sflag:s24], $0x4000  }
0x53: {  	[sflag:s24] =	ssyncset.done $0x0  }
0x54: {  	[sflag:s24] =	ssyncadd.s32 $0xFFFFC000  }
0x55: {  	[hbm4b:s14+s4] =	stream.linear.scatter [tilespmem:s23], [sflag:$0x2], $0x4000, $0x38;
	[tilespmem:$0x1D000] =	vst v63  }
0x56: {  	_ =	swait.ge [sflag:s24], $0x4000  }
0x57: {  	[sflag:s24] =	ssyncset.done $0x0  }
0x58: {  	[sflag:s24] =	ssyncadd.s32 $0xFFFFC000  }
0x59: {  	[tilespmem:s23], [sflag:$0x2] =	stream.linear.gather [spmem:s15], $0x4000, $0x38;
	[tilespmem:$0x1D000] =	vst v63  }
0x5a: {  	_ =	swait.ge [sflag:s24], $0x4000  }
0x5b: {  	[sflag:s24] =	ssyncset.done $0x0  }
0x5c: {  	[sflag:s24] =	ssyncadd.s32 $0xFFFFC000  }
0x5d: {  	[hbm4b:s16+s4] =	stream.linear.scatter [tilespmem:s23], [sflag:$0x2], $0x4000, $0x38;
	[tilespmem:$0x1D000] =	vst v63  }
0x5e: {  	_ =	swait.ge [sflag:s24], $0x4000  }
0x5f: {  	[sflag:s24] =	ssyncset.done $0x0  }
0x60: {  	[sflag:s24] =	ssyncadd.s32 $0xFFFFC000  }
0x61: {  	[tilespmem:s23], [sflag:$0x2] =	stream.linear.gather [spmem:s17], $0x4000, $0x38;
	[tilespmem:$0x1D000] =	vst v63  }
0x62: {  	_ =	swait.ge [sflag:s24], $0x4000  }
0x63: {  	[sflag:s24] =	ssyncset.done $0x0  }
0x64: {  	[sflag:s24] =	ssyncadd.s32 $0xFFFFC000  }
0x65: {  	[hbm4b:s18+s4] =	stream.linear.scatter [tilespmem:s23], [sflag:$0x2], $0x4000, $0x38;
	[tilespmem:$0x1D000] =	vst v63  }
0x66: {  	_ =	swait.ge [sflag:s24], $0x4000  }
0x67: {  	[sflag:s24] =	ssyncset.done $0x0  }
0x68: {  	[sflag:s24] =	ssyncadd.s32 $0xFFFFC000  }
0x69: {  	[tilespmem:s23], [sflag:$0x2] =	stream.linear.gather [spmem:s19], $0x4000, $0x38;
	[tilespmem:$0x1D000] =	vst v63  }
0x6a: {  	_ =	swait.ge [sflag:s24], $0x4000  }
0x6b: {  	[sflag:s24] =	ssyncset.done $0x0  }
0x6c: {  	[sflag:s24] =	ssyncadd.s32 $0xFFFFC000  }
0x6d: {  	[hbm4b:s20+s4] =	stream.linear.scatter [tilespmem:s23], [sflag:$0x2], $0x4000, $0x38;
	[tilespmem:$0x1D000] =	vst v63  }
0x6e: {  	_ =	swait.ge [sflag:s24], $0x4000  }
0x6f: {  	[sflag:s24] =	ssyncset.done $0x0  }
0x70: {  	[sflag:s24] =	ssyncadd.s32 $0xFFFFC000  }
0x71: {  	[tilespmem:s23], [sflag:$0x2] =	stream.linear.gather [spmem:s21], $0x4000, $0x38;
	[tilespmem:$0x1D000] =	vst v63  }
0x72: {  	s29 =	sadd.s32 $0x1, s29;
	_ =	swait.ge [sflag:s24], $0x4000  }
0x73: {  	p0 =	sne.s32 s29, s9;
	[sflag:s24] =	ssyncset.done $0x0  }
.Ltmp1:
0x74: {  	[sflag:s24] =	ssyncadd.s32 $0xFFFFC000;
	(pc) =	sbr.rel @p0 .LBB2_1-.Ltmp1, $4  }
0x75: {  	[hbm4b:s22+s4] =	stream.linear.scatter [tilespmem:s23], [sflag:$0x2], $0x4000, $0x38;
	[tilespmem:$0x1D000] =	vst v63  }
0x76: {  	_ =	swait.ge [sflag:s24], $0x4000  }
0x77: {  	[sflag:s24] =	ssyncset.done $0x0  }
0x78: {  	[sflag:s24] =	ssyncadd.s32 $0xFFFFC000  }
0x79: {  	_ =	sfence.sel $0x180000  }
0x7a: {  	[bflag:$0x0] =	sbarrier.arrive $0xFFFF  }
0x7b: {  	_ =	strace $0x90000047  }
0x7c: {  	s0 =	stileid.u32;
	[bflag:$0x2] =	sbarrier.arrive $0xFFFF  }
0x7d: {  	p0 =	sne.s32 s0, $0x0;
	s0 =	rddreg [dreg:$0x3]  }
0x7e: {  	s0 =	sadd.s32 @!p0 $0x100000, s0  }
0x7f: {  	[sflag:s0] =	ssyncadd.tile.s32 @!p0 $0x1;
	_ =	shalt  }
.Lfunc_end2:
_tile_overlayer_lowered:
.L_overlay_start_2:
0x80: {  	(tag) =	ssettag $0x2  }
0x81: {  	s0 =	rddreg [dreg:$0x0];
	s2 =	stileid.u32  }
0x82: {  	s1 =	rddreg [dreg:$0x1];
	p0 =	sne.s32 s2, $0x0  }
0x83: {  	s3 =	rddreg [dreg:$0x2];
	[bflag:$0x3] =	sbarrier.arrive $0xFFFF;
	s2 =	simm.s32 @!p0 $0x1C02  }
0x84: {  	[timem:s3], [sflag:s2] =	dma.local @!p0 [hbm:s0], s1  }
0x85: {  	s0 =	simm.s32 @!p0 $0x2  }
0x86: {  	_ =	swait.ge @!p0 [sflag:s0], s1  }
0x87: {  	s1 =	ssub.s32 @!p0 $0x0, s1;
	[sflag:s0] =	ssyncset.done @!p0 $0x0  }
0x88: {  	[sflag:s0] =	ssyncadd.s32 @!p0 s1  }
0x89: {  	[bflag:$0x3] =	sbarrier.arrive $0xFFFF  }
0x8a: {  	_ =	shalt  }

// kernel: kernel.18.cloned.1.call-start
scs
__scs_entry_jumppad:
0x0: {  	(pc) =	sbr.rel $0x88, $3  }
0x1: {  	(tag) =	ssettag $0x0;
	lr =	simm.s32 $0x1  }
0x2: {  	[smem:$0x3F90] =	sst lr;
	_ =	strace $0xD0000000  }
0x3: {  	_ = 	snop  }
0x4: {  	_ = 	snop  }
0x5: {  	_ = 	snop  }
0x6: {  	_ = 	snop  }
0x7: {  	_ = 	snop  }
__scs_overlays_trampoline_lowered:
0x8: {  	[smem:$0x3F9F] =	sst s0  }
0x9: {  	[smem:$0x3FA0] =	sst s1  }
0xa: {  	[smem:$0x3FA1] =	sst s2  }
0xb: {  	[smem:$0x3FA2] =	sst s3  }
0xc: {  	[smem:$0x3FA3] =	sst s4  }
0xd: {  	[smem:$0x3FA4] =	sst s5  }
0xe: {  	[smem:$0x3FA5] =	sst s6  }
0xf: {  	[smem:$0x3FA6] =	sst s7  }
0x10: {  	[smem:$0x3FA7] =	sst s8  }
0x11: {  	[smem:$0x3FA8] =	sst s9;
	s0 =	simm.s32 @!p0 $0x0  }
0x12: {  	s1 =	sld [smem:$0x3F8E];
	s0 =	simm.s32 @p0 $0x1  }
0x13: {  	[smem:$0x3FA9] =	sst s0;
	s0 =	simm.s32 @!p1 $0x0  }
0x14: {  	s2 =	sld [smem:$0x3F8D];
	s0 =	simm.s32 @p1 $0x1  }
0x15: {  	[smem:$0x3FAA] =	sst s0;
	s0 =	simm.s32 @!p2 $0x0  }
0x16: {  	s3 =	sld [smem:$0x3FDB];
	s0 =	simm.s32 @p2 $0x1  }
0x17: {  	s4 =	simm.s32 $0x1BF5;
	[smem:$0x3FAC] =	sst s0  }
0x18: {  	s0 =	sld [smem:$0x3F8F];
	_ =	swait.ge [sflag:s4], $0x0  }
0x19: {  	s7 =	sld [smem:$0x3F90]  }
0x1a: {  	s8 =	sadd.s32 $0xFFFFE003, lr  }
0x1b: {  	s9 =	sadd.s32 $0xFFFFFEF7, lr;
	s5 =	simm.s32 $0xFFFFFFFF;
	p2 =	slt.u32 s8, $0xFFFFF086  }
0x1c: {  	p1 =	slt.u32 s9, $0xF7A;
	s5 =	simm.s32 @!p2 $0x0  }
0x1d: {  	s5 =	simm.s32 @p1 $0x1;
	p0 =	seq.s32 s7, s2  }
0x1e: {  	s7 =	smul.u32 @!p0 $0xF7A, s2;
	p2 =	seq.s32 @!p0 s5, $0x0  }
0x1f: {  	s9 =	smul.u32 $0xF7A, s1;
	s8 =	simm.s32 @!p0 $0x1BF5;
	p2 =	por !p2, p0  }
0x20: {  	[sflag:s8] =	ssyncset.s32 @!p0 $0xFFFFF086;
	s6 =	sadd.s32 @!p0 s3, s7;
	s7 =	simm.s32 @!p0 $0x108  }
0x21: {  	s3 =	sadd.s32 s3, s9;
	s6 =	sadd.s32 @!p0 $0x88, s6;
	s7 =	simm.s32 @p2 $0x1082  }
0x22: {  	[simem:s7], [sflag:s8] =	dma.local @!p0 [hbm:s6], $0xF7A  }
0x23: {  	s9 =	sor.u32 $0xD0000000, s2;
	s6 =	simm.s32 $0x108;
	_ =	swait.ge @!p0 [sflag:s8], $0x0  }
0x24: {  	s3 =	sadd.s32 $0x88, s3;
	s6 =	simm.s32 @!p1 $0x1082;
	[sflag:s4] =	ssyncset.s32 $0xFFFFF086  }
0x25: {  	[simem:s6], [sflag:s4] =	dma.local [hbm:s3], $0xF7A  }
0x26: {  	[smem:$0x3F90] =	sst s1;
	(tag) =	ssettag s2;
	_ =	strace s9  }
0x27: {  	s1 =	sld [smem:$0x3FA0]  }
0x28: {  	s2 =	sld [smem:$0x3FA1]  }
0x29: {  	s4 =	sld [smem:$0x3FA3]  }
0x2a: {  	p0 =	seq.s32 s5, $0x0;
	s5 =	sld [smem:$0x3FA4]  }
0x2b: {  	s6 =	sld [smem:$0x3FA5]  }
0x2c: {  	s7 =	sld [smem:$0x3FA6]  }
0x2d: {  	s3 =	simm.s32 $0x108;
	s8 =	sld [smem:$0x3FA7]  }
0x2e: {  	s3 =	simm.s32 @!p0 $0x1082;
	s9 =	sld [smem:$0x3FA8]  }
0x2f: {  	lr =	sadd.s32 s0, s3;
	s0 =	sld [smem:$0x3F9F]  }
0x30: {  	s3 =	sld [smem:$0x3FA2]  }
0x31: {  	[smem:$0x3FAB] =	sst s10  }
0x32: {  	s10 =	sld [smem:$0x3FA9];
	_ =	sdelay $0x3  }
0x33: {  	p0 =	seq.s32 s10, $0x1;
	s10 =	sld [smem:$0x3FAB];
	_ =	sdelay $0x3  }
0x34: {  	[smem:$0x3FAB] =	sst s10  }
0x35: {  	s10 =	sld [smem:$0x3FAA];
	_ =	sdelay $0x3  }
0x36: {  	p1 =	seq.s32 s10, $0x1;
	s10 =	sld [smem:$0x3FAB];
	_ =	sdelay $0x3  }
0x37: {  	[smem:$0x3FAB] =	sst s10  }
0x38: {  	s10 =	sld [smem:$0x3FAC]  }
0x39: {  	_ = 	snop;
	(pc) =	sbr.ind lr, $3  }
0x3a: {  	_ = 	snop  }
0x3b: {  	_ = 	snop  }
0x3c: {  	p2 =	seq.s32 s10, $0x1;
	s10 =	sld [smem:$0x3FAB]  }
0x3d: {  	_ =	shalt  }
0x3e: {  	_ =	shalt  }
0x3f: {  	_ =	shalt  }
0x40: {  	_ =	shalt  }
0x41: {  	_ =	shalt  }
0x42: {  	_ =	shalt  }
0x43: {  	_ =	shalt  }
0x44: {  	_ =	shalt  }
0x45: {  	_ =	shalt  }
0x46: {  	_ =	shalt  }
0x47: {  	_ =	shalt  }
0x48: {  	_ =	shalt  }
0x49: {  	_ =	shalt  }
0x4a: {  	_ =	shalt  }
0x4b: {  	_ =	shalt  }
0x4c: {  	_ =	shalt  }
0x4d: {  	_ =	shalt  }
0x4e: {  	_ =	shalt  }
0x4f: {  	_ =	shalt  }
0x50: {  	_ =	shalt  }
0x51: {  	_ =	shalt  }
0x52: {  	_ =	shalt  }
0x53: {  	_ =	shalt  }
0x54: {  	_ =	shalt  }
0x55: {  	_ =	shalt  }
0x56: {  	_ =	shalt  }
0x57: {  	_ =	shalt  }
0x58: {  	_ =	shalt  }
0x59: {  	_ =	shalt  }
0x5a: {  	_ =	shalt  }
0x5b: {  	_ =	shalt  }
0x5c: {  	_ =	shalt  }
0x5d: {  	_ =	shalt  }
0x5e: {  	_ =	shalt  }
0x5f: {  	_ =	shalt  }
0x60: {  	_ =	shalt  }
0x61: {  	_ =	shalt  }
0x62: {  	_ =	shalt  }
0x63: {  	_ =	shalt  }
0x64: {  	_ =	shalt  }
0x65: {  	_ =	shalt  }
0x66: {  	_ =	shalt  }
0x67: {  	_ =	shalt  }
0x68: {  	_ =	shalt  }
0x69: {  	_ =	shalt  }
0x6a: {  	_ =	shalt  }
0x6b: {  	_ =	shalt  }
0x6c: {  	_ =	shalt  }
0x6d: {  	_ =	shalt  }
0x6e: {  	_ =	shalt  }
0x6f: {  	_ =	shalt  }
0x70: {  	_ =	shalt  }
0x71: {  	_ =	shalt  }
0x72: {  	_ =	shalt  }
0x73: {  	_ =	shalt  }
0x74: {  	_ =	shalt  }
0x75: {  	_ =	shalt  }
0x76: {  	_ =	shalt  }
0x77: {  	_ =	shalt  }
0x78: {  	_ =	shalt  }
0x79: {  	_ =	shalt  }
0x7a: {  	_ =	shalt  }
0x7b: {  	_ =	shalt  }
0x7c: {  	_ =	shalt  }
0x7d: {  	_ =	shalt  }
0x7e: {  	_ =	shalt  }
0x7f: {  	_ =	shalt  }
0x80: {  	_ =	shalt  }
0x81: {  	_ =	shalt  }
0x82: {  	_ =	shalt  }
0x83: {  	_ =	shalt  }
0x84: {  	_ =	shalt  }
0x85: {  	_ =	shalt  }
0x86: {  	_ =	shalt  }
0x87: {  	_ =	shalt  }
.Lfunc_end0:
.L_simem_size_0:
called_computation.1_lowered:
.L_overlay_start_0:
0x88: {  	s2 =	sld [smem:$0x3FD9]  }
0x89: {  	s3 =	sld [smem:$0x3FFE];
	_ =	sdelay $0x1  }
0x8a: {  	s1 =	srdreg.scid  }
0x8b: {  	s0 =	sand.u32 $0x1, s1  }
0x8c: {  	s17 =	sshll.u32 s0, $0xA;
	s2 =	sadd.s32 s3, s2  }
0x8d: {  	s2 =	sadd.s32 s2, s17  }
0x8e: {  	[smem:$0x3FB7] =	sst s2  }
0x8f: {  	_ = 	snop  }
0x90: {  	s2 =	sld [smem:$0x3FD0];
	(tm) =	ssettm $0x1  }
0x91: {  	s18 =	sld [smem:$0x3FFB];
	_ =	sdelay $0x3  }
0x92: {  	_ =	strace s18  }
0x93: {  	s3 =	sld [smem:$0x3FFC];
	_ =	sdelay $0x3  }
0x94: {  	_ =	strace s3  }
0x95: {  	s3 =	sld [smem:$0x3FFD];
	_ =	sdelay $0x3  }
0x96: {  	_ =	strace s3  }
0x97: {  	_ =	strace $0x8FFFFFFF  }
0x98: {  	s19 =	sld [smem:$0x3FDB];
	_ =	sdelay $0x1  }
0x99: {  	s4 =	simm.s32 $_scs_section_size  }
0x9a: {  	s5 =	simm.s32 $_size__tile_overlayer_lowered;
	s6 =	simm.s32 $_tile_overlayer_lowered  }
0x9b: {  	s22 =	simm.s32 $0x1BFF;
	s21 =	sshll.u32 s6, $0x1;
	s3 =	sadd.s32 s4, s19  }
0x9c: {  	s7 =	simm.s32 $0x0;
	s20 =	sshll.u32 s5, $0x1;
	s5 =	sadd.s32 s21, s3  }
0x9d: {  	[timem:s7], [sflag:s22] =	dma.local [hbm:s5], s20  }
0x9e: {  	_ =	swait.ge [sflag:s22], s20  }
0x9f: {  	s4 =	ssub.s32 $0x0, s20;
	[sflag:s22] =	ssyncset.done $0x0  }
0xa0: {  	[sflag:s22] =	ssyncadd.s32 s4;
	_ =	sdelay $0x1  }
0xa1: {  	s23 =	simm.s32 $0x1B8B  }
0xa2: {  	_ =	swait.ge [sflag:s23], $0x1  }
0xa3: {  	[sflag:s23] =	ssyncset.done $0x0  }
0xa4: {  	s25 =	simm.s32 $0x1B8E;
	s24 =	sld [smem:$0x3FFE];
	[sflag:s23] =	ssyncadd.s32 $0xFFFFFFFF  }
0xa5: {  	s26 =	simm.s32 $execute0_lowered;
	[smem:$0x3FD2] =	sst s25  }
0xa6: {  	s5 =	sshll.u32 s26, $0x1;
	_ =	strace $0x80000049;
	[dreg:$0x1] =	wrdreg $0xFFFFFFFF  }
0xa7: {  	s28 =	simm.s32 $_size_execute0_lowered;
	s3 =	sadd.s32 s3, s5;
	[dreg:$0x0] =	wrdreg $0x0  }
0xa8: {  	s5 =	sshll.u32 s28, $0x1;
	[dreg:$0x2] =	wrdreg s3  }
0xa9: {  	[dreg:$0x3] =	wrdreg s5  }
0xaa: {  	[dreg:$0x4] =	wrdreg $0xC0  }
0xab: {  	_ =	task [dreg:s7], $0x5FFFF  }
0xac: {  	[dreg:$0x1] =	wrdreg $0xFFFFFFFF  }
0xad: {  	[dreg:$0x0] =	wrdreg $0x60  }
0xae: {  	[dreg:$0x2] =	wrdreg s24  }
0xaf: {  	[dreg:$0x3] =	wrdreg s2  }
0xb0: {  	[dreg:$0x4] =	wrdreg $0x90000  }
0xb1: {  	[dreg:$0x5] =	wrdreg $0x9  }
0xb2: {  	_ =	task.clear_ibuf [dreg:s7], $0x6FFFF;
	_ =	strace $0x90000049  }
0xb3: {  	s29 =	simm.s32 $0x9;
	_ =	strace $0x8000004B  }
0xb4: {  	_ =	swait.ge [sflag:s29], $0x1  }
0xb5: {  	[sflag:s29] =	ssyncadd.s32 $0xFFFFFFFF  }
0xb6: {  	_ =	strace $0x9000004B  }
0xb7: {  	_ =	sfence  }
0xb8: {  	s30 =	sld [smem:$0x0];
	_ =	sdelay $0x2  }
0xb9: {  	s31 =	sshll.u32 s1, $0xD;
	s1 =	sshrl.u32 s1, $0x2  }
0xba: {  	s3 =	sand.u32 $0x4000, s31;
	s1 =	sadd.s32 s1, s30  }
0xbb: {  	s0 =	sor.u32 s3, s0;
	s1 =	sshll.u32 s1, $0x11  }
0xbc: {  	s0 =	sor.u32 s1, s0  }
0xbd: {  	s0 =	sadd.s32 $0x8F2B, s0  }
0xbe: {  	[sflag:s0] =	ssyncadd.remote.s32 $0x1  }
0xbf: {  	_ =	sfence.sel $0xFFFF  }
0xc0: {  	[dreg:$0x0] =	wrdreg $0xFFFFFFFF;
	(pc) =	sbr.abs _section_cstart, $3  }
0xc1: {  	[dreg:$0x1] =	wrdreg $0xFFFFFFFF  }
0xc2: {  	_ =	task.clear_ibuf [dreg:s7], $0x2FFFF;
	_ =	strace $0x9FFFFFFF  }
0xc3: {  	(tm) =	ssettm $0x7FFFFFFF  }
tec
execute0_lowered:
.L_overlay_start_1:
0x0: {  	(tag) =	ssettag $0x1  }
0x1: {  	s6 =	rddreg [dreg:$0x0]  }
0x2: {  	s2 =	rddreg [dreg:$0x1];
	s1 =	srdreg.scid  }
0x3: {  	s0 =	stileid.u32;
	s3 =	rddreg [dreg:$0x2]  }
0x4: {  	s4 =	simm.s32 $0x0;
	s25 =	simm.s32 $0x2800;
	s26 =	simm.s32 $0x80  }
0x5: {  	s28 =	simm.s32 $0x1;
	s29 =	simm.s32 $0x0;
	s7 =	sand.u32 $0x1, s1  }
0x6: {  	s5 =	sshll.u32 s0, $0x1;
	[smem:$0x7FF] =	sst s4;
	s9 =	smul.u32 $0x50000, s0  }
0x7: {  	s22 =	sadd.s32 $0x92A00, s6;
	s18 =	smul.u32 $0x14000, s0;
	s5 =	sor.u32 s7, s5  }
0x8: {  	_ =	strace $0x8000004A;
	s30 =	ssub.s32 $0x2, s7;
	s19 =	smul.u32 $0x140000, s7  }
0x9: {  	s8 =	smul.u32 $0x500, s5;
	s5 =	sadd.s32 $0x1B200, s6;
	s10 =	sshrl.u32 s30, $0x1  }
0xa: {  	s9 =	sshrl.u32 s9, $0x2;
	s15 =	sadd.s32 $0x4000, s18;
	s20 =	sadd.s32 $0x8000, s18  }
0xb: {  	s21 =	sadd.s32 $0xC000, s18;
	s23 =	sadd.s32 $0x10000, s18;
	s10 =	ssub.s32 s30, s10  }
0xc: {  	s13 =	sadd.s32 s19, s18;
	s16 =	sadd.s32 s19, s15;
	s15 =	sadd.s32 s15, s3  }
0xd: {  	s17 =	sadd.s32 s20, s3;
	s20 =	sadd.s32 s19, s20;
	s31 =	sadd.s32 s19, s21  }
0xe: {  	s24 =	sadd.s32 s19, s23;
	s19 =	sadd.s32 s21, s3;
	s21 =	sadd.s32 s23, s3  }
0xf: {  	s23 =	simm.s32 $0x5000;
	s8 =	sadd.s32 s8, s6;
	s6 =	sadd.s32 s9, s3  }
0x10: {  	s9 =	smax.u32 s10, $0x1;
	s14 =	sshrl.u32 s13, $0x3;
	s16 =	sshrl.u32 s16, $0x3  }
0x11: {  	s20 =	sshrl.u32 s20, $0x3;
	s24 =	sshrl.u32 s24, $0x3;
	s7 =	sadd.s32 $0x11200, s8  }
0x12: {  	s8 =	sadd.s32 $0x7200, s8;
	s10 =	sadd.s32 $0x4000, s6;
	s11 =	sadd.s32 $0x8000, s6  }
0x13: {  	s12 =	sadd.s32 $0xC000, s6;
	s13 =	sadd.s32 $0x10000, s6;
	s14 =	sadd.s32 s22, s14  }
0x14: {  	s16 =	sadd.s32 s22, s16;
	s18 =	sadd.s32 s22, s20;
	s20 =	sshrl.u32 s31, $0x3  }
0x15: {  	s20 =	sadd.s32 s22, s20;
	s22 =	sadd.s32 s22, s24;
	s24 =	simm.s32 $0x2  }
.LBB2_1:
0x16: {  	[tilespmem:s23], [sflag:$0x2] =	stream.linear.gather [hbm4b:s2+s4], $0x4000, $0x38;
	[tilespmem:$0x1D000] =	vst v63  }
0x17: {  	_ =	swait.ge [sflag:s24], $0x4000  }
0x18: {  	[sflag:s24] =	ssyncset.done $0x0  }
0x19: {  	[sflag:s24] =	ssyncadd.s32 $0xFFFFC000  }
0x1a: {  	[spmem:s6] =	stream.linear.scatter [tilespmem:s23], [sflag:$0x2], $0x4000, $0x38;
	[tilespmem:$0x1D000] =	vst v63  }
0x1b: {  	_ =	swait.ge [sflag:s24], $0x4000  }
0x1c: {  	[sflag:s24] =	ssyncset.done $0x0  }
0x1d: {  	[sflag:s24] =	ssyncadd.s32 $0xFFFFC000  }
0x1e: {  	[spmem:s10] =	stream.linear.scatter [tilespmem:s23], [sflag:$0x2], $0x4000, $0x38;
	[tilespmem:$0x1D000] =	vst v63  }
0x1f: {  	_ =	swait.ge [sflag:s24], $0x4000  }
0x20: {  	[sflag:s24] =	ssyncset.done $0x0  }
0x21: {  	[sflag:s24] =	ssyncadd.s32 $0xFFFFC000  }
0x22: {  	[spmem:s11] =	stream.linear.scatter [tilespmem:s23], [sflag:$0x2], $0x4000, $0x38;
	[tilespmem:$0x1D000] =	vst v63  }
0x23: {  	_ =	swait.ge [sflag:s24], $0x4000  }
0x24: {  	[sflag:s24] =	ssyncset.done $0x0  }
0x25: {  	[sflag:s24] =	ssyncadd.s32 $0xFFFFC000  }
0x26: {  	[spmem:s12] =	stream.linear.scatter [tilespmem:s23], [sflag:$0x2], $0x4000, $0x38;
	[tilespmem:$0x1D000] =	vst v63  }
0x27: {  	_ =	swait.ge [sflag:s24], $0x4000  }
0x28: {  	[sflag:s24] =	ssyncset.done $0x0  }
0x29: {  	[sflag:s24] =	ssyncadd.s32 $0xFFFFC000  }
0x2a: {  	[spmem:s13] =	stream.linear.scatter [tilespmem:s23], [sflag:$0x2], $0x4000, $0x38;
	[tilespmem:$0x1D000] =	vst v63  }
0x2b: {  	_ =	swait.ge [sflag:s24], $0x4000  }
0x2c: {  	[sflag:s24] =	ssyncset.done $0x0  }
0x2d: {  	[sflag:s24] =	ssyncadd.s32 $0xFFFFC000  }
0x2e: {  	[bflag:$0x0] =	sbarrier.arrive $0xFFFF  }
0x2f: {  	[tilespmem:s4], [sflag:$0x2] =	stream.linear.gather [hbm4b:s7+s4], $0x2780, $0x38;
	[tilespmem:$0x1D000] =	vst v63  }
0x30: {  	_ =	swait.ge [sflag:s24], $0x2780  }
0x31: {  	[sflag:s24] =	ssyncset.done $0x0  }
0x32: {  	[sflag:s24] =	ssyncadd.s32 $0xFFFFD880  }
0x33: {  	[tilespmem:s25], [sflag:$0x2] =	stream.linear.gather [hbm4b:s8+s4], $0x2780, $0x38;
	[tilespmem:$0x1D000] =	vst v63  }
0x34: {  	_ =	swait.ge [sflag:s24], $0x2780  }
0x35: {  	[sflag:s24] =	ssyncset.done $0x0  }
0x36: {  	s30 =	simm.s32 $0x0;
	[sflag:s24] =	ssyncadd.s32 $0xFFFFD880  }
0x37: {  	[tilespmem:s23], [sflag:$0x1] =	stream.indirect.gather [hbm4b:s5+s26], $0x80, s30, s26, $0xb8;
	[tilespmem:$0x1D000] =	vst v63  }
0x38: {  	_ =	swait.ge [sflag:s28], $0x4000  }
0x39: {  	[sflag:s28] =	ssyncset.done $0x0  }
0x3a: {  	s30 =	simm.s32 $0x2800;
	[sflag:s28] =	ssyncadd.s32 $0xFFFFC000  }
0x3b: {  	[spmem:s3] =	stream.indirect.scatter.add.f32 [tilespmem:s23], [sflag:$0x2], $0x80, s30, s26, $0xb8;
	[tilespmem:$0x1D000] =	vst v63  }
0x3c: {  	_ =	swait.ge [sflag:s24], $0x4000  }
0x3d: {  	s31 =	simm.s32 $0x400;
	s30 =	simm.s32 $0x200;
	[sflag:s24] =	ssyncset.done $0x0  }
.LBB2_2:
0x3e: {  	s1 =	sshra.s32 s30, $0x2  }
0x3f: {  	[sflag:s24] =	ssyncadd.s32 $0xFFFFC000;
	s30 =	smov.u32 s31;
	s0 =	sadd.s32 $0x200, s31  }
0x40: {  	[tilespmem:s23], [sflag:$0x1] =	stream.indirect.gather [hbm4b:s5+s26], $0x80, s1, s26, $0xb8;
	[tilespmem:$0x1D000] =	vst v63  }
0x41: {  	p0 =	sne.s32 s31, $0x9C00;
	_ =	swait.ge [sflag:s28], $0x4000  }
.Ltmp0:
0x42: {  	[sflag:s28] =	ssyncset.done $0x0;
	(pc) =	sbr.rel @p0 .LBB2_2-.Ltmp0, $4  }
0x43: {  	s1 =	sadd.s32 $0x2800, s1;
	[sflag:s28] =	ssyncadd.s32 $0xFFFFC000  }
0x44: {  	[spmem:s3] =	stream.indirect.scatter.add.f32 [tilespmem:s23], [sflag:$0x2], $0x80, s1, s26, $0xb8;
	[tilespmem:$0x1D000] =	vst v63  }
0x45: {  	_ =	swait.ge [sflag:s24], $0x4000  }
0x46: {  	s31 =	smov.u32 s0;
	[sflag:s24] =	ssyncset.done $0x0  }
0x47: {  	s0 =	sshra.s32 s30, $0x2;
	[sflag:s24] =	ssyncadd.s32 $0xFFFFC000  }
0x48: {  	[tilespmem:s23], [sflag:$0x1] =	stream.indirect.gather [hbm4b:s5+s26], $0x80, s0, s26, $0xb8;
	[tilespmem:$0x1D000] =	vst v63  }
0x49: {  	_ =	swait.ge [sflag:s28], $0x4000  }
0x4a: {  	[sflag:s28] =	ssyncset.done $0x0  }
0x4b: {  	s0 =	sadd.s32 $0x2800, s0;
	[sflag:s28] =	ssyncadd.s32 $0xFFFFC000  }
0x4c: {  	[spmem:s3] =	stream.indirect.scatter.add.f32 [tilespmem:s23], [sflag:$0x2], $0x80, s0, s26, $0xb8;
	[tilespmem:$0x1D000] =	vst v63  }
0x4d: {  	_ =	swait.ge [sflag:s24], $0x4000  }
0x4e: {  	[sflag:s24] =	ssyncset.done $0x0  }
0x4f: {  	[sflag:s24] =	ssyncadd.s32 $0xFFFFC000  }
0x50: {  	[bflag:$0x0] =	sbarrier.arrive $0xFFFF  }
0x51: {  	[tilespmem:s23], [sflag:$0x2] =	stream.linear.gather [spmem:s6], $0x4000, $0x38;
	[tilespmem:$0x1D000] =	vst v63  }
0x52: {  	_ =	swait.ge [sflag:s24], $0x4000  }
0x53: {  	[sflag:s24] =	ssyncset.done $0x0  }
0x54: {  	[sflag:s24] =	ssyncadd.s32 $0xFFFFC000  }
0x55: {  	[hbm4b:s14+s4] =	stream.linear.scatter [tilespmem:s23], [sflag:$0x2], $0x4000, $0x38;
	[tilespmem:$0x1D000] =	vst v63  }
0x56: {  	_ =	swait.ge [sflag:s24], $0x4000  }
0x57: {  	[sflag:s24] =	ssyncset.done $0x0  }
0x58: {  	[sflag:s24] =	ssyncadd.s32 $0xFFFFC000  }
0x59: {  	[tilespmem:s23], [sflag:$0x2] =	stream.linear.gather [spmem:s15], $0x4000, $0x38;
	[tilespmem:$0x1D000] =	vst v63  }
0x5a: {  	_ =	swait.ge [sflag:s24], $0x4000  }
0x5b: {  	[sflag:s24] =	ssyncset.done $0x0  }
0x5c: {  	[sflag:s24] =	ssyncadd.s32 $0xFFFFC000  }
0x5d: {  	[hbm4b:s16+s4] =	stream.linear.scatter [tilespmem:s23], [sflag:$0x2], $0x4000, $0x38;
	[tilespmem:$0x1D000] =	vst v63  }
0x5e: {  	_ =	swait.ge [sflag:s24], $0x4000  }
0x5f: {  	[sflag:s24] =	ssyncset.done $0x0  }
0x60: {  	[sflag:s24] =	ssyncadd.s32 $0xFFFFC000  }
0x61: {  	[tilespmem:s23], [sflag:$0x2] =	stream.linear.gather [spmem:s17], $0x4000, $0x38;
	[tilespmem:$0x1D000] =	vst v63  }
0x62: {  	_ =	swait.ge [sflag:s24], $0x4000  }
0x63: {  	[sflag:s24] =	ssyncset.done $0x0  }
0x64: {  	[sflag:s24] =	ssyncadd.s32 $0xFFFFC000  }
0x65: {  	[hbm4b:s18+s4] =	stream.linear.scatter [tilespmem:s23], [sflag:$0x2], $0x4000, $0x38;
	[tilespmem:$0x1D000] =	vst v63  }
0x66: {  	_ =	swait.ge [sflag:s24], $0x4000  }
0x67: {  	[sflag:s24] =	ssyncset.done $0x0  }
0x68: {  	[sflag:s24] =	ssyncadd.s32 $0xFFFFC000  }
0x69: {  	[tilespmem:s23], [sflag:$0x2] =	stream.linear.gather [spmem:s19], $0x4000, $0x38;
	[tilespmem:$0x1D000] =	vst v63  }
0x6a: {  	_ =	swait.ge [sflag:s24], $0x4000  }
0x6b: {  	[sflag:s24] =	ssyncset.done $0x0  }
0x6c: {  	[sflag:s24] =	ssyncadd.s32 $0xFFFFC000  }
0x6d: {  	[hbm4b:s20+s4] =	stream.linear.scatter [tilespmem:s23], [sflag:$0x2], $0x4000, $0x38;
	[tilespmem:$0x1D000] =	vst v63  }
0x6e: {  	_ =	swait.ge [sflag:s24], $0x4000  }
0x6f: {  	[sflag:s24] =	ssyncset.done $0x0  }
0x70: {  	[sflag:s24] =	ssyncadd.s32 $0xFFFFC000  }
0x71: {  	[tilespmem:s23], [sflag:$0x2] =	stream.linear.gather [spmem:s21], $0x4000, $0x38;
	[tilespmem:$0x1D000] =	vst v63  }
0x72: {  	s29 =	sadd.s32 $0x1, s29;
	_ =	swait.ge [sflag:s24], $0x4000  }
0x73: {  	p0 =	sne.s32 s29, s9;
	[sflag:s24] =	ssyncset.done $0x0  }
.Ltmp1:
0x74: {  	[sflag:s24] =	ssyncadd.s32 $0xFFFFC000;
	(pc) =	sbr.rel @p0 .LBB2_1-.Ltmp1, $4  }
0x75: {  	[hbm4b:s22+s4] =	stream.linear.scatter [tilespmem:s23], [sflag:$0x2], $0x4000, $0x38;
	[tilespmem:$0x1D000] =	vst v63  }
0x76: {  	_ =	swait.ge [sflag:s24], $0x4000  }
0x77: {  	[sflag:s24] =	ssyncset.done $0x0  }
0x78: {  	[sflag:s24] =	ssyncadd.s32 $0xFFFFC000  }
0x79: {  	_ =	sfence.sel $0x180000  }
0x7a: {  	[bflag:$0x0] =	sbarrier.arrive $0xFFFF  }
0x7b: {  	_ =	strace $0x9000004A  }
0x7c: {  	s0 =	stileid.u32;
	[bflag:$0x2] =	sbarrier.arrive $0xFFFF  }
0x7d: {  	p0 =	sne.s32 s0, $0x0;
	s0 =	rddreg [dreg:$0x3]  }
0x7e: {  	s0 =	sadd.s32 @!p0 $0x100000, s0  }
0x7f: {  	[sflag:s0] =	ssyncadd.tile.s32 @!p0 $0x1;
	_ =	shalt  }
.Lfunc_end2:
_tile_overlayer_lowered:
.L_overlay_start_2:
0x80: {  	(tag) =	ssettag $0x2  }
0x81: {  	s0 =	rddreg [dreg:$0x0];
	s2 =	stileid.u32  }
0x82: {  	s1 =	rddreg [dreg:$0x1];
	p0 =	sne.s32 s2, $0x0  }
0x83: {  	s3 =	rddreg [dreg:$0x2];
	[bflag:$0x3] =	sbarrier.arrive $0xFFFF;
	s2 =	simm.s32 @!p0 $0x1C02  }
0x84: {  	[timem:s3], [sflag:s2] =	dma.local @!p0 [hbm:s0], s1  }
0x85: {  	s0 =	simm.s32 @!p0 $0x2  }
0x86: {  	_ =	swait.ge @!p0 [sflag:s0], s1  }
0x87: {  	s1 =	ssub.s32 @!p0 $0x0, s1;
	[sflag:s0] =	ssyncset.done @!p0 $0x0  }
0x88: {  	[sflag:s0] =	ssyncadd.s32 @!p0 s1  }
0x89: {  	[bflag:$0x3] =	sbarrier.arrive $0xFFFF  }
0x8a: {  	_ =	shalt  }

// kernel: kernel.21.cloned.1.call-start
scs
__scs_entry_jumppad:
0x0: {  	(pc) =	sbr.rel $0x88, $3  }
0x1: {  	(tag) =	ssettag $0x0;
	lr =	simm.s32 $0x1  }
0x2: {  	[smem:$0x3F90] =	sst lr;
	_ =	strace $0xD0000000  }
0x3: {  	_ = 	snop  }
0x4: {  	_ = 	snop  }
0x5: {  	_ = 	snop  }
0x6: {  	_ = 	snop  }
0x7: {  	_ = 	snop  }
__scs_overlays_trampoline_lowered:
0x8: {  	[smem:$0x3F9F] =	sst s0  }
0x9: {  	[smem:$0x3FA0] =	sst s1  }
0xa: {  	[smem:$0x3FA1] =	sst s2  }
0xb: {  	[smem:$0x3FA2] =	sst s3  }
0xc: {  	[smem:$0x3FA3] =	sst s4  }
0xd: {  	[smem:$0x3FA4] =	sst s5  }
0xe: {  	[smem:$0x3FA5] =	sst s6  }
0xf: {  	[smem:$0x3FA6] =	sst s7  }
0x10: {  	[smem:$0x3FA7] =	sst s8  }
0x11: {  	[smem:$0x3FA8] =	sst s9;
	s0 =	simm.s32 @!p0 $0x0  }
0x12: {  	s1 =	sld [smem:$0x3F8E];
	s0 =	simm.s32 @p0 $0x1  }
0x13: {  	[smem:$0x3FA9] =	sst s0;
	s0 =	simm.s32 @!p1 $0x0  }
0x14: {  	s2 =	sld [smem:$0x3F8D];
	s0 =	simm.s32 @p1 $0x1  }
0x15: {  	[smem:$0x3FAA] =	sst s0;
	s0 =	simm.s32 @!p2 $0x0  }
0x16: {  	s3 =	sld [smem:$0x3FDB];
	s0 =	simm.s32 @p2 $0x1  }
0x17: {  	s4 =	simm.s32 $0x1BF5;
	[smem:$0x3FAC] =	sst s0  }
0x18: {  	s0 =	sld [smem:$0x3F8F];
	_ =	swait.ge [sflag:s4], $0x0  }
0x19: {  	s7 =	sld [smem:$0x3F90]  }
0x1a: {  	s8 =	sadd.s32 $0xFFFFE003, lr  }
0x1b: {  	s9 =	sadd.s32 $0xFFFFFEF7, lr;
	s5 =	simm.s32 $0xFFFFFFFF;
	p2 =	slt.u32 s8, $0xFFFFF086  }
0x1c: {  	p1 =	slt.u32 s9, $0xF7A;
	s5 =	simm.s32 @!p2 $0x0  }
0x1d: {  	s5 =	simm.s32 @p1 $0x1;
	p0 =	seq.s32 s7, s2  }
0x1e: {  	s7 =	smul.u32 @!p0 $0xF7A, s2;
	p2 =	seq.s32 @!p0 s5, $0x0  }
0x1f: {  	s9 =	smul.u32 $0xF7A, s1;
	s8 =	simm.s32 @!p0 $0x1BF5;
	p2 =	por !p2, p0  }
0x20: {  	[sflag:s8] =	ssyncset.s32 @!p0 $0xFFFFF086;
	s6 =	sadd.s32 @!p0 s3, s7;
	s7 =	simm.s32 @!p0 $0x108  }
0x21: {  	s3 =	sadd.s32 s3, s9;
	s6 =	sadd.s32 @!p0 $0x88, s6;
	s7 =	simm.s32 @p2 $0x1082  }
0x22: {  	[simem:s7], [sflag:s8] =	dma.local @!p0 [hbm:s6], $0xF7A  }
0x23: {  	s9 =	sor.u32 $0xD0000000, s2;
	s6 =	simm.s32 $0x108;
	_ =	swait.ge @!p0 [sflag:s8], $0x0  }
0x24: {  	s3 =	sadd.s32 $0x88, s3;
	s6 =	simm.s32 @!p1 $0x1082;
	[sflag:s4] =	ssyncset.s32 $0xFFFFF086  }
0x25: {  	[simem:s6], [sflag:s4] =	dma.local [hbm:s3], $0xF7A  }
0x26: {  	[smem:$0x3F90] =	sst s1;
	(tag) =	ssettag s2;
	_ =	strace s9  }
0x27: {  	s1 =	sld [smem:$0x3FA0]  }
0x28: {  	s2 =	sld [smem:$0x3FA1]  }
0x29: {  	s4 =	sld [smem:$0x3FA3]  }
0x2a: {  	p0 =	seq.s32 s5, $0x0;
	s5 =	sld [smem:$0x3FA4]  }
0x2b: {  	s6 =	sld [smem:$0x3FA5]  }
0x2c: {  	s7 =	sld [smem:$0x3FA6]  }
0x2d: {  	s3 =	simm.s32 $0x108;
	s8 =	sld [smem:$0x3FA7]  }
0x2e: {  	s3 =	simm.s32 @!p0 $0x1082;
	s9 =	sld [smem:$0x3FA8]  }
0x2f: {  	lr =	sadd.s32 s0, s3;
	s0 =	sld [smem:$0x3F9F]  }
0x30: {  	s3 =	sld [smem:$0x3FA2]  }
0x31: {  	[smem:$0x3FAB] =	sst s10  }
0x32: {  	s10 =	sld [smem:$0x3FA9];
	_ =	sdelay $0x3  }
0x33: {  	p0 =	seq.s32 s10, $0x1;
	s10 =	sld [smem:$0x3FAB];
	_ =	sdelay $0x3  }
0x34: {  	[smem:$0x3FAB] =	sst s10  }
0x35: {  	s10 =	sld [smem:$0x3FAA];
	_ =	sdelay $0x3  }
0x36: {  	p1 =	seq.s32 s10, $0x1;
	s10 =	sld [smem:$0x3FAB];
	_ =	sdelay $0x3  }
0x37: {  	[smem:$0x3FAB] =	sst s10  }
0x38: {  	s10 =	sld [smem:$0x3FAC]  }
0x39: {  	_ = 	snop;
	(pc) =	sbr.ind lr, $3  }
0x3a: {  	_ = 	snop  }
0x3b: {  	_ = 	snop  }
0x3c: {  	p2 =	seq.s32 s10, $0x1;
	s10 =	sld [smem:$0x3FAB]  }
0x3d: {  	_ =	shalt  }
0x3e: {  	_ =	shalt  }
0x3f: {  	_ =	shalt  }
0x40: {  	_ =	shalt  }
0x41: {  	_ =	shalt  }
0x42: {  	_ =	shalt  }
0x43: {  	_ =	shalt  }
0x44: {  	_ =	shalt  }
0x45: {  	_ =	shalt  }
0x46: {  	_ =	shalt  }
0x47: {  	_ =	shalt  }
0x48: {  	_ =	shalt  }
0x49: {  	_ =	shalt  }
0x4a: {  	_ =	shalt  }
0x4b: {  	_ =	shalt  }
0x4c: {  	_ =	shalt  }
0x4d: {  	_ =	shalt  }
0x4e: {  	_ =	shalt  }
0x4f: {  	_ =	shalt  }
0x50: {  	_ =	shalt  }
0x51: {  	_ =	shalt  }
0x52: {  	_ =	shalt  }
0x53: {  	_ =	shalt  }
0x54: {  	_ =	shalt  }
0x55: {  	_ =	shalt  }
0x56: {  	_ =	shalt  }
0x57: {  	_ =	shalt  }
0x58: {  	_ =	shalt  }
0x59: {  	_ =	shalt  }
0x5a: {  	_ =	shalt  }
0x5b: {  	_ =	shalt  }
0x5c: {  	_ =	shalt  }
0x5d: {  	_ =	shalt  }
0x5e: {  	_ =	shalt  }
0x5f: {  	_ =	shalt  }
0x60: {  	_ =	shalt  }
0x61: {  	_ =	shalt  }
0x62: {  	_ =	shalt  }
0x63: {  	_ =	shalt  }
0x64: {  	_ =	shalt  }
0x65: {  	_ =	shalt  }
0x66: {  	_ =	shalt  }
0x67: {  	_ =	shalt  }
0x68: {  	_ =	shalt  }
0x69: {  	_ =	shalt  }
0x6a: {  	_ =	shalt  }
0x6b: {  	_ =	shalt  }
0x6c: {  	_ =	shalt  }
0x6d: {  	_ =	shalt  }
0x6e: {  	_ =	shalt  }
0x6f: {  	_ =	shalt  }
0x70: {  	_ =	shalt  }
0x71: {  	_ =	shalt  }
0x72: {  	_ =	shalt  }
0x73: {  	_ =	shalt  }
0x74: {  	_ =	shalt  }
0x75: {  	_ =	shalt  }
0x76: {  	_ =	shalt  }
0x77: {  	_ =	shalt  }
0x78: {  	_ =	shalt  }
0x79: {  	_ =	shalt  }
0x7a: {  	_ =	shalt  }
0x7b: {  	_ =	shalt  }
0x7c: {  	_ =	shalt  }
0x7d: {  	_ =	shalt  }
0x7e: {  	_ =	shalt  }
0x7f: {  	_ =	shalt  }
0x80: {  	_ =	shalt  }
0x81: {  	_ =	shalt  }
0x82: {  	_ =	shalt  }
0x83: {  	_ =	shalt  }
0x84: {  	_ =	shalt  }
0x85: {  	_ =	shalt  }
0x86: {  	_ =	shalt  }
0x87: {  	_ =	shalt  }
.Lfunc_end0:
.L_simem_size_0:
called_computation.2_lowered:
.L_overlay_start_0:
0x88: {  	s2 =	sld [smem:$0x3FD9]  }
0x89: {  	s3 =	sld [smem:$0x3FFE];
	_ =	sdelay $0x1  }
0x8a: {  	s1 =	srdreg.scid  }
0x8b: {  	s0 =	sand.u32 $0x1, s1  }
0x8c: {  	s17 =	sshll.u32 s0, $0xA;
	s2 =	sadd.s32 s3, s2  }
0x8d: {  	s2 =	sadd.s32 s2, s17  }
0x8e: {  	[smem:$0x3FB7] =	sst s2  }
0x8f: {  	_ = 	snop  }
0x90: {  	s2 =	sld [smem:$0x3FD0];
	(tm) =	ssettm $0x1  }
0x91: {  	s18 =	sld [smem:$0x3FFB];
	_ =	sdelay $0x3  }
0x92: {  	_ =	strace s18  }
0x93: {  	s3 =	sld [smem:$0x3FFC];
	_ =	sdelay $0x3  }
0x94: {  	_ =	strace s3  }
0x95: {  	s3 =	sld [smem:$0x3FFD];
	_ =	sdelay $0x3  }
0x96: {  	_ =	strace s3  }
0x97: {  	_ =	strace $0x8FFFFFFF  }
0x98: {  	s19 =	sld [smem:$0x3FDB];
	_ =	sdelay $0x1  }
0x99: {  	s4 =	simm.s32 $_scs_section_size  }
0x9a: {  	s5 =	simm.s32 $_size__tile_overlayer_lowered;
	s6 =	simm.s32 $_tile_overlayer_lowered  }
0x9b: {  	s22 =	simm.s32 $0x1BFF;
	s21 =	sshll.u32 s6, $0x1;
	s3 =	sadd.s32 s4, s19  }
0x9c: {  	s7 =	simm.s32 $0x0;
	s20 =	sshll.u32 s5, $0x1;
	s5 =	sadd.s32 s21, s3  }
0x9d: {  	[timem:s7], [sflag:s22] =	dma.local [hbm:s5], s20  }
0x9e: {  	_ =	swait.ge [sflag:s22], s20  }
0x9f: {  	s4 =	ssub.s32 $0x0, s20;
	[sflag:s22] =	ssyncset.done $0x0  }
0xa0: {  	[sflag:s22] =	ssyncadd.s32 s4;
	_ =	sdelay $0x1  }
0xa1: {  	s23 =	simm.s32 $0x1B8B  }
0xa2: {  	_ =	swait.ge [sflag:s23], $0x1  }
0xa3: {  	[sflag:s23] =	ssyncset.done $0x0  }
0xa4: {  	s25 =	simm.s32 $0x1B8E;
	s24 =	sld [smem:$0x3FFE];
	[sflag:s23] =	ssyncadd.s32 $0xFFFFFFFF  }
0xa5: {  	s26 =	simm.s32 $execute0_lowered;
	[smem:$0x3FD2] =	sst s25  }
0xa6: {  	s5 =	sshll.u32 s26, $0x1;
	_ =	strace $0x8000004C;
	[dreg:$0x1] =	wrdreg $0xFFFFFFFF  }
0xa7: {  	s28 =	simm.s32 $_size_execute0_lowered;
	s3 =	sadd.s32 s3, s5;
	[dreg:$0x0] =	wrdreg $0x0  }
0xa8: {  	s5 =	sshll.u32 s28, $0x1;
	[dreg:$0x2] =	wrdreg s3  }
0xa9: {  	[dreg:$0x3] =	wrdreg s5  }
0xaa: {  	[dreg:$0x4] =	wrdreg $0xC0  }
0xab: {  	_ =	task [dreg:s7], $0x5FFFF  }
0xac: {  	[dreg:$0x1] =	wrdreg $0xFFFFFFFF  }
0xad: {  	[dreg:$0x0] =	wrdreg $0x60  }
0xae: {  	[dreg:$0x2] =	wrdreg s24  }
0xaf: {  	[dreg:$0x3] =	wrdreg s2  }
0xb0: {  	[dreg:$0x4] =	wrdreg $0x90000  }
0xb1: {  	[dreg:$0x5] =	wrdreg $0x9  }
0xb2: {  	_ =	task.clear_ibuf [dreg:s7], $0x6FFFF;
	_ =	strace $0x9000004C  }
0xb3: {  	s29 =	simm.s32 $0x9;
	_ =	strace $0x8000004E  }
0xb4: {  	_ =	swait.ge [sflag:s29], $0x1  }
0xb5: {  	[sflag:s29] =	ssyncadd.s32 $0xFFFFFFFF  }
0xb6: {  	_ =	strace $0x9000004E  }
0xb7: {  	_ =	sfence  }
0xb8: {  	s30 =	sld [smem:$0x0];
	_ =	sdelay $0x2  }
0xb9: {  	s31 =	sshll.u32 s1, $0xD;
	s1 =	sshrl.u32 s1, $0x2  }
0xba: {  	s3 =	sand.u32 $0x4000, s31;
	s1 =	sadd.s32 s1, s30  }
0xbb: {  	s0 =	sor.u32 s3, s0;
	s1 =	sshll.u32 s1, $0x11  }
0xbc: {  	s0 =	sor.u32 s1, s0  }
0xbd: {  	s0 =	sadd.s32 $0x8F2B, s0  }
0xbe: {  	[sflag:s0] =	ssyncadd.remote.s32 $0x1  }
0xbf: {  	_ =	sfence.sel $0xFFFF  }
0xc0: {  	[dreg:$0x0] =	wrdreg $0xFFFFFFFF;
	(pc) =	sbr.abs _section_cstart, $3  }
0xc1: {  	[dreg:$0x1] =	wrdreg $0xFFFFFFFF  }
0xc2: {  	_ =	task.clear_ibuf [dreg:s7], $0x2FFFF;
	_ =	strace $0x9FFFFFFF  }
0xc3: {  	(tm) =	ssettm $0x7FFFFFFF  }
tec
execute0_lowered:
.L_overlay_start_1:
0x0: {  	(tag) =	ssettag $0x1  }
0x1: {  	s6 =	rddreg [dreg:$0x0]  }
0x2: {  	s2 =	rddreg [dreg:$0x1];
	s1 =	srdreg.scid  }
0x3: {  	s0 =	stileid.u32;
	s3 =	rddreg [dreg:$0x2]  }
0x4: {  	s4 =	simm.s32 $0x0;
	s25 =	simm.s32 $0x2800;
	s26 =	simm.s32 $0x80  }
0x5: {  	s28 =	simm.s32 $0x1;
	s29 =	simm.s32 $0x0;
	s7 =	sand.u32 $0x1, s1  }
0x6: {  	s5 =	sshll.u32 s0, $0x1;
	[smem:$0x7FF] =	sst s4;
	s9 =	smul.u32 $0x50000, s0  }
0x7: {  	s22 =	sadd.s32 $0x42400, s6;
	s18 =	smul.u32 $0x14000, s0;
	s5 =	sor.u32 s7, s5  }
0x8: {  	_ =	strace $0x8000004D;
	s30 =	ssub.s32 $0x2, s7;
	s19 =	smul.u32 $0x140000, s7  }
0x9: {  	s8 =	smul.u32 $0x500, s5;
	s5 =	sadd.s32 $0x1B200, s6;
	s10 =	sshrl.u32 s30, $0x1  }
0xa: {  	s9 =	sshrl.u32 s9, $0x2;
	s15 =	sadd.s32 $0x4000, s18;
	s20 =	sadd.s32 $0x8000, s18  }
0xb: {  	s21 =	sadd.s32 $0xC000, s18;
	s23 =	sadd.s32 $0x10000, s18;
	s10 =	ssub.s32 s30, s10  }
0xc: {  	s13 =	sadd.s32 s19, s18;
	s16 =	sadd.s32 s19, s15;
	s15 =	sadd.s32 s15, s3  }
0xd: {  	s17 =	sadd.s32 s20, s3;
	s20 =	sadd.s32 s19, s20;
	s31 =	sadd.s32 s19, s21  }
0xe: {  	s24 =	sadd.s32 s19, s23;
	s19 =	sadd.s32 s21, s3;
	s21 =	sadd.s32 s23, s3  }
0xf: {  	s23 =	simm.s32 $0x5000;
	s8 =	sadd.s32 s8, s6;
	s6 =	sadd.s32 s9, s3  }
0x10: {  	s9 =	smax.u32 s10, $0x1;
	s14 =	sshrl.u32 s13, $0x3;
	s16 =	sshrl.u32 s16, $0x3  }
0x11: {  	s20 =	sshrl.u32 s20, $0x3;
	s24 =	sshrl.u32 s24, $0x3;
	s7 =	sadd.s32 $0x11200, s8  }
0x12: {  	s8 =	sadd.s32 $0x7200, s8;
	s10 =	sadd.s32 $0x4000, s6;
	s11 =	sadd.s32 $0x8000, s6  }
0x13: {  	s12 =	sadd.s32 $0xC000, s6;
	s13 =	sadd.s32 $0x10000, s6;
	s14 =	sadd.s32 s22, s14  }
0x14: {  	s16 =	sadd.s32 s22, s16;
	s18 =	sadd.s32 s22, s20;
	s20 =	sshrl.u32 s31, $0x3  }
0x15: {  	s20 =	sadd.s32 s22, s20;
	s22 =	sadd.s32 s22, s24;
	s24 =	simm.s32 $0x2  }
.LBB2_1:
0x16: {  	[tilespmem:s23], [sflag:$0x2] =	stream.linear.gather [hbm4b:s2+s4], $0x4000, $0x38;
	[tilespmem:$0x1D000] =	vst v63  }
0x17: {  	_ =	swait.ge [sflag:s24], $0x4000  }
0x18: {  	[sflag:s24] =	ssyncset.done $0x0  }
0x19: {  	[sflag:s24] =	ssyncadd.s32 $0xFFFFC000  }
0x1a: {  	[spmem:s6] =	stream.linear.scatter [tilespmem:s23], [sflag:$0x2], $0x4000, $0x38;
	[tilespmem:$0x1D000] =	vst v63  }
0x1b: {  	_ =	swait.ge [sflag:s24], $0x4000  }
0x1c: {  	[sflag:s24] =	ssyncset.done $0x0  }
0x1d: {  	[sflag:s24] =	ssyncadd.s32 $0xFFFFC000  }
0x1e: {  	[spmem:s10] =	stream.linear.scatter [tilespmem:s23], [sflag:$0x2], $0x4000, $0x38;
	[tilespmem:$0x1D000] =	vst v63  }
0x1f: {  	_ =	swait.ge [sflag:s24], $0x4000  }
0x20: {  	[sflag:s24] =	ssyncset.done $0x0  }
0x21: {  	[sflag:s24] =	ssyncadd.s32 $0xFFFFC000  }
0x22: {  	[spmem:s11] =	stream.linear.scatter [tilespmem:s23], [sflag:$0x2], $0x4000, $0x38;
	[tilespmem:$0x1D000] =	vst v63  }
0x23: {  	_ =	swait.ge [sflag:s24], $0x4000  }
0x24: {  	[sflag:s24] =	ssyncset.done $0x0  }
0x25: {  	[sflag:s24] =	ssyncadd.s32 $0xFFFFC000  }
0x26: {  	[spmem:s12] =	stream.linear.scatter [tilespmem:s23], [sflag:$0x2], $0x4000, $0x38;
	[tilespmem:$0x1D000] =	vst v63  }
0x27: {  	_ =	swait.ge [sflag:s24], $0x4000  }
0x28: {  	[sflag:s24] =	ssyncset.done $0x0  }
0x29: {  	[sflag:s24] =	ssyncadd.s32 $0xFFFFC000  }
0x2a: {  	[spmem:s13] =	stream.linear.scatter [tilespmem:s23], [sflag:$0x2], $0x4000, $0x38;
	[tilespmem:$0x1D000] =	vst v63  }
0x2b: {  	_ =	swait.ge [sflag:s24], $0x4000  }
0x2c: {  	[sflag:s24] =	ssyncset.done $0x0  }
0x2d: {  	[sflag:s24] =	ssyncadd.s32 $0xFFFFC000  }
0x2e: {  	[bflag:$0x0] =	sbarrier.arrive $0xFFFF  }
0x2f: {  	[tilespmem:s4], [sflag:$0x2] =	stream.linear.gather [hbm4b:s7+s4], $0x2780, $0x38;
	[tilespmem:$0x1D000] =	vst v63  }
0x30: {  	_ =	swait.ge [sflag:s24], $0x2780  }
0x31: {  	[sflag:s24] =	ssyncset.done $0x0  }
0x32: {  	[sflag:s24] =	ssyncadd.s32 $0xFFFFD880  }
0x33: {  	[tilespmem:s25], [sflag:$0x2] =	stream.linear.gather [hbm4b:s8+s4], $0x2780, $0x38;
	[tilespmem:$0x1D000] =	vst v63  }
0x34: {  	_ =	swait.ge [sflag:s24], $0x2780  }
0x35: {  	[sflag:s24] =	ssyncset.done $0x0  }
0x36: {  	s30 =	simm.s32 $0x0;
	[sflag:s24] =	ssyncadd.s32 $0xFFFFD880  }
0x37: {  	[tilespmem:s23], [sflag:$0x1] =	stream.indirect.gather [hbm4b:s5+s26], $0x80, s30, s26, $0xb8;
	[tilespmem:$0x1D000] =	vst v63  }
0x38: {  	_ =	swait.ge [sflag:s28], $0x4000  }
0x39: {  	[sflag:s28] =	ssyncset.done $0x0  }
0x3a: {  	s30 =	simm.s32 $0x2800;
	[sflag:s28] =	ssyncadd.s32 $0xFFFFC000  }
0x3b: {  	[spmem:s3] =	stream.indirect.scatter.add.f32 [tilespmem:s23], [sflag:$0x2], $0x80, s30, s26, $0xb8;
	[tilespmem:$0x1D000] =	vst v63  }
0x3c: {  	_ =	swait.ge [sflag:s24], $0x4000  }
0x3d: {  	s31 =	simm.s32 $0x400;
	s30 =	simm.s32 $0x200;
	[sflag:s24] =	ssyncset.done $0x0  }
.LBB2_2:
0x3e: {  	s1 =	sshra.s32 s30, $0x2  }
0x3f: {  	[sflag:s24] =	ssyncadd.s32 $0xFFFFC000;
	s30 =	smov.u32 s31;
	s0 =	sadd.s32 $0x200, s31  }
0x40: {  	[tilespmem:s23], [sflag:$0x1] =	stream.indirect.gather [hbm4b:s5+s26], $0x80, s1, s26, $0xb8;
	[tilespmem:$0x1D000] =	vst v63  }
0x41: {  	p0 =	sne.s32 s31, $0x9C00;
	_ =	swait.ge [sflag:s28], $0x4000  }
.Ltmp0:
0x42: {  	[sflag:s28] =	ssyncset.done $0x0;
	(pc) =	sbr.rel @p0 .LBB2_2-.Ltmp0, $4  }
0x43: {  	s1 =	sadd.s32 $0x2800, s1;
	[sflag:s28] =	ssyncadd.s32 $0xFFFFC000  }
0x44: {  	[spmem:s3] =	stream.indirect.scatter.add.f32 [tilespmem:s23], [sflag:$0x2], $0x80, s1, s26, $0xb8;
	[tilespmem:$0x1D000] =	vst v63  }
0x45: {  	_ =	swait.ge [sflag:s24], $0x4000  }
0x46: {  	s31 =	smov.u32 s0;
	[sflag:s24] =	ssyncset.done $0x0  }
0x47: {  	s0 =	sshra.s32 s30, $0x2;
	[sflag:s24] =	ssyncadd.s32 $0xFFFFC000  }
0x48: {  	[tilespmem:s23], [sflag:$0x1] =	stream.indirect.gather [hbm4b:s5+s26], $0x80, s0, s26, $0xb8;
	[tilespmem:$0x1D000] =	vst v63  }
0x49: {  	_ =	swait.ge [sflag:s28], $0x4000  }
0x4a: {  	[sflag:s28] =	ssyncset.done $0x0  }
0x4b: {  	s0 =	sadd.s32 $0x2800, s0;
	[sflag:s28] =	ssyncadd.s32 $0xFFFFC000  }
0x4c: {  	[spmem:s3] =	stream.indirect.scatter.add.f32 [tilespmem:s23], [sflag:$0x2], $0x80, s0, s26, $0xb8;
	[tilespmem:$0x1D000] =	vst v63  }
0x4d: {  	_ =	swait.ge [sflag:s24], $0x4000  }
0x4e: {  	[sflag:s24] =	ssyncset.done $0x0  }
0x4f: {  	[sflag:s24] =	ssyncadd.s32 $0xFFFFC000  }
0x50: {  	[bflag:$0x0] =	sbarrier.arrive $0xFFFF  }
0x51: {  	[tilespmem:s23], [sflag:$0x2] =	stream.linear.gather [spmem:s6], $0x4000, $0x38;
	[tilespmem:$0x1D000] =	vst v63  }
0x52: {  	_ =	swait.ge [sflag:s24], $0x4000  }
0x53: {  	[sflag:s24] =	ssyncset.done $0x0  }
0x54: {  	[sflag:s24] =	ssyncadd.s32 $0xFFFFC000  }
0x55: {  	[hbm4b:s14+s4] =	stream.linear.scatter [tilespmem:s23], [sflag:$0x2], $0x4000, $0x38;
	[tilespmem:$0x1D000] =	vst v63  }
0x56: {  	_ =	swait.ge [sflag:s24], $0x4000  }
0x57: {  	[sflag:s24] =	ssyncset.done $0x0  }
0x58: {  	[sflag:s24] =	ssyncadd.s32 $0xFFFFC000  }
0x59: {  	[tilespmem:s23], [sflag:$0x2] =	stream.linear.gather [spmem:s15], $0x4000, $0x38;
	[tilespmem:$0x1D000] =	vst v63  }
0x5a: {  	_ =	swait.ge [sflag:s24], $0x4000  }
0x5b: {  	[sflag:s24] =	ssyncset.done $0x0  }
0x5c: {  	[sflag:s24] =	ssyncadd.s32 $0xFFFFC000  }
0x5d: {  	[hbm4b:s16+s4] =	stream.linear.scatter [tilespmem:s23], [sflag:$0x2], $0x4000, $0x38;
	[tilespmem:$0x1D000] =	vst v63  }
0x5e: {  	_ =	swait.ge [sflag:s24], $0x4000  }
0x5f: {  	[sflag:s24] =	ssyncset.done $0x0  }
0x60: {  	[sflag:s24] =	ssyncadd.s32 $0xFFFFC000  }
0x61: {  	[tilespmem:s23], [sflag:$0x2] =	stream.linear.gather [spmem:s17], $0x4000, $0x38;
	[tilespmem:$0x1D000] =	vst v63  }
0x62: {  	_ =	swait.ge [sflag:s24], $0x4000  }
0x63: {  	[sflag:s24] =	ssyncset.done $0x0  }
0x64: {  	[sflag:s24] =	ssyncadd.s32 $0xFFFFC000  }
0x65: {  	[hbm4b:s18+s4] =	stream.linear.scatter [tilespmem:s23], [sflag:$0x2], $0x4000, $0x38;
	[tilespmem:$0x1D000] =	vst v63  }
0x66: {  	_ =	swait.ge [sflag:s24], $0x4000  }
0x67: {  	[sflag:s24] =	ssyncset.done $0x0  }
0x68: {  	[sflag:s24] =	ssyncadd.s32 $0xFFFFC000  }
0x69: {  	[tilespmem:s23], [sflag:$0x2] =	stream.linear.gather [spmem:s19], $0x4000, $0x38;
	[tilespmem:$0x1D000] =	vst v63  }
0x6a: {  	_ =	swait.ge [sflag:s24], $0x4000  }
0x6b: {  	[sflag:s24] =	ssyncset.done $0x0  }
0x6c: {  	[sflag:s24] =	ssyncadd.s32 $0xFFFFC000  }
0x6d: {  	[hbm4b:s20+s4] =	stream.linear.scatter [tilespmem:s23], [sflag:$0x2], $0x4000, $0x38;
	[tilespmem:$0x1D000] =	vst v63  }
0x6e: {  	_ =	swait.ge [sflag:s24], $0x4000  }
0x6f: {  	[sflag:s24] =	ssyncset.done $0x0  }
0x70: {  	[sflag:s24] =	ssyncadd.s32 $0xFFFFC000  }
0x71: {  	[tilespmem:s23], [sflag:$0x2] =	stream.linear.gather [spmem:s21], $0x4000, $0x38;
	[tilespmem:$0x1D000] =	vst v63  }
0x72: {  	s29 =	sadd.s32 $0x1, s29;
	_ =	swait.ge [sflag:s24], $0x4000  }
0x73: {  	p0 =	sne.s32 s29, s9;
	[sflag:s24] =	ssyncset.done $0x0  }
.Ltmp1:
0x74: {  	[sflag:s24] =	ssyncadd.s32 $0xFFFFC000;
	(pc) =	sbr.rel @p0 .LBB2_1-.Ltmp1, $4  }
0x75: {  	[hbm4b:s22+s4] =	stream.linear.scatter [tilespmem:s23], [sflag:$0x2], $0x4000, $0x38;
	[tilespmem:$0x1D000] =	vst v63  }
0x76: {  	_ =	swait.ge [sflag:s24], $0x4000  }
0x77: {  	[sflag:s24] =	ssyncset.done $0x0  }
0x78: {  	[sflag:s24] =	ssyncadd.s32 $0xFFFFC000  }
0x79: {  	_ =	sfence.sel $0x180000  }
0x7a: {  	[bflag:$0x0] =	sbarrier.arrive $0xFFFF  }
0x7b: {  	_ =	strace $0x9000004D  }
0x7c: {  	s0 =	stileid.u32;
	[bflag:$0x2] =	sbarrier.arrive $0xFFFF  }
0x7d: {  	p0 =	sne.s32 s0, $0x0;
	s0 =	rddreg [dreg:$0x3]  }
0x7e: {  	s0 =	sadd.s32 @!p0 $0x100000, s0  }
0x7f: {  	[sflag:s0] =	ssyncadd.tile.s32 @!p0 $0x1;
	_ =	shalt  }
.Lfunc_end2:
_tile_overlayer_lowered:
.L_overlay_start_2:
0x80: {  	(tag) =	ssettag $0x2  }
0x81: {  	s0 =	rddreg [dreg:$0x0];
	s2 =	stileid.u32  }
0x82: {  	s1 =	rddreg [dreg:$0x1];
	p0 =	sne.s32 s2, $0x0  }
0x83: {  	s3 =	rddreg [dreg:$0x2];
	[bflag:$0x3] =	sbarrier.arrive $0xFFFF;
	s2 =	simm.s32 @!p0 $0x1C02  }
0x84: {  	[timem:s3], [sflag:s2] =	dma.local @!p0 [hbm:s0], s1  }
0x85: {  	s0 =	simm.s32 @!p0 $0x2  }
0x86: {  	_ =	swait.ge @!p0 [sflag:s0], s1  }
0x87: {  	s1 =	ssub.s32 @!p0 $0x0, s1;
	[sflag:s0] =	ssyncset.done @!p0 $0x0  }
0x88: {  	[sflag:s0] =	ssyncadd.s32 @!p0 s1  }
0x89: {  	[bflag:$0x3] =	sbarrier.arrive $0xFFFF  }
0x8a: {  	_ =	shalt  }

// kernel: kernel.24.cloned.1.call-start
scs
__scs_entry_jumppad:
0x0: {  	(pc) =	sbr.rel $0x88, $3  }
0x1: {  	(tag) =	ssettag $0x0;
	lr =	simm.s32 $0x1  }
0x2: {  	[smem:$0x3F90] =	sst lr;
	_ =	strace $0xD0000000  }
0x3: {  	_ = 	snop  }
0x4: {  	_ = 	snop  }
0x5: {  	_ = 	snop  }
0x6: {  	_ = 	snop  }
0x7: {  	_ = 	snop  }
__scs_overlays_trampoline_lowered:
0x8: {  	[smem:$0x3F9F] =	sst s0  }
0x9: {  	[smem:$0x3FA0] =	sst s1  }
0xa: {  	[smem:$0x3FA1] =	sst s2  }
0xb: {  	[smem:$0x3FA2] =	sst s3  }
0xc: {  	[smem:$0x3FA3] =	sst s4  }
0xd: {  	[smem:$0x3FA4] =	sst s5  }
0xe: {  	[smem:$0x3FA5] =	sst s6  }
0xf: {  	[smem:$0x3FA6] =	sst s7  }
0x10: {  	[smem:$0x3FA7] =	sst s8  }
0x11: {  	[smem:$0x3FA8] =	sst s9;
	s0 =	simm.s32 @!p0 $0x0  }
0x12: {  	s1 =	sld [smem:$0x3F8E];
	s0 =	simm.s32 @p0 $0x1  }
0x13: {  	[smem:$0x3FA9] =	sst s0;
	s0 =	simm.s32 @!p1 $0x0  }
0x14: {  	s2 =	sld [smem:$0x3F8D];
	s0 =	simm.s32 @p1 $0x1  }
0x15: {  	[smem:$0x3FAA] =	sst s0;
	s0 =	simm.s32 @!p2 $0x0  }
0x16: {  	s3 =	sld [smem:$0x3FDB];
	s0 =	simm.s32 @p2 $0x1  }
0x17: {  	s4 =	simm.s32 $0x1BF5;
	[smem:$0x3FAC] =	sst s0  }
0x18: {  	s0 =	sld [smem:$0x3F8F];
	_ =	swait.ge [sflag:s4], $0x0  }
0x19: {  	s7 =	sld [smem:$0x3F90]  }
0x1a: {  	s8 =	sadd.s32 $0xFFFFE003, lr  }
0x1b: {  	s9 =	sadd.s32 $0xFFFFFEF7, lr;
	s5 =	simm.s32 $0xFFFFFFFF;
	p2 =	slt.u32 s8, $0xFFFFF086  }
0x1c: {  	p1 =	slt.u32 s9, $0xF7A;
	s5 =	simm.s32 @!p2 $0x0  }
0x1d: {  	s5 =	simm.s32 @p1 $0x1;
	p0 =	seq.s32 s7, s2  }
0x1e: {  	s7 =	smul.u32 @!p0 $0xF7A, s2;
	p2 =	seq.s32 @!p0 s5, $0x0  }
0x1f: {  	s9 =	smul.u32 $0xF7A, s1;
	s8 =	simm.s32 @!p0 $0x1BF5;
	p2 =	por !p2, p0  }
0x20: {  	[sflag:s8] =	ssyncset.s32 @!p0 $0xFFFFF086;
	s6 =	sadd.s32 @!p0 s3, s7;
	s7 =	simm.s32 @!p0 $0x108  }
0x21: {  	s3 =	sadd.s32 s3, s9;
	s6 =	sadd.s32 @!p0 $0x88, s6;
	s7 =	simm.s32 @p2 $0x1082  }
0x22: {  	[simem:s7], [sflag:s8] =	dma.local @!p0 [hbm:s6], $0xF7A  }
0x23: {  	s9 =	sor.u32 $0xD0000000, s2;
	s6 =	simm.s32 $0x108;
	_ =	swait.ge @!p0 [sflag:s8], $0x0  }
0x24: {  	s3 =	sadd.s32 $0x88, s3;
	s6 =	simm.s32 @!p1 $0x1082;
	[sflag:s4] =	ssyncset.s32 $0xFFFFF086  }
0x25: {  	[simem:s6], [sflag:s4] =	dma.local [hbm:s3], $0xF7A  }
0x26: {  	[smem:$0x3F90] =	sst s1;
	(tag) =	ssettag s2;
	_ =	strace s9  }
0x27: {  	s1 =	sld [smem:$0x3FA0]  }
0x28: {  	s2 =	sld [smem:$0x3FA1]  }
0x29: {  	s4 =	sld [smem:$0x3FA3]  }
0x2a: {  	p0 =	seq.s32 s5, $0x0;
	s5 =	sld [smem:$0x3FA4]  }
0x2b: {  	s6 =	sld [smem:$0x3FA5]  }
0x2c: {  	s7 =	sld [smem:$0x3FA6]  }
0x2d: {  	s3 =	simm.s32 $0x108;
	s8 =	sld [smem:$0x3FA7]  }
0x2e: {  	s3 =	simm.s32 @!p0 $0x1082;
	s9 =	sld [smem:$0x3FA8]  }
0x2f: {  	lr =	sadd.s32 s0, s3;
	s0 =	sld [smem:$0x3F9F]  }
0x30: {  	s3 =	sld [smem:$0x3FA2]  }
0x31: {  	[smem:$0x3FAB] =	sst s10  }
0x32: {  	s10 =	sld [smem:$0x3FA9];
	_ =	sdelay $0x3  }
0x33: {  	p0 =	seq.s32 s10, $0x1;
	s10 =	sld [smem:$0x3FAB];
	_ =	sdelay $0x3  }
0x34: {  	[smem:$0x3FAB] =	sst s10  }
0x35: {  	s10 =	sld [smem:$0x3FAA];
	_ =	sdelay $0x3  }
0x36: {  	p1 =	seq.s32 s10, $0x1;
	s10 =	sld [smem:$0x3FAB];
	_ =	sdelay $0x3  }
0x37: {  	[smem:$0x3FAB] =	sst s10  }
0x38: {  	s10 =	sld [smem:$0x3FAC]  }
0x39: {  	_ = 	snop;
	(pc) =	sbr.ind lr, $3  }
0x3a: {  	_ = 	snop  }
0x3b: {  	_ = 	snop  }
0x3c: {  	p2 =	seq.s32 s10, $0x1;
	s10 =	sld [smem:$0x3FAB]  }
0x3d: {  	_ =	shalt  }
0x3e: {  	_ =	shalt  }
0x3f: {  	_ =	shalt  }
0x40: {  	_ =	shalt  }
0x41: {  	_ =	shalt  }
0x42: {  	_ =	shalt  }
0x43: {  	_ =	shalt  }
0x44: {  	_ =	shalt  }
0x45: {  	_ =	shalt  }
0x46: {  	_ =	shalt  }
0x47: {  	_ =	shalt  }
0x48: {  	_ =	shalt  }
0x49: {  	_ =	shalt  }
0x4a: {  	_ =	shalt  }
0x4b: {  	_ =	shalt  }
0x4c: {  	_ =	shalt  }
0x4d: {  	_ =	shalt  }
0x4e: {  	_ =	shalt  }
0x4f: {  	_ =	shalt  }
0x50: {  	_ =	shalt  }
0x51: {  	_ =	shalt  }
0x52: {  	_ =	shalt  }
0x53: {  	_ =	shalt  }
0x54: {  	_ =	shalt  }
0x55: {  	_ =	shalt  }
0x56: {  	_ =	shalt  }
0x57: {  	_ =	shalt  }
0x58: {  	_ =	shalt  }
0x59: {  	_ =	shalt  }
0x5a: {  	_ =	shalt  }
0x5b: {  	_ =	shalt  }
0x5c: {  	_ =	shalt  }
0x5d: {  	_ =	shalt  }
0x5e: {  	_ =	shalt  }
0x5f: {  	_ =	shalt  }
0x60: {  	_ =	shalt  }
0x61: {  	_ =	shalt  }
0x62: {  	_ =	shalt  }
0x63: {  	_ =	shalt  }
0x64: {  	_ =	shalt  }
0x65: {  	_ =	shalt  }
0x66: {  	_ =	shalt  }
0x67: {  	_ =	shalt  }
0x68: {  	_ =	shalt  }
0x69: {  	_ =	shalt  }
0x6a: {  	_ =	shalt  }
0x6b: {  	_ =	shalt  }
0x6c: {  	_ =	shalt  }
0x6d: {  	_ =	shalt  }
0x6e: {  	_ =	shalt  }
0x6f: {  	_ =	shalt  }
0x70: {  	_ =	shalt  }
0x71: {  	_ =	shalt  }
0x72: {  	_ =	shalt  }
0x73: {  	_ =	shalt  }
0x74: {  	_ =	shalt  }
0x75: {  	_ =	shalt  }
0x76: {  	_ =	shalt  }
0x77: {  	_ =	shalt  }
0x78: {  	_ =	shalt  }
0x79: {  	_ =	shalt  }
0x7a: {  	_ =	shalt  }
0x7b: {  	_ =	shalt  }
0x7c: {  	_ =	shalt  }
0x7d: {  	_ =	shalt  }
0x7e: {  	_ =	shalt  }
0x7f: {  	_ =	shalt  }
0x80: {  	_ =	shalt  }
0x81: {  	_ =	shalt  }
0x82: {  	_ =	shalt  }
0x83: {  	_ =	shalt  }
0x84: {  	_ =	shalt  }
0x85: {  	_ =	shalt  }
0x86: {  	_ =	shalt  }
0x87: {  	_ =	shalt  }
.Lfunc_end0:
.L_simem_size_0:
called_computation.3_lowered:
.L_overlay_start_0:
0x88: {  	s2 =	sld [smem:$0x3FD9]  }
0x89: {  	s3 =	sld [smem:$0x3FFE];
	_ =	sdelay $0x1  }
0x8a: {  	s1 =	srdreg.scid  }
0x8b: {  	s0 =	sand.u32 $0x1, s1  }
0x8c: {  	s17 =	sshll.u32 s0, $0xA;
	s2 =	sadd.s32 s3, s2  }
0x8d: {  	s2 =	sadd.s32 s2, s17  }
0x8e: {  	[smem:$0x3FB7] =	sst s2  }
0x8f: {  	_ = 	snop  }
0x90: {  	s2 =	sld [smem:$0x3FD0];
	(tm) =	ssettm $0x1  }
0x91: {  	s18 =	sld [smem:$0x3FFB];
	_ =	sdelay $0x3  }
0x92: {  	_ =	strace s18  }
0x93: {  	s3 =	sld [smem:$0x3FFC];
	_ =	sdelay $0x3  }
0x94: {  	_ =	strace s3  }
0x95: {  	s3 =	sld [smem:$0x3FFD];
	_ =	sdelay $0x3  }
0x96: {  	_ =	strace s3  }
0x97: {  	_ =	strace $0x8FFFFFFF  }
0x98: {  	s19 =	sld [smem:$0x3FDB];
	_ =	sdelay $0x1  }
0x99: {  	s4 =	simm.s32 $_scs_section_size  }
0x9a: {  	s5 =	simm.s32 $_size__tile_overlayer_lowered;
	s6 =	simm.s32 $_tile_overlayer_lowered  }
0x9b: {  	s22 =	simm.s32 $0x1BFF;
	s21 =	sshll.u32 s6, $0x1;
	s3 =	sadd.s32 s4, s19  }
0x9c: {  	s7 =	simm.s32 $0x0;
	s20 =	sshll.u32 s5, $0x1;
	s5 =	sadd.s32 s21, s3  }
0x9d: {  	[timem:s7], [sflag:s22] =	dma.local [hbm:s5], s20  }
0x9e: {  	_ =	swait.ge [sflag:s22], s20  }
0x9f: {  	s4 =	ssub.s32 $0x0, s20;
	[sflag:s22] =	ssyncset.done $0x0  }
0xa0: {  	[sflag:s22] =	ssyncadd.s32 s4;
	_ =	sdelay $0x1  }
0xa1: {  	s23 =	simm.s32 $0x1B8B  }
0xa2: {  	_ =	swait.ge [sflag:s23], $0x1  }
0xa3: {  	[sflag:s23] =	ssyncset.done $0x0  }
0xa4: {  	s25 =	simm.s32 $0x1B8E;
	s24 =	sld [smem:$0x3FFE];
	[sflag:s23] =	ssyncadd.s32 $0xFFFFFFFF  }
0xa5: {  	s26 =	simm.s32 $execute0_lowered;
	[smem:$0x3FD2] =	sst s25  }
0xa6: {  	s5 =	sshll.u32 s26, $0x1;
	_ =	strace $0x8000004F;
	[dreg:$0x1] =	wrdreg $0xFFFFFFFF  }
0xa7: {  	s28 =	simm.s32 $_size_execute0_lowered;
	s3 =	sadd.s32 s3, s5;
	[dreg:$0x0] =	wrdreg $0x0  }
0xa8: {  	s5 =	sshll.u32 s28, $0x1;
	[dreg:$0x2] =	wrdreg s3  }
0xa9: {  	[dreg:$0x3] =	wrdreg s5  }
0xaa: {  	[dreg:$0x4] =	wrdreg $0xC0  }
0xab: {  	_ =	task [dreg:s7], $0x5FFFF  }
0xac: {  	[dreg:$0x1] =	wrdreg $0xFFFFFFFF  }
0xad: {  	[dreg:$0x0] =	wrdreg $0x60  }
0xae: {  	[dreg:$0x2] =	wrdreg s24  }
0xaf: {  	[dreg:$0x3] =	wrdreg s2  }
0xb0: {  	[dreg:$0x4] =	wrdreg $0x90000  }
0xb1: {  	[dreg:$0x5] =	wrdreg $0x9  }
0xb2: {  	_ =	task.clear_ibuf [dreg:s7], $0x6FFFF;
	_ =	strace $0x9000004F  }
0xb3: {  	s29 =	simm.s32 $0x9;
	_ =	strace $0x80000051  }
0xb4: {  	_ =	swait.ge [sflag:s29], $0x1  }
0xb5: {  	[sflag:s29] =	ssyncadd.s32 $0xFFFFFFFF  }
0xb6: {  	_ =	strace $0x90000051  }
0xb7: {  	_ =	sfence  }
0xb8: {  	s30 =	sld [smem:$0x0];
	_ =	sdelay $0x2  }
0xb9: {  	s31 =	sshll.u32 s1, $0xD;
	s1 =	sshrl.u32 s1, $0x2  }
0xba: {  	s3 =	sand.u32 $0x4000, s31;
	s1 =	sadd.s32 s1, s30  }
0xbb: {  	s0 =	sor.u32 s3, s0;
	s1 =	sshll.u32 s1, $0x11  }
0xbc: {  	s0 =	sor.u32 s1, s0  }
0xbd: {  	s0 =	sadd.s32 $0x8F2B, s0  }
0xbe: {  	[sflag:s0] =	ssyncadd.remote.s32 $0x1  }
0xbf: {  	_ =	sfence.sel $0xFFFF  }
0xc0: {  	[dreg:$0x0] =	wrdreg $0xFFFFFFFF;
	(pc) =	sbr.abs _section_cstart, $3  }
0xc1: {  	[dreg:$0x1] =	wrdreg $0xFFFFFFFF  }
0xc2: {  	_ =	task.clear_ibuf [dreg:s7], $0x2FFFF;
	_ =	strace $0x9FFFFFFF  }
0xc3: {  	(tm) =	ssettm $0x7FFFFFFF  }
tec
execute0_lowered:
.L_overlay_start_1:
0x0: {  	(tag) =	ssettag $0x1  }
0x1: {  	s6 =	rddreg [dreg:$0x0]  }
0x2: {  	s2 =	rddreg [dreg:$0x1];
	s1 =	srdreg.scid  }
0x3: {  	s0 =	stileid.u32;
	s3 =	rddreg [dreg:$0x2]  }
0x4: {  	s4 =	simm.s32 $0x0;
	s25 =	simm.s32 $0x2800;
	s26 =	simm.s32 $0x80  }
0x5: {  	s28 =	simm.s32 $0x1;
	s29 =	simm.s32 $0x0;
	s7 =	sand.u32 $0x1, s1  }
0x6: {  	s5 =	sshll.u32 s0, $0x1;
	[smem:$0x7FF] =	sst s4;
	s9 =	smul.u32 $0x50000, s0  }
0x7: {  	s22 =	sadd.s32 $0x92A00, s6;
	s18 =	smul.u32 $0x14000, s0;
	s5 =	sor.u32 s7, s5  }
0x8: {  	_ =	strace $0x80000050;
	s30 =	ssub.s32 $0x2, s7;
	s19 =	smul.u32 $0x140000, s7  }
0x9: {  	s8 =	smul.u32 $0x500, s5;
	s5 =	sadd.s32 $0x1B200, s6;
	s10 =	sshrl.u32 s30, $0x1  }
0xa: {  	s9 =	sshrl.u32 s9, $0x2;
	s15 =	sadd.s32 $0x4000, s18;
	s20 =	sadd.s32 $0x8000, s18  }
0xb: {  	s21 =	sadd.s32 $0xC000, s18;
	s23 =	sadd.s32 $0x10000, s18;
	s10 =	ssub.s32 s30, s10  }
0xc: {  	s13 =	sadd.s32 s19, s18;
	s16 =	sadd.s32 s19, s15;
	s15 =	sadd.s32 s15, s3  }
0xd: {  	s17 =	sadd.s32 s20, s3;
	s20 =	sadd.s32 s19, s20;
	s31 =	sadd.s32 s19, s21  }
0xe: {  	s24 =	sadd.s32 s19, s23;
	s19 =	sadd.s32 s21, s3;
	s21 =	sadd.s32 s23, s3  }
0xf: {  	s23 =	simm.s32 $0x5000;
	s8 =	sadd.s32 s8, s6;
	s6 =	sadd.s32 s9, s3  }
0x10: {  	s9 =	smax.u32 s10, $0x1;
	s14 =	sshrl.u32 s13, $0x3;
	s16 =	sshrl.u32 s16, $0x3  }
0x11: {  	s20 =	sshrl.u32 s20, $0x3;
	s24 =	sshrl.u32 s24, $0x3;
	s7 =	sadd.s32 $0x11200, s8  }
0x12: {  	s8 =	sadd.s32 $0x7200, s8;
	s10 =	sadd.s32 $0x4000, s6;
	s11 =	sadd.s32 $0x8000, s6  }
0x13: {  	s12 =	sadd.s32 $0xC000, s6;
	s13 =	sadd.s32 $0x10000, s6;
	s14 =	sadd.s32 s22, s14  }
0x14: {  	s16 =	sadd.s32 s22, s16;
	s18 =	sadd.s32 s22, s20;
	s20 =	sshrl.u32 s31, $0x3  }
0x15: {  	s20 =	sadd.s32 s22, s20;
	s22 =	sadd.s32 s22, s24;
	s24 =	simm.s32 $0x2  }
.LBB2_1:
0x16: {  	[tilespmem:s23], [sflag:$0x2] =	stream.linear.gather [hbm4b:s2+s4], $0x4000, $0x38;
	[tilespmem:$0x1D000] =	vst v63  }
0x17: {  	_ =	swait.ge [sflag:s24], $0x4000  }
0x18: {  	[sflag:s24] =	ssyncset.done $0x0  }
0x19: {  	[sflag:s24] =	ssyncadd.s32 $0xFFFFC000  }
0x1a: {  	[spmem:s6] =	stream.linear.scatter [tilespmem:s23], [sflag:$0x2], $0x4000, $0x38;
	[tilespmem:$0x1D000] =	vst v63  }
0x1b: {  	_ =	swait.ge [sflag:s24], $0x4000  }
0x1c: {  	[sflag:s24] =	ssyncset.done $0x0  }
0x1d: {  	[sflag:s24] =	ssyncadd.s32 $0xFFFFC000  }
0x1e: {  	[spmem:s10] =	stream.linear.scatter [tilespmem:s23], [sflag:$0x2], $0x4000, $0x38;
	[tilespmem:$0x1D000] =	vst v63  }
0x1f: {  	_ =	swait.ge [sflag:s24], $0x4000  }
0x20: {  	[sflag:s24] =	ssyncset.done $0x0  }
0x21: {  	[sflag:s24] =	ssyncadd.s32 $0xFFFFC000  }
0x22: {  	[spmem:s11] =	stream.linear.scatter [tilespmem:s23], [sflag:$0x2], $0x4000, $0x38;
	[tilespmem:$0x1D000] =	vst v63  }
0x23: {  	_ =	swait.ge [sflag:s24], $0x4000  }
0x24: {  	[sflag:s24] =	ssyncset.done $0x0  }
0x25: {  	[sflag:s24] =	ssyncadd.s32 $0xFFFFC000  }
0x26: {  	[spmem:s12] =	stream.linear.scatter [tilespmem:s23], [sflag:$0x2], $0x4000, $0x38;
	[tilespmem:$0x1D000] =	vst v63  }
0x27: {  	_ =	swait.ge [sflag:s24], $0x4000  }
0x28: {  	[sflag:s24] =	ssyncset.done $0x0  }
0x29: {  	[sflag:s24] =	ssyncadd.s32 $0xFFFFC000  }
0x2a: {  	[spmem:s13] =	stream.linear.scatter [tilespmem:s23], [sflag:$0x2], $0x4000, $0x38;
	[tilespmem:$0x1D000] =	vst v63  }
0x2b: {  	_ =	swait.ge [sflag:s24], $0x4000  }
0x2c: {  	[sflag:s24] =	ssyncset.done $0x0  }
0x2d: {  	[sflag:s24] =	ssyncadd.s32 $0xFFFFC000  }
0x2e: {  	[bflag:$0x0] =	sbarrier.arrive $0xFFFF  }
0x2f: {  	[tilespmem:s4], [sflag:$0x2] =	stream.linear.gather [hbm4b:s7+s4], $0x2780, $0x38;
	[tilespmem:$0x1D000] =	vst v63  }
0x30: {  	_ =	swait.ge [sflag:s24], $0x2780  }
0x31: {  	[sflag:s24] =	ssyncset.done $0x0  }
0x32: {  	[sflag:s24] =	ssyncadd.s32 $0xFFFFD880  }
0x33: {  	[tilespmem:s25], [sflag:$0x2] =	stream.linear.gather [hbm4b:s8+s4], $0x2780, $0x38;
	[tilespmem:$0x1D000] =	vst v63  }
0x34: {  	_ =	swait.ge [sflag:s24], $0x2780  }
0x35: {  	[sflag:s24] =	ssyncset.done $0x0  }
0x36: {  	s30 =	simm.s32 $0x0;
	[sflag:s24] =	ssyncadd.s32 $0xFFFFD880  }
0x37: {  	[tilespmem:s23], [sflag:$0x1] =	stream.indirect.gather [hbm4b:s5+s26], $0x80, s30, s26, $0xb8;
	[tilespmem:$0x1D000] =	vst v63  }
0x38: {  	_ =	swait.ge [sflag:s28], $0x4000  }
0x39: {  	[sflag:s28] =	ssyncset.done $0x0  }
0x3a: {  	s30 =	simm.s32 $0x2800;
	[sflag:s28] =	ssyncadd.s32 $0xFFFFC000  }
0x3b: {  	[spmem:s3] =	stream.indirect.scatter.add.f32 [tilespmem:s23], [sflag:$0x2], $0x80, s30, s26, $0xb8;
	[tilespmem:$0x1D000] =	vst v63  }
0x3c: {  	_ =	swait.ge [sflag:s24], $0x4000  }
0x3d: {  	s31 =	simm.s32 $0x400;
	s30 =	simm.s32 $0x200;
	[sflag:s24] =	ssyncset.done $0x0  }
.LBB2_2:
0x3e: {  	s1 =	sshra.s32 s30, $0x2  }
0x3f: {  	[sflag:s24] =	ssyncadd.s32 $0xFFFFC000;
	s30 =	smov.u32 s31;
	s0 =	sadd.s32 $0x200, s31  }
0x40: {  	[tilespmem:s23], [sflag:$0x1] =	stream.indirect.gather [hbm4b:s5+s26], $0x80, s1, s26, $0xb8;
	[tilespmem:$0x1D000] =	vst v63  }
0x41: {  	p0 =	sne.s32 s31, $0x9C00;
	_ =	swait.ge [sflag:s28], $0x4000  }
.Ltmp0:
0x42: {  	[sflag:s28] =	ssyncset.done $0x0;
	(pc) =	sbr.rel @p0 .LBB2_2-.Ltmp0, $4  }
0x43: {  	s1 =	sadd.s32 $0x2800, s1;
	[sflag:s28] =	ssyncadd.s32 $0xFFFFC000  }
0x44: {  	[spmem:s3] =	stream.indirect.scatter.add.f32 [tilespmem:s23], [sflag:$0x2], $0x80, s1, s26, $0xb8;
	[tilespmem:$0x1D000] =	vst v63  }
0x45: {  	_ =	swait.ge [sflag:s24], $0x4000  }
0x46: {  	s31 =	smov.u32 s0;
	[sflag:s24] =	ssyncset.done $0x0  }
0x47: {  	s0 =	sshra.s32 s30, $0x2;
	[sflag:s24] =	ssyncadd.s32 $0xFFFFC000  }
0x48: {  	[tilespmem:s23], [sflag:$0x1] =	stream.indirect.gather [hbm4b:s5+s26], $0x80, s0, s26, $0xb8;
	[tilespmem:$0x1D000] =	vst v63  }
0x49: {  	_ =	swait.ge [sflag:s28], $0x4000  }
0x4a: {  	[sflag:s28] =	ssyncset.done $0x0  }
0x4b: {  	s0 =	sadd.s32 $0x2800, s0;
	[sflag:s28] =	ssyncadd.s32 $0xFFFFC000  }
0x4c: {  	[spmem:s3] =	stream.indirect.scatter.add.f32 [tilespmem:s23], [sflag:$0x2], $0x80, s0, s26, $0xb8;
	[tilespmem:$0x1D000] =	vst v63  }
0x4d: {  	_ =	swait.ge [sflag:s24], $0x4000  }
0x4e: {  	[sflag:s24] =	ssyncset.done $0x0  }
0x4f: {  	[sflag:s24] =	ssyncadd.s32 $0xFFFFC000  }
0x50: {  	[bflag:$0x0] =	sbarrier.arrive $0xFFFF  }
0x51: {  	[tilespmem:s23], [sflag:$0x2] =	stream.linear.gather [spmem:s6], $0x4000, $0x38;
	[tilespmem:$0x1D000] =	vst v63  }
0x52: {  	_ =	swait.ge [sflag:s24], $0x4000  }
0x53: {  	[sflag:s24] =	ssyncset.done $0x0  }
0x54: {  	[sflag:s24] =	ssyncadd.s32 $0xFFFFC000  }
0x55: {  	[hbm4b:s14+s4] =	stream.linear.scatter [tilespmem:s23], [sflag:$0x2], $0x4000, $0x38;
	[tilespmem:$0x1D000] =	vst v63  }
0x56: {  	_ =	swait.ge [sflag:s24], $0x4000  }
0x57: {  	[sflag:s24] =	ssyncset.done $0x0  }
0x58: {  	[sflag:s24] =	ssyncadd.s32 $0xFFFFC000  }
0x59: {  	[tilespmem:s23], [sflag:$0x2] =	stream.linear.gather [spmem:s15], $0x4000, $0x38;
	[tilespmem:$0x1D000] =	vst v63  }
0x5a: {  	_ =	swait.ge [sflag:s24], $0x4000  }
0x5b: {  	[sflag:s24] =	ssyncset.done $0x0  }
0x5c: {  	[sflag:s24] =	ssyncadd.s32 $0xFFFFC000  }
0x5d: {  	[hbm4b:s16+s4] =	stream.linear.scatter [tilespmem:s23], [sflag:$0x2], $0x4000, $0x38;
	[tilespmem:$0x1D000] =	vst v63  }
0x5e: {  	_ =	swait.ge [sflag:s24], $0x4000  }
0x5f: {  	[sflag:s24] =	ssyncset.done $0x0  }
0x60: {  	[sflag:s24] =	ssyncadd.s32 $0xFFFFC000  }
0x61: {  	[tilespmem:s23], [sflag:$0x2] =	stream.linear.gather [spmem:s17], $0x4000, $0x38;
	[tilespmem:$0x1D000] =	vst v63  }
0x62: {  	_ =	swait.ge [sflag:s24], $0x4000  }
0x63: {  	[sflag:s24] =	ssyncset.done $0x0  }
0x64: {  	[sflag:s24] =	ssyncadd.s32 $0xFFFFC000  }
0x65: {  	[hbm4b:s18+s4] =	stream.linear.scatter [tilespmem:s23], [sflag:$0x2], $0x4000, $0x38;
	[tilespmem:$0x1D000] =	vst v63  }
0x66: {  	_ =	swait.ge [sflag:s24], $0x4000  }
0x67: {  	[sflag:s24] =	ssyncset.done $0x0  }
0x68: {  	[sflag:s24] =	ssyncadd.s32 $0xFFFFC000  }
0x69: {  	[tilespmem:s23], [sflag:$0x2] =	stream.linear.gather [spmem:s19], $0x4000, $0x38;
	[tilespmem:$0x1D000] =	vst v63  }
0x6a: {  	_ =	swait.ge [sflag:s24], $0x4000  }
0x6b: {  	[sflag:s24] =	ssyncset.done $0x0  }
0x6c: {  	[sflag:s24] =	ssyncadd.s32 $0xFFFFC000  }
0x6d: {  	[hbm4b:s20+s4] =	stream.linear.scatter [tilespmem:s23], [sflag:$0x2], $0x4000, $0x38;
	[tilespmem:$0x1D000] =	vst v63  }
0x6e: {  	_ =	swait.ge [sflag:s24], $0x4000  }
0x6f: {  	[sflag:s24] =	ssyncset.done $0x0  }
0x70: {  	[sflag:s24] =	ssyncadd.s32 $0xFFFFC000  }
0x71: {  	[tilespmem:s23], [sflag:$0x2] =	stream.linear.gather [spmem:s21], $0x4000, $0x38;
	[tilespmem:$0x1D000] =	vst v63  }
0x72: {  	s29 =	sadd.s32 $0x1, s29;
	_ =	swait.ge [sflag:s24], $0x4000  }
0x73: {  	p0 =	sne.s32 s29, s9;
	[sflag:s24] =	ssyncset.done $0x0  }
.Ltmp1:
0x74: {  	[sflag:s24] =	ssyncadd.s32 $0xFFFFC000;
	(pc) =	sbr.rel @p0 .LBB2_1-.Ltmp1, $4  }
0x75: {  	[hbm4b:s22+s4] =	stream.linear.scatter [tilespmem:s23], [sflag:$0x2], $0x4000, $0x38;
	[tilespmem:$0x1D000] =	vst v63  }
0x76: {  	_ =	swait.ge [sflag:s24], $0x4000  }
0x77: {  	[sflag:s24] =	ssyncset.done $0x0  }
0x78: {  	[sflag:s24] =	ssyncadd.s32 $0xFFFFC000  }
0x79: {  	_ =	sfence.sel $0x180000  }
0x7a: {  	[bflag:$0x0] =	sbarrier.arrive $0xFFFF  }
0x7b: {  	_ =	strace $0x90000050  }
0x7c: {  	s0 =	stileid.u32;
	[bflag:$0x2] =	sbarrier.arrive $0xFFFF  }
0x7d: {  	p0 =	sne.s32 s0, $0x0;
	s0 =	rddreg [dreg:$0x3]  }
0x7e: {  	s0 =	sadd.s32 @!p0 $0x100000, s0  }
0x7f: {  	[sflag:s0] =	ssyncadd.tile.s32 @!p0 $0x1;
	_ =	shalt  }
.Lfunc_end2:
_tile_overlayer_lowered:
.L_overlay_start_2:
0x80: {  	(tag) =	ssettag $0x2  }
0x81: {  	s0 =	rddreg [dreg:$0x0];
	s2 =	stileid.u32  }
0x82: {  	s1 =	rddreg [dreg:$0x1];
	p0 =	sne.s32 s2, $0x0  }
0x83: {  	s3 =	rddreg [dreg:$0x2];
	[bflag:$0x3] =	sbarrier.arrive $0xFFFF;
	s2 =	simm.s32 @!p0 $0x1C02  }
0x84: {  	[timem:s3], [sflag:s2] =	dma.local @!p0 [hbm:s0], s1  }
0x85: {  	s0 =	simm.s32 @!p0 $0x2  }
0x86: {  	_ =	swait.ge @!p0 [sflag:s0], s1  }
0x87: {  	s1 =	ssub.s32 @!p0 $0x0, s1;
	[sflag:s0] =	ssyncset.done @!p0 $0x0  }
0x88: {  	[sflag:s0] =	ssyncadd.s32 @!p0 s1  }
0x89: {  	[bflag:$0x3] =	sbarrier.arrive $0xFFFF  }
0x8a: {  	_ =	shalt  }

// kernel: kernel.27.cloned.1.call-start
scs
__scs_entry_jumppad:
0x0: {  	(pc) =	sbr.rel $0x88, $3  }
0x1: {  	(tag) =	ssettag $0x0;
	lr =	simm.s32 $0x1  }
0x2: {  	[smem:$0x3F90] =	sst lr;
	_ =	strace $0xD0000000  }
0x3: {  	_ = 	snop  }
0x4: {  	_ = 	snop  }
0x5: {  	_ = 	snop  }
0x6: {  	_ = 	snop  }
0x7: {  	_ = 	snop  }
__scs_overlays_trampoline_lowered:
0x8: {  	[smem:$0x3F9F] =	sst s0  }
0x9: {  	[smem:$0x3FA0] =	sst s1  }
0xa: {  	[smem:$0x3FA1] =	sst s2  }
0xb: {  	[smem:$0x3FA2] =	sst s3  }
0xc: {  	[smem:$0x3FA3] =	sst s4  }
0xd: {  	[smem:$0x3FA4] =	sst s5  }
0xe: {  	[smem:$0x3FA5] =	sst s6  }
0xf: {  	[smem:$0x3FA6] =	sst s7  }
0x10: {  	[smem:$0x3FA7] =	sst s8  }
0x11: {  	[smem:$0x3FA8] =	sst s9;
	s0 =	simm.s32 @!p0 $0x0  }
0x12: {  	s1 =	sld [smem:$0x3F8E];
	s0 =	simm.s32 @p0 $0x1  }
0x13: {  	[smem:$0x3FA9] =	sst s0;
	s0 =	simm.s32 @!p1 $0x0  }
0x14: {  	s2 =	sld [smem:$0x3F8D];
	s0 =	simm.s32 @p1 $0x1  }
0x15: {  	[smem:$0x3FAA] =	sst s0;
	s0 =	simm.s32 @!p2 $0x0  }
0x16: {  	s3 =	sld [smem:$0x3FDB];
	s0 =	simm.s32 @p2 $0x1  }
0x17: {  	s4 =	simm.s32 $0x1BF5;
	[smem:$0x3FAC] =	sst s0  }
0x18: {  	s0 =	sld [smem:$0x3F8F];
	_ =	swait.ge [sflag:s4], $0x0  }
0x19: {  	s7 =	sld [smem:$0x3F90]  }
0x1a: {  	s8 =	sadd.s32 $0xFFFFE003, lr  }
0x1b: {  	s9 =	sadd.s32 $0xFFFFFEF7, lr;
	s5 =	simm.s32 $0xFFFFFFFF;
	p2 =	slt.u32 s8, $0xFFFFF086  }
0x1c: {  	p1 =	slt.u32 s9, $0xF7A;
	s5 =	simm.s32 @!p2 $0x0  }
0x1d: {  	s5 =	simm.s32 @p1 $0x1;
	p0 =	seq.s32 s7, s2  }
0x1e: {  	s7 =	smul.u32 @!p0 $0xF7A, s2;
	p2 =	seq.s32 @!p0 s5, $0x0  }
0x1f: {  	s9 =	smul.u32 $0xF7A, s1;
	s8 =	simm.s32 @!p0 $0x1BF5;
	p2 =	por !p2, p0  }
0x20: {  	[sflag:s8] =	ssyncset.s32 @!p0 $0xFFFFF086;
	s6 =	sadd.s32 @!p0 s3, s7;
	s7 =	simm.s32 @!p0 $0x108  }
0x21: {  	s3 =	sadd.s32 s3, s9;
	s6 =	sadd.s32 @!p0 $0x88, s6;
	s7 =	simm.s32 @p2 $0x1082  }
0x22: {  	[simem:s7], [sflag:s8] =	dma.local @!p0 [hbm:s6], $0xF7A  }
0x23: {  	s9 =	sor.u32 $0xD0000000, s2;
	s6 =	simm.s32 $0x108;
	_ =	swait.ge @!p0 [sflag:s8], $0x0  }
0x24: {  	s3 =	sadd.s32 $0x88, s3;
	s6 =	simm.s32 @!p1 $0x1082;
	[sflag:s4] =	ssyncset.s32 $0xFFFFF086  }
0x25: {  	[simem:s6], [sflag:s4] =	dma.local [hbm:s3], $0xF7A  }
0x26: {  	[smem:$0x3F90] =	sst s1;
	(tag) =	ssettag s2;
	_ =	strace s9  }
0x27: {  	s1 =	sld [smem:$0x3FA0]  }
0x28: {  	s2 =	sld [smem:$0x3FA1]  }
0x29: {  	s4 =	sld [smem:$0x3FA3]  }
0x2a: {  	p0 =	seq.s32 s5, $0x0;
	s5 =	sld [smem:$0x3FA4]  }
0x2b: {  	s6 =	sld [smem:$0x3FA5]  }
0x2c: {  	s7 =	sld [smem:$0x3FA6]  }
0x2d: {  	s3 =	simm.s32 $0x108;
	s8 =	sld [smem:$0x3FA7]  }
0x2e: {  	s3 =	simm.s32 @!p0 $0x1082;
	s9 =	sld [smem:$0x3FA8]  }
0x2f: {  	lr =	sadd.s32 s0, s3;
	s0 =	sld [smem:$0x3F9F]  }
0x30: {  	s3 =	sld [smem:$0x3FA2]  }
0x31: {  	[smem:$0x3FAB] =	sst s10  }
0x32: {  	s10 =	sld [smem:$0x3FA9];
	_ =	sdelay $0x3  }
0x33: {  	p0 =	seq.s32 s10, $0x1;
	s10 =	sld [smem:$0x3FAB];
	_ =	sdelay $0x3  }
0x34: {  	[smem:$0x3FAB] =	sst s10  }
0x35: {  	s10 =	sld [smem:$0x3FAA];
	_ =	sdelay $0x3  }
0x36: {  	p1 =	seq.s32 s10, $0x1;
	s10 =	sld [smem:$0x3FAB];
	_ =	sdelay $0x3  }
0x37: {  	[smem:$0x3FAB] =	sst s10  }
0x38: {  	s10 =	sld [smem:$0x3FAC]  }
0x39: {  	_ = 	snop;
	(pc) =	sbr.ind lr, $3  }
0x3a: {  	_ = 	snop  }
0x3b: {  	_ = 	snop  }
0x3c: {  	p2 =	seq.s32 s10, $0x1;
	s10 =	sld [smem:$0x3FAB]  }
0x3d: {  	_ =	shalt  }
0x3e: {  	_ =	shalt  }
0x3f: {  	_ =	shalt  }
0x40: {  	_ =	shalt  }
0x41: {  	_ =	shalt  }
0x42: {  	_ =	shalt  }
0x43: {  	_ =	shalt  }
0x44: {  	_ =	shalt  }
0x45: {  	_ =	shalt  }
0x46: {  	_ =	shalt  }
0x47: {  	_ =	shalt  }
0x48: {  	_ =	shalt  }
0x49: {  	_ =	shalt  }
0x4a: {  	_ =	shalt  }
0x4b: {  	_ =	shalt  }
0x4c: {  	_ =	shalt  }
0x4d: {  	_ =	shalt  }
0x4e: {  	_ =	shalt  }
0x4f: {  	_ =	shalt  }
0x50: {  	_ =	shalt  }
0x51: {  	_ =	shalt  }
0x52: {  	_ =	shalt  }
0x53: {  	_ =	shalt  }
0x54: {  	_ =	shalt  }
0x55: {  	_ =	shalt  }
0x56: {  	_ =	shalt  }
0x57: {  	_ =	shalt  }
0x58: {  	_ =	shalt  }
0x59: {  	_ =	shalt  }
0x5a: {  	_ =	shalt  }
0x5b: {  	_ =	shalt  }
0x5c: {  	_ =	shalt  }
0x5d: {  	_ =	shalt  }
0x5e: {  	_ =	shalt  }
0x5f: {  	_ =	shalt  }
0x60: {  	_ =	shalt  }
0x61: {  	_ =	shalt  }
0x62: {  	_ =	shalt  }
0x63: {  	_ =	shalt  }
0x64: {  	_ =	shalt  }
0x65: {  	_ =	shalt  }
0x66: {  	_ =	shalt  }
0x67: {  	_ =	shalt  }
0x68: {  	_ =	shalt  }
0x69: {  	_ =	shalt  }
0x6a: {  	_ =	shalt  }
0x6b: {  	_ =	shalt  }
0x6c: {  	_ =	shalt  }
0x6d: {  	_ =	shalt  }
0x6e: {  	_ =	shalt  }
0x6f: {  	_ =	shalt  }
0x70: {  	_ =	shalt  }
0x71: {  	_ =	shalt  }
0x72: {  	_ =	shalt  }
0x73: {  	_ =	shalt  }
0x74: {  	_ =	shalt  }
0x75: {  	_ =	shalt  }
0x76: {  	_ =	shalt  }
0x77: {  	_ =	shalt  }
0x78: {  	_ =	shalt  }
0x79: {  	_ =	shalt  }
0x7a: {  	_ =	shalt  }
0x7b: {  	_ =	shalt  }
0x7c: {  	_ =	shalt  }
0x7d: {  	_ =	shalt  }
0x7e: {  	_ =	shalt  }
0x7f: {  	_ =	shalt  }
0x80: {  	_ =	shalt  }
0x81: {  	_ =	shalt  }
0x82: {  	_ =	shalt  }
0x83: {  	_ =	shalt  }
0x84: {  	_ =	shalt  }
0x85: {  	_ =	shalt  }
0x86: {  	_ =	shalt  }
0x87: {  	_ =	shalt  }
.Lfunc_end0:
.L_simem_size_0:
called_computation.4_lowered:
.L_overlay_start_0:
0x88: {  	s2 =	sld [smem:$0x3FD9]  }
0x89: {  	s3 =	sld [smem:$0x3FFE];
	_ =	sdelay $0x1  }
0x8a: {  	s1 =	srdreg.scid  }
0x8b: {  	s0 =	sand.u32 $0x1, s1  }
0x8c: {  	s17 =	sshll.u32 s0, $0xA;
	s2 =	sadd.s32 s3, s2  }
0x8d: {  	s2 =	sadd.s32 s2, s17  }
0x8e: {  	[smem:$0x3FB7] =	sst s2  }
0x8f: {  	_ = 	snop  }
0x90: {  	s2 =	sld [smem:$0x3FD0];
	(tm) =	ssettm $0x1  }
0x91: {  	s18 =	sld [smem:$0x3FFB];
	_ =	sdelay $0x3  }
0x92: {  	_ =	strace s18  }
0x93: {  	s3 =	sld [smem:$0x3FFC];
	_ =	sdelay $0x3  }
0x94: {  	_ =	strace s3  }
0x95: {  	s3 =	sld [smem:$0x3FFD];
	_ =	sdelay $0x3  }
0x96: {  	_ =	strace s3  }
0x97: {  	_ =	strace $0x8FFFFFFF  }
0x98: {  	s19 =	sld [smem:$0x3FDB];
	_ =	sdelay $0x1  }
0x99: {  	s4 =	simm.s32 $_scs_section_size  }
0x9a: {  	s5 =	simm.s32 $_size__tile_overlayer_lowered;
	s6 =	simm.s32 $_tile_overlayer_lowered  }
0x9b: {  	s22 =	simm.s32 $0x1BFF;
	s21 =	sshll.u32 s6, $0x1;
	s3 =	sadd.s32 s4, s19  }
0x9c: {  	s7 =	simm.s32 $0x0;
	s20 =	sshll.u32 s5, $0x1;
	s5 =	sadd.s32 s21, s3  }
0x9d: {  	[timem:s7], [sflag:s22] =	dma.local [hbm:s5], s20  }
0x9e: {  	_ =	swait.ge [sflag:s22], s20  }
0x9f: {  	s4 =	ssub.s32 $0x0, s20;
	[sflag:s22] =	ssyncset.done $0x0  }
0xa0: {  	[sflag:s22] =	ssyncadd.s32 s4;
	_ =	sdelay $0x1  }
0xa1: {  	s23 =	simm.s32 $0x1B8B  }
0xa2: {  	_ =	swait.ge [sflag:s23], $0x1  }
0xa3: {  	[sflag:s23] =	ssyncset.done $0x0  }
0xa4: {  	s25 =	simm.s32 $0x1B8E;
	s24 =	sld [smem:$0x3FFE];
	[sflag:s23] =	ssyncadd.s32 $0xFFFFFFFF  }
0xa5: {  	s26 =	simm.s32 $execute0_lowered;
	[smem:$0x3FD2] =	sst s25  }
0xa6: {  	s5 =	sshll.u32 s26, $0x1;
	_ =	strace $0x80000052;
	[dreg:$0x1] =	wrdreg $0xFFFFFFFF  }
0xa7: {  	s28 =	simm.s32 $_size_execute0_lowered;
	s3 =	sadd.s32 s3, s5;
	[dreg:$0x0] =	wrdreg $0x0  }
0xa8: {  	s5 =	sshll.u32 s28, $0x1;
	[dreg:$0x2] =	wrdreg s3  }
0xa9: {  	[dreg:$0x3] =	wrdreg s5  }
0xaa: {  	[dreg:$0x4] =	wrdreg $0xC0  }
0xab: {  	_ =	task [dreg:s7], $0x5FFFF  }
0xac: {  	[dreg:$0x1] =	wrdreg $0xFFFFFFFF  }
0xad: {  	[dreg:$0x0] =	wrdreg $0x60  }
0xae: {  	[dreg:$0x2] =	wrdreg s24  }
0xaf: {  	[dreg:$0x3] =	wrdreg s2  }
0xb0: {  	[dreg:$0x4] =	wrdreg $0x90000  }
0xb1: {  	[dreg:$0x5] =	wrdreg $0x9  }
0xb2: {  	_ =	task.clear_ibuf [dreg:s7], $0x6FFFF;
	_ =	strace $0x90000052  }
0xb3: {  	s29 =	simm.s32 $0x9;
	_ =	strace $0x80000054  }
0xb4: {  	_ =	swait.ge [sflag:s29], $0x1  }
0xb5: {  	[sflag:s29] =	ssyncadd.s32 $0xFFFFFFFF  }
0xb6: {  	_ =	strace $0x90000054  }
0xb7: {  	_ =	sfence  }
0xb8: {  	s30 =	sld [smem:$0x0];
	_ =	sdelay $0x2  }
0xb9: {  	s31 =	sshll.u32 s1, $0xD;
	s1 =	sshrl.u32 s1, $0x2  }
0xba: {  	s3 =	sand.u32 $0x4000, s31;
	s1 =	sadd.s32 s1, s30  }
0xbb: {  	s0 =	sor.u32 s3, s0;
	s1 =	sshll.u32 s1, $0x11  }
0xbc: {  	s0 =	sor.u32 s1, s0  }
0xbd: {  	s0 =	sadd.s32 $0x8F2B, s0  }
0xbe: {  	[sflag:s0] =	ssyncadd.remote.s32 $0x1  }
0xbf: {  	_ =	sfence.sel $0xFFFF  }
0xc0: {  	[dreg:$0x0] =	wrdreg $0xFFFFFFFF;
	(pc) =	sbr.abs _section_cstart, $3  }
0xc1: {  	[dreg:$0x1] =	wrdreg $0xFFFFFFFF  }
0xc2: {  	_ =	task.clear_ibuf [dreg:s7], $0x2FFFF;
	_ =	strace $0x9FFFFFFF  }
0xc3: {  	(tm) =	ssettm $0x7FFFFFFF  }
tec
execute0_lowered:
.L_overlay_start_1:
0x0: {  	(tag) =	ssettag $0x1  }
0x1: {  	s6 =	rddreg [dreg:$0x0]  }
0x2: {  	s2 =	rddreg [dreg:$0x1];
	s1 =	srdreg.scid  }
0x3: {  	s0 =	stileid.u32;
	s3 =	rddreg [dreg:$0x2]  }
0x4: {  	s4 =	simm.s32 $0x0;
	s25 =	simm.s32 $0x2800;
	s26 =	simm.s32 $0x80  }
0x5: {  	s28 =	simm.s32 $0x1;
	s29 =	simm.s32 $0x0;
	s7 =	sand.u32 $0x1, s1  }
0x6: {  	s5 =	sshll.u32 s0, $0x1;
	[smem:$0x7FF] =	sst s4;
	s9 =	smul.u32 $0x50000, s0  }
0x7: {  	s22 =	sadd.s32 $0x42400, s6;
	s18 =	smul.u32 $0x14000, s0;
	s5 =	sor.u32 s7, s5  }
0x8: {  	_ =	strace $0x80000053;
	s30 =	ssub.s32 $0x2, s7;
	s19 =	smul.u32 $0x140000, s7  }
0x9: {  	s8 =	smul.u32 $0x500, s5;
	s5 =	sadd.s32 $0x1B200, s6;
	s10 =	sshrl.u32 s30, $0x1  }
0xa: {  	s9 =	sshrl.u32 s9, $0x2;
	s15 =	sadd.s32 $0x4000, s18;
	s20 =	sadd.s32 $0x8000, s18  }
0xb: {  	s21 =	sadd.s32 $0xC000, s18;
	s23 =	sadd.s32 $0x10000, s18;
	s10 =	ssub.s32 s30, s10  }
0xc: {  	s13 =	sadd.s32 s19, s18;
	s16 =	sadd.s32 s19, s15;
	s15 =	sadd.s32 s15, s3  }
0xd: {  	s17 =	sadd.s32 s20, s3;
	s20 =	sadd.s32 s19, s20;
	s31 =	sadd.s32 s19, s21  }
0xe: {  	s24 =	sadd.s32 s19, s23;
	s19 =	sadd.s32 s21, s3;
	s21 =	sadd.s32 s23, s3  }
0xf: {  	s23 =	simm.s32 $0x5000;
	s8 =	sadd.s32 s8, s6;
	s6 =	sadd.s32 s9, s3  }
0x10: {  	s9 =	smax.u32 s10, $0x1;
	s14 =	sshrl.u32 s13, $0x3;
	s16 =	sshrl.u32 s16, $0x3  }
0x11: {  	s20 =	sshrl.u32 s20, $0x3;
	s24 =	sshrl.u32 s24, $0x3;
	s7 =	sadd.s32 $0x11200, s8  }
0x12: {  	s8 =	sadd.s32 $0x7200, s8;
	s10 =	sadd.s32 $0x4000, s6;
	s11 =	sadd.s32 $0x8000, s6  }
0x13: {  	s12 =	sadd.s32 $0xC000, s6;
	s13 =	sadd.s32 $0x10000, s6;
	s14 =	sadd.s32 s22, s14  }
0x14: {  	s16 =	sadd.s32 s22, s16;
	s18 =	sadd.s32 s22, s20;
	s20 =	sshrl.u32 s31, $0x3  }
0x15: {  	s20 =	sadd.s32 s22, s20;
	s22 =	sadd.s32 s22, s24;
	s24 =	simm.s32 $0x2  }
.LBB2_1:
0x16: {  	[tilespmem:s23], [sflag:$0x2] =	stream.linear.gather [hbm4b:s2+s4], $0x4000, $0x38;
	[tilespmem:$0x1D000] =	vst v63  }
0x17: {  	_ =	swait.ge [sflag:s24], $0x4000  }
0x18: {  	[sflag:s24] =	ssyncset.done $0x0  }
0x19: {  	[sflag:s24] =	ssyncadd.s32 $0xFFFFC000  }
0x1a: {  	[spmem:s6] =	stream.linear.scatter [tilespmem:s23], [sflag:$0x2], $0x4000, $0x38;
	[tilespmem:$0x1D000] =	vst v63  }
0x1b: {  	_ =	swait.ge [sflag:s24], $0x4000  }
0x1c: {  	[sflag:s24] =	ssyncset.done $0x0  }
0x1d: {  	[sflag:s24] =	ssyncadd.s32 $0xFFFFC000  }
0x1e: {  	[spmem:s10] =	stream.linear.scatter [tilespmem:s23], [sflag:$0x2], $0x4000, $0x38;
	[tilespmem:$0x1D000] =	vst v63  }
0x1f: {  	_ =	swait.ge [sflag:s24], $0x4000  }
0x20: {  	[sflag:s24] =	ssyncset.done $0x0  }
0x21: {  	[sflag:s24] =	ssyncadd.s32 $0xFFFFC000  }
0x22: {  	[spmem:s11] =	stream.linear.scatter [tilespmem:s23], [sflag:$0x2], $0x4000, $0x38;
	[tilespmem:$0x1D000] =	vst v63  }
0x23: {  	_ =	swait.ge [sflag:s24], $0x4000  }
0x24: {  	[sflag:s24] =	ssyncset.done $0x0  }
0x25: {  	[sflag:s24] =	ssyncadd.s32 $0xFFFFC000  }
0x26: {  	[spmem:s12] =	stream.linear.scatter [tilespmem:s23], [sflag:$0x2], $0x4000, $0x38;
	[tilespmem:$0x1D000] =	vst v63  }
0x27: {  	_ =	swait.ge [sflag:s24], $0x4000  }
0x28: {  	[sflag:s24] =	ssyncset.done $0x0  }
0x29: {  	[sflag:s24] =	ssyncadd.s32 $0xFFFFC000  }
0x2a: {  	[spmem:s13] =	stream.linear.scatter [tilespmem:s23], [sflag:$0x2], $0x4000, $0x38;
	[tilespmem:$0x1D000] =	vst v63  }
0x2b: {  	_ =	swait.ge [sflag:s24], $0x4000  }
0x2c: {  	[sflag:s24] =	ssyncset.done $0x0  }
0x2d: {  	[sflag:s24] =	ssyncadd.s32 $0xFFFFC000  }
0x2e: {  	[bflag:$0x0] =	sbarrier.arrive $0xFFFF  }
0x2f: {  	[tilespmem:s4], [sflag:$0x2] =	stream.linear.gather [hbm4b:s7+s4], $0x2780, $0x38;
	[tilespmem:$0x1D000] =	vst v63  }
0x30: {  	_ =	swait.ge [sflag:s24], $0x2780  }
0x31: {  	[sflag:s24] =	ssyncset.done $0x0  }
0x32: {  	[sflag:s24] =	ssyncadd.s32 $0xFFFFD880  }
0x33: {  	[tilespmem:s25], [sflag:$0x2] =	stream.linear.gather [hbm4b:s8+s4], $0x2780, $0x38;
	[tilespmem:$0x1D000] =	vst v63  }
0x34: {  	_ =	swait.ge [sflag:s24], $0x2780  }
0x35: {  	[sflag:s24] =	ssyncset.done $0x0  }
0x36: {  	s30 =	simm.s32 $0x0;
	[sflag:s24] =	ssyncadd.s32 $0xFFFFD880  }
0x37: {  	[tilespmem:s23], [sflag:$0x1] =	stream.indirect.gather [hbm4b:s5+s26], $0x80, s30, s26, $0xb8;
	[tilespmem:$0x1D000] =	vst v63  }
0x38: {  	_ =	swait.ge [sflag:s28], $0x4000  }
0x39: {  	[sflag:s28] =	ssyncset.done $0x0  }
0x3a: {  	s30 =	simm.s32 $0x2800;
	[sflag:s28] =	ssyncadd.s32 $0xFFFFC000  }
0x3b: {  	[spmem:s3] =	stream.indirect.scatter.add.f32 [tilespmem:s23], [sflag:$0x2], $0x80, s30, s26, $0xb8;
	[tilespmem:$0x1D000] =	vst v63  }
0x3c: {  	_ =	swait.ge [sflag:s24], $0x4000  }
0x3d: {  	s31 =	simm.s32 $0x400;
	s30 =	simm.s32 $0x200;
	[sflag:s24] =	ssyncset.done $0x0  }
.LBB2_2:
0x3e: {  	s1 =	sshra.s32 s30, $0x2  }
0x3f: {  	[sflag:s24] =	ssyncadd.s32 $0xFFFFC000;
	s30 =	smov.u32 s31;
	s0 =	sadd.s32 $0x200, s31  }
0x40: {  	[tilespmem:s23], [sflag:$0x1] =	stream.indirect.gather [hbm4b:s5+s26], $0x80, s1, s26, $0xb8;
	[tilespmem:$0x1D000] =	vst v63  }
0x41: {  	p0 =	sne.s32 s31, $0x9C00;
	_ =	swait.ge [sflag:s28], $0x4000  }
.Ltmp0:
0x42: {  	[sflag:s28] =	ssyncset.done $0x0;
	(pc) =	sbr.rel @p0 .LBB2_2-.Ltmp0, $4  }
0x43: {  	s1 =	sadd.s32 $0x2800, s1;
	[sflag:s28] =	ssyncadd.s32 $0xFFFFC000  }
0x44: {  	[spmem:s3] =	stream.indirect.scatter.add.f32 [tilespmem:s23], [sflag:$0x2], $0x80, s1, s26, $0xb8;
	[tilespmem:$0x1D000] =	vst v63  }
0x45: {  	_ =	swait.ge [sflag:s24], $0x4000  }
0x46: {  	s31 =	smov.u32 s0;
	[sflag:s24] =	ssyncset.done $0x0  }
0x47: {  	s0 =	sshra.s32 s30, $0x2;
	[sflag:s24] =	ssyncadd.s32 $0xFFFFC000  }
0x48: {  	[tilespmem:s23], [sflag:$0x1] =	stream.indirect.gather [hbm4b:s5+s26], $0x80, s0, s26, $0xb8;
	[tilespmem:$0x1D000] =	vst v63  }
0x49: {  	_ =	swait.ge [sflag:s28], $0x4000  }
0x4a: {  	[sflag:s28] =	ssyncset.done $0x0  }
0x4b: {  	s0 =	sadd.s32 $0x2800, s0;
	[sflag:s28] =	ssyncadd.s32 $0xFFFFC000  }
0x4c: {  	[spmem:s3] =	stream.indirect.scatter.add.f32 [tilespmem:s23], [sflag:$0x2], $0x80, s0, s26, $0xb8;
	[tilespmem:$0x1D000] =	vst v63  }
0x4d: {  	_ =	swait.ge [sflag:s24], $0x4000  }
0x4e: {  	[sflag:s24] =	ssyncset.done $0x0  }
0x4f: {  	[sflag:s24] =	ssyncadd.s32 $0xFFFFC000  }
0x50: {  	[bflag:$0x0] =	sbarrier.arrive $0xFFFF  }
0x51: {  	[tilespmem:s23], [sflag:$0x2] =	stream.linear.gather [spmem:s6], $0x4000, $0x38;
	[tilespmem:$0x1D000] =	vst v63  }
0x52: {  	_ =	swait.ge [sflag:s24], $0x4000  }
0x53: {  	[sflag:s24] =	ssyncset.done $0x0  }
0x54: {  	[sflag:s24] =	ssyncadd.s32 $0xFFFFC000  }
0x55: {  	[hbm4b:s14+s4] =	stream.linear.scatter [tilespmem:s23], [sflag:$0x2], $0x4000, $0x38;
	[tilespmem:$0x1D000] =	vst v63  }
0x56: {  	_ =	swait.ge [sflag:s24], $0x4000  }
0x57: {  	[sflag:s24] =	ssyncset.done $0x0  }
0x58: {  	[sflag:s24] =	ssyncadd.s32 $0xFFFFC000  }
0x59: {  	[tilespmem:s23], [sflag:$0x2] =	stream.linear.gather [spmem:s15], $0x4000, $0x38;
	[tilespmem:$0x1D000] =	vst v63  }
0x5a: {  	_ =	swait.ge [sflag:s24], $0x4000  }
0x5b: {  	[sflag:s24] =	ssyncset.done $0x0  }
0x5c: {  	[sflag:s24] =	ssyncadd.s32 $0xFFFFC000  }
0x5d: {  	[hbm4b:s16+s4] =	stream.linear.scatter [tilespmem:s23], [sflag:$0x2], $0x4000, $0x38;
	[tilespmem:$0x1D000] =	vst v63  }
0x5e: {  	_ =	swait.ge [sflag:s24], $0x4000  }
0x5f: {  	[sflag:s24] =	ssyncset.done $0x0  }
0x60: {  	[sflag:s24] =	ssyncadd.s32 $0xFFFFC000  }
0x61: {  	[tilespmem:s23], [sflag:$0x2] =	stream.linear.gather [spmem:s17], $0x4000, $0x38;
	[tilespmem:$0x1D000] =	vst v63  }
0x62: {  	_ =	swait.ge [sflag:s24], $0x4000  }
0x63: {  	[sflag:s24] =	ssyncset.done $0x0  }
0x64: {  	[sflag:s24] =	ssyncadd.s32 $0xFFFFC000  }
0x65: {  	[hbm4b:s18+s4] =	stream.linear.scatter [tilespmem:s23], [sflag:$0x2], $0x4000, $0x38;
	[tilespmem:$0x1D000] =	vst v63  }
0x66: {  	_ =	swait.ge [sflag:s24], $0x4000  }
0x67: {  	[sflag:s24] =	ssyncset.done $0x0  }
0x68: {  	[sflag:s24] =	ssyncadd.s32 $0xFFFFC000  }
0x69: {  	[tilespmem:s23], [sflag:$0x2] =	stream.linear.gather [spmem:s19], $0x4000, $0x38;
	[tilespmem:$0x1D000] =	vst v63  }
0x6a: {  	_ =	swait.ge [sflag:s24], $0x4000  }
0x6b: {  	[sflag:s24] =	ssyncset.done $0x0  }
0x6c: {  	[sflag:s24] =	ssyncadd.s32 $0xFFFFC000  }
0x6d: {  	[hbm4b:s20+s4] =	stream.linear.scatter [tilespmem:s23], [sflag:$0x2], $0x4000, $0x38;
	[tilespmem:$0x1D000] =	vst v63  }
0x6e: {  	_ =	swait.ge [sflag:s24], $0x4000  }
0x6f: {  	[sflag:s24] =	ssyncset.done $0x0  }
0x70: {  	[sflag:s24] =	ssyncadd.s32 $0xFFFFC000  }
0x71: {  	[tilespmem:s23], [sflag:$0x2] =	stream.linear.gather [spmem:s21], $0x4000, $0x38;
	[tilespmem:$0x1D000] =	vst v63  }
0x72: {  	s29 =	sadd.s32 $0x1, s29;
	_ =	swait.ge [sflag:s24], $0x4000  }
0x73: {  	p0 =	sne.s32 s29, s9;
	[sflag:s24] =	ssyncset.done $0x0  }
.Ltmp1:
0x74: {  	[sflag:s24] =	ssyncadd.s32 $0xFFFFC000;
	(pc) =	sbr.rel @p0 .LBB2_1-.Ltmp1, $4  }
0x75: {  	[hbm4b:s22+s4] =	stream.linear.scatter [tilespmem:s23], [sflag:$0x2], $0x4000, $0x38;
	[tilespmem:$0x1D000] =	vst v63  }
0x76: {  	_ =	swait.ge [sflag:s24], $0x4000  }
0x77: {  	[sflag:s24] =	ssyncset.done $0x0  }
0x78: {  	[sflag:s24] =	ssyncadd.s32 $0xFFFFC000  }
0x79: {  	_ =	sfence.sel $0x180000  }
0x7a: {  	[bflag:$0x0] =	sbarrier.arrive $0xFFFF  }
0x7b: {  	_ =	strace $0x90000053  }
0x7c: {  	s0 =	stileid.u32;
	[bflag:$0x2] =	sbarrier.arrive $0xFFFF  }
0x7d: {  	p0 =	sne.s32 s0, $0x0;
	s0 =	rddreg [dreg:$0x3]  }
0x7e: {  	s0 =	sadd.s32 @!p0 $0x100000, s0  }
0x7f: {  	[sflag:s0] =	ssyncadd.tile.s32 @!p0 $0x1;
	_ =	shalt  }
.Lfunc_end2:
_tile_overlayer_lowered:
.L_overlay_start_2:
0x80: {  	(tag) =	ssettag $0x2  }
0x81: {  	s0 =	rddreg [dreg:$0x0];
	s2 =	stileid.u32  }
0x82: {  	s1 =	rddreg [dreg:$0x1];
	p0 =	sne.s32 s2, $0x0  }
0x83: {  	s3 =	rddreg [dreg:$0x2];
	[bflag:$0x3] =	sbarrier.arrive $0xFFFF;
	s2 =	simm.s32 @!p0 $0x1C02  }
0x84: {  	[timem:s3], [sflag:s2] =	dma.local @!p0 [hbm:s0], s1  }
0x85: {  	s0 =	simm.s32 @!p0 $0x2  }
0x86: {  	_ =	swait.ge @!p0 [sflag:s0], s1  }
0x87: {  	s1 =	ssub.s32 @!p0 $0x0, s1;
	[sflag:s0] =	ssyncset.done @!p0 $0x0  }
0x88: {  	[sflag:s0] =	ssyncadd.s32 @!p0 s1  }
0x89: {  	[bflag:$0x3] =	sbarrier.arrive $0xFFFF  }
0x8a: {  	_ =	shalt  }

// kernel: kernel.30.cloned.1.call-start
scs
__scs_entry_jumppad:
0x0: {  	(pc) =	sbr.rel $0x88, $3  }
0x1: {  	(tag) =	ssettag $0x0;
	lr =	simm.s32 $0x1  }
0x2: {  	[smem:$0x3F90] =	sst lr;
	_ =	strace $0xD0000000  }
0x3: {  	_ = 	snop  }
0x4: {  	_ = 	snop  }
0x5: {  	_ = 	snop  }
0x6: {  	_ = 	snop  }
0x7: {  	_ = 	snop  }
__scs_overlays_trampoline_lowered:
0x8: {  	[smem:$0x3F9F] =	sst s0  }
0x9: {  	[smem:$0x3FA0] =	sst s1  }
0xa: {  	[smem:$0x3FA1] =	sst s2  }
0xb: {  	[smem:$0x3FA2] =	sst s3  }
0xc: {  	[smem:$0x3FA3] =	sst s4  }
0xd: {  	[smem:$0x3FA4] =	sst s5  }
0xe: {  	[smem:$0x3FA5] =	sst s6  }
0xf: {  	[smem:$0x3FA6] =	sst s7  }
0x10: {  	[smem:$0x3FA7] =	sst s8  }
0x11: {  	[smem:$0x3FA8] =	sst s9;
	s0 =	simm.s32 @!p0 $0x0  }
0x12: {  	s1 =	sld [smem:$0x3F8E];
	s0 =	simm.s32 @p0 $0x1  }
0x13: {  	[smem:$0x3FA9] =	sst s0;
	s0 =	simm.s32 @!p1 $0x0  }
0x14: {  	s2 =	sld [smem:$0x3F8D];
	s0 =	simm.s32 @p1 $0x1  }
0x15: {  	[smem:$0x3FAA] =	sst s0;
	s0 =	simm.s32 @!p2 $0x0  }
0x16: {  	s3 =	sld [smem:$0x3FDB];
	s0 =	simm.s32 @p2 $0x1  }
0x17: {  	s4 =	simm.s32 $0x1BF5;
	[smem:$0x3FAC] =	sst s0  }
0x18: {  	s0 =	sld [smem:$0x3F8F];
	_ =	swait.ge [sflag:s4], $0x0  }
0x19: {  	s7 =	sld [smem:$0x3F90]  }
0x1a: {  	s8 =	sadd.s32 $0xFFFFE003, lr  }
0x1b: {  	s9 =	sadd.s32 $0xFFFFFEF7, lr;
	s5 =	simm.s32 $0xFFFFFFFF;
	p2 =	slt.u32 s8, $0xFFFFF086  }
0x1c: {  	p1 =	slt.u32 s9, $0xF7A;
	s5 =	simm.s32 @!p2 $0x0  }
0x1d: {  	s5 =	simm.s32 @p1 $0x1;
	p0 =	seq.s32 s7, s2  }
0x1e: {  	s7 =	smul.u32 @!p0 $0xF7A, s2;
	p2 =	seq.s32 @!p0 s5, $0x0  }
0x1f: {  	s9 =	smul.u32 $0xF7A, s1;
	s8 =	simm.s32 @!p0 $0x1BF5;
	p2 =	por !p2, p0  }
0x20: {  	[sflag:s8] =	ssyncset.s32 @!p0 $0xFFFFF086;
	s6 =	sadd.s32 @!p0 s3, s7;
	s7 =	simm.s32 @!p0 $0x108  }
0x21: {  	s3 =	sadd.s32 s3, s9;
	s6 =	sadd.s32 @!p0 $0x88, s6;
	s7 =	simm.s32 @p2 $0x1082  }
0x22: {  	[simem:s7], [sflag:s8] =	dma.local @!p0 [hbm:s6], $0xF7A  }
0x23: {  	s9 =	sor.u32 $0xD0000000, s2;
	s6 =	simm.s32 $0x108;
	_ =	swait.ge @!p0 [sflag:s8], $0x0  }
0x24: {  	s3 =	sadd.s32 $0x88, s3;
	s6 =	simm.s32 @!p1 $0x1082;
	[sflag:s4] =	ssyncset.s32 $0xFFFFF086  }
0x25: {  	[simem:s6], [sflag:s4] =	dma.local [hbm:s3], $0xF7A  }
0x26: {  	[smem:$0x3F90] =	sst s1;
	(tag) =	ssettag s2;
	_ =	strace s9  }
0x27: {  	s1 =	sld [smem:$0x3FA0]  }
0x28: {  	s2 =	sld [smem:$0x3FA1]  }
0x29: {  	s4 =	sld [smem:$0x3FA3]  }
0x2a: {  	p0 =	seq.s32 s5, $0x0;
	s5 =	sld [smem:$0x3FA4]  }
0x2b: {  	s6 =	sld [smem:$0x3FA5]  }
0x2c: {  	s7 =	sld [smem:$0x3FA6]  }
0x2d: {  	s3 =	simm.s32 $0x108;
	s8 =	sld [smem:$0x3FA7]  }
0x2e: {  	s3 =	simm.s32 @!p0 $0x1082;
	s9 =	sld [smem:$0x3FA8]  }
0x2f: {  	lr =	sadd.s32 s0, s3;
	s0 =	sld [smem:$0x3F9F]  }
0x30: {  	s3 =	sld [smem:$0x3FA2]  }
0x31: {  	[smem:$0x3FAB] =	sst s10  }
0x32: {  	s10 =	sld [smem:$0x3FA9];
	_ =	sdelay $0x3  }
0x33: {  	p0 =	seq.s32 s10, $0x1;
	s10 =	sld [smem:$0x3FAB];
	_ =	sdelay $0x3  }
0x34: {  	[smem:$0x3FAB] =	sst s10  }
0x35: {  	s10 =	sld [smem:$0x3FAA];
	_ =	sdelay $0x3  }
0x36: {  	p1 =	seq.s32 s10, $0x1;
	s10 =	sld [smem:$0x3FAB];
	_ =	sdelay $0x3  }
0x37: {  	[smem:$0x3FAB] =	sst s10  }
0x38: {  	s10 =	sld [smem:$0x3FAC]  }
0x39: {  	_ = 	snop;
	(pc) =	sbr.ind lr, $3  }
0x3a: {  	_ = 	snop  }
0x3b: {  	_ = 	snop  }
0x3c: {  	p2 =	seq.s32 s10, $0x1;
	s10 =	sld [smem:$0x3FAB]  }
0x3d: {  	_ =	shalt  }
0x3e: {  	_ =	shalt  }
0x3f: {  	_ =	shalt  }
0x40: {  	_ =	shalt  }
0x41: {  	_ =	shalt  }
0x42: {  	_ =	shalt  }
0x43: {  	_ =	shalt  }
0x44: {  	_ =	shalt  }
0x45: {  	_ =	shalt  }
0x46: {  	_ =	shalt  }
0x47: {  	_ =	shalt  }
0x48: {  	_ =	shalt  }
0x49: {  	_ =	shalt  }
0x4a: {  	_ =	shalt  }
0x4b: {  	_ =	shalt  }
0x4c: {  	_ =	shalt  }
0x4d: {  	_ =	shalt  }
0x4e: {  	_ =	shalt  }
0x4f: {  	_ =	shalt  }
0x50: {  	_ =	shalt  }
0x51: {  	_ =	shalt  }
0x52: {  	_ =	shalt  }
0x53: {  	_ =	shalt  }
0x54: {  	_ =	shalt  }
0x55: {  	_ =	shalt  }
0x56: {  	_ =	shalt  }
0x57: {  	_ =	shalt  }
0x58: {  	_ =	shalt  }
0x59: {  	_ =	shalt  }
0x5a: {  	_ =	shalt  }
0x5b: {  	_ =	shalt  }
0x5c: {  	_ =	shalt  }
0x5d: {  	_ =	shalt  }
0x5e: {  	_ =	shalt  }
0x5f: {  	_ =	shalt  }
0x60: {  	_ =	shalt  }
0x61: {  	_ =	shalt  }
0x62: {  	_ =	shalt  }
0x63: {  	_ =	shalt  }
0x64: {  	_ =	shalt  }
0x65: {  	_ =	shalt  }
0x66: {  	_ =	shalt  }
0x67: {  	_ =	shalt  }
0x68: {  	_ =	shalt  }
0x69: {  	_ =	shalt  }
0x6a: {  	_ =	shalt  }
0x6b: {  	_ =	shalt  }
0x6c: {  	_ =	shalt  }
0x6d: {  	_ =	shalt  }
0x6e: {  	_ =	shalt  }
0x6f: {  	_ =	shalt  }
0x70: {  	_ =	shalt  }
0x71: {  	_ =	shalt  }
0x72: {  	_ =	shalt  }
0x73: {  	_ =	shalt  }
0x74: {  	_ =	shalt  }
0x75: {  	_ =	shalt  }
0x76: {  	_ =	shalt  }
0x77: {  	_ =	shalt  }
0x78: {  	_ =	shalt  }
0x79: {  	_ =	shalt  }
0x7a: {  	_ =	shalt  }
0x7b: {  	_ =	shalt  }
0x7c: {  	_ =	shalt  }
0x7d: {  	_ =	shalt  }
0x7e: {  	_ =	shalt  }
0x7f: {  	_ =	shalt  }
0x80: {  	_ =	shalt  }
0x81: {  	_ =	shalt  }
0x82: {  	_ =	shalt  }
0x83: {  	_ =	shalt  }
0x84: {  	_ =	shalt  }
0x85: {  	_ =	shalt  }
0x86: {  	_ =	shalt  }
0x87: {  	_ =	shalt  }
.Lfunc_end0:
.L_simem_size_0:
called_computation.5_lowered:
.L_overlay_start_0:
0x88: {  	s2 =	sld [smem:$0x3FD9]  }
0x89: {  	s3 =	sld [smem:$0x3FFE];
	_ =	sdelay $0x1  }
0x8a: {  	s1 =	srdreg.scid  }
0x8b: {  	s0 =	sand.u32 $0x1, s1  }
0x8c: {  	s17 =	sshll.u32 s0, $0xA;
	s2 =	sadd.s32 s3, s2  }
0x8d: {  	s2 =	sadd.s32 s2, s17  }
0x8e: {  	[smem:$0x3FB7] =	sst s2  }
0x8f: {  	_ = 	snop  }
0x90: {  	s2 =	sld [smem:$0x3FD0];
	(tm) =	ssettm $0x1  }
0x91: {  	s18 =	sld [smem:$0x3FFB];
	_ =	sdelay $0x3  }
0x92: {  	_ =	strace s18  }
0x93: {  	s3 =	sld [smem:$0x3FFC];
	_ =	sdelay $0x3  }
0x94: {  	_ =	strace s3  }
0x95: {  	s3 =	sld [smem:$0x3FFD];
	_ =	sdelay $0x3  }
0x96: {  	_ =	strace s3  }
0x97: {  	_ =	strace $0x8FFFFFFF  }
0x98: {  	s19 =	sld [smem:$0x3FDB];
	_ =	sdelay $0x1  }
0x99: {  	s4 =	simm.s32 $_scs_section_size  }
0x9a: {  	s5 =	simm.s32 $_size__tile_overlayer_lowered;
	s6 =	simm.s32 $_tile_overlayer_lowered  }
0x9b: {  	s22 =	simm.s32 $0x1BFF;
	s21 =	sshll.u32 s6, $0x1;
	s3 =	sadd.s32 s4, s19  }
0x9c: {  	s7 =	simm.s32 $0x0;
	s20 =	sshll.u32 s5, $0x1;
	s5 =	sadd.s32 s21, s3  }
0x9d: {  	[timem:s7], [sflag:s22] =	dma.local [hbm:s5], s20  }
0x9e: {  	_ =	swait.ge [sflag:s22], s20  }
0x9f: {  	s4 =	ssub.s32 $0x0, s20;
	[sflag:s22] =	ssyncset.done $0x0  }
0xa0: {  	[sflag:s22] =	ssyncadd.s32 s4;
	_ =	sdelay $0x1  }
0xa1: {  	s23 =	simm.s32 $0x1B8B  }
0xa2: {  	_ =	swait.ge [sflag:s23], $0x1  }
0xa3: {  	[sflag:s23] =	ssyncset.done $0x0  }
0xa4: {  	s25 =	simm.s32 $0x1B8E;
	s24 =	sld [smem:$0x3FFE];
	[sflag:s23] =	ssyncadd.s32 $0xFFFFFFFF  }
0xa5: {  	s26 =	simm.s32 $execute0_lowered;
	[smem:$0x3FD2] =	sst s25  }
0xa6: {  	s5 =	sshll.u32 s26, $0x1;
	_ =	strace $0x80000055;
	[dreg:$0x1] =	wrdreg $0xFFFFFFFF  }
0xa7: {  	s28 =	simm.s32 $_size_execute0_lowered;
	s3 =	sadd.s32 s3, s5;
	[dreg:$0x0] =	wrdreg $0x0  }
0xa8: {  	s5 =	sshll.u32 s28, $0x1;
	[dreg:$0x2] =	wrdreg s3  }
0xa9: {  	[dreg:$0x3] =	wrdreg s5  }
0xaa: {  	[dreg:$0x4] =	wrdreg $0xC0  }
0xab: {  	_ =	task [dreg:s7], $0x5FFFF  }
0xac: {  	[dreg:$0x1] =	wrdreg $0xFFFFFFFF  }
0xad: {  	[dreg:$0x0] =	wrdreg $0x60  }
0xae: {  	[dreg:$0x2] =	wrdreg s24  }
0xaf: {  	[dreg:$0x3] =	wrdreg s2  }
0xb0: {  	[dreg:$0x4] =	wrdreg $0x90000  }
0xb1: {  	[dreg:$0x5] =	wrdreg $0x9  }
0xb2: {  	_ =	task.clear_ibuf [dreg:s7], $0x6FFFF;
	_ =	strace $0x90000055  }
0xb3: {  	s29 =	simm.s32 $0x9;
	_ =	strace $0x80000057  }
0xb4: {  	_ =	swait.ge [sflag:s29], $0x1  }
0xb5: {  	[sflag:s29] =	ssyncadd.s32 $0xFFFFFFFF  }
0xb6: {  	_ =	strace $0x90000057  }
0xb7: {  	_ =	sfence  }
0xb8: {  	s30 =	sld [smem:$0x0];
	_ =	sdelay $0x2  }
0xb9: {  	s31 =	sshll.u32 s1, $0xD;
	s1 =	sshrl.u32 s1, $0x2  }
0xba: {  	s3 =	sand.u32 $0x4000, s31;
	s1 =	sadd.s32 s1, s30  }
0xbb: {  	s0 =	sor.u32 s3, s0;
	s1 =	sshll.u32 s1, $0x11  }
0xbc: {  	s0 =	sor.u32 s1, s0  }
0xbd: {  	s0 =	sadd.s32 $0x8F2B, s0  }
0xbe: {  	[sflag:s0] =	ssyncadd.remote.s32 $0x1  }
0xbf: {  	_ =	sfence.sel $0xFFFF  }
0xc0: {  	[dreg:$0x0] =	wrdreg $0xFFFFFFFF;
	(pc) =	sbr.abs _section_cstart, $3  }
0xc1: {  	[dreg:$0x1] =	wrdreg $0xFFFFFFFF  }
0xc2: {  	_ =	task.clear_ibuf [dreg:s7], $0x2FFFF;
	_ =	strace $0x9FFFFFFF  }
0xc3: {  	(tm) =	ssettm $0x7FFFFFFF  }
tec
execute0_lowered:
.L_overlay_start_1:
0x0: {  	(tag) =	ssettag $0x1  }
0x1: {  	s6 =	rddreg [dreg:$0x0]  }
0x2: {  	s2 =	rddreg [dreg:$0x1];
	s1 =	srdreg.scid  }
0x3: {  	s0 =	stileid.u32;
	s3 =	rddreg [dreg:$0x2]  }
0x4: {  	s4 =	simm.s32 $0x0;
	s25 =	simm.s32 $0x2800;
	s26 =	simm.s32 $0x80  }
0x5: {  	s28 =	simm.s32 $0x1;
	s29 =	simm.s32 $0x0;
	s7 =	sand.u32 $0x1, s1  }
0x6: {  	s5 =	sshll.u32 s0, $0x1;
	[smem:$0x7FF] =	sst s4;
	s9 =	smul.u32 $0x50000, s0  }
0x7: {  	s22 =	sadd.s32 $0x69600, s6;
	s18 =	smul.u32 $0x14000, s0;
	s5 =	sor.u32 s7, s5  }
0x8: {  	_ =	strace $0x80000056;
	s30 =	ssub.s32 $0x2, s7;
	s19 =	smul.u32 $0x140000, s7  }
0x9: {  	s8 =	smul.u32 $0x500, s5;
	s5 =	sadd.s32 $0x1B200, s6;
	s10 =	sshrl.u32 s30, $0x1  }
0xa: {  	s9 =	sshrl.u32 s9, $0x2;
	s15 =	sadd.s32 $0x4000, s18;
	s20 =	sadd.s32 $0x8000, s18  }
0xb: {  	s21 =	sadd.s32 $0xC000, s18;
	s23 =	sadd.s32 $0x10000, s18;
	s10 =	ssub.s32 s30, s10  }
0xc: {  	s13 =	sadd.s32 s19, s18;
	s16 =	sadd.s32 s19, s15;
	s15 =	sadd.s32 s15, s3  }
0xd: {  	s17 =	sadd.s32 s20, s3;
	s20 =	sadd.s32 s19, s20;
	s31 =	sadd.s32 s19, s21  }
0xe: {  	s24 =	sadd.s32 s19, s23;
	s19 =	sadd.s32 s21, s3;
	s21 =	sadd.s32 s23, s3  }
0xf: {  	s23 =	simm.s32 $0x5000;
	s8 =	sadd.s32 s8, s6;
	s6 =	sadd.s32 s9, s3  }
0x10: {  	s9 =	smax.u32 s10, $0x1;
	s14 =	sshrl.u32 s13, $0x3;
	s16 =	sshrl.u32 s16, $0x3  }
0x11: {  	s20 =	sshrl.u32 s20, $0x3;
	s24 =	sshrl.u32 s24, $0x3;
	s7 =	sadd.s32 $0x11200, s8  }
0x12: {  	s8 =	sadd.s32 $0x7200, s8;
	s10 =	sadd.s32 $0x4000, s6;
	s11 =	sadd.s32 $0x8000, s6  }
0x13: {  	s12 =	sadd.s32 $0xC000, s6;
	s13 =	sadd.s32 $0x10000, s6;
	s14 =	sadd.s32 s22, s14  }
0x14: {  	s16 =	sadd.s32 s22, s16;
	s18 =	sadd.s32 s22, s20;
	s20 =	sshrl.u32 s31, $0x3  }
0x15: {  	s20 =	sadd.s32 s22, s20;
	s22 =	sadd.s32 s22, s24;
	s24 =	simm.s32 $0x2  }
.LBB2_1:
0x16: {  	[tilespmem:s23], [sflag:$0x2] =	stream.linear.gather [hbm4b:s2+s4], $0x4000, $0x38;
	[tilespmem:$0x1D000] =	vst v63  }
0x17: {  	_ =	swait.ge [sflag:s24], $0x4000  }
0x18: {  	[sflag:s24] =	ssyncset.done $0x0  }
0x19: {  	[sflag:s24] =	ssyncadd.s32 $0xFFFFC000  }
0x1a: {  	[spmem:s6] =	stream.linear.scatter [tilespmem:s23], [sflag:$0x2], $0x4000, $0x38;
	[tilespmem:$0x1D000] =	vst v63  }
0x1b: {  	_ =	swait.ge [sflag:s24], $0x4000  }
0x1c: {  	[sflag:s24] =	ssyncset.done $0x0  }
0x1d: {  	[sflag:s24] =	ssyncadd.s32 $0xFFFFC000  }
0x1e: {  	[spmem:s10] =	stream.linear.scatter [tilespmem:s23], [sflag:$0x2], $0x4000, $0x38;
	[tilespmem:$0x1D000] =	vst v63  }
0x1f: {  	_ =	swait.ge [sflag:s24], $0x4000  }
0x20: {  	[sflag:s24] =	ssyncset.done $0x0  }
0x21: {  	[sflag:s24] =	ssyncadd.s32 $0xFFFFC000  }
0x22: {  	[spmem:s11] =	stream.linear.scatter [tilespmem:s23], [sflag:$0x2], $0x4000, $0x38;
	[tilespmem:$0x1D000] =	vst v63  }
0x23: {  	_ =	swait.ge [sflag:s24], $0x4000  }
0x24: {  	[sflag:s24] =	ssyncset.done $0x0  }
0x25: {  	[sflag:s24] =	ssyncadd.s32 $0xFFFFC000  }
0x26: {  	[spmem:s12] =	stream.linear.scatter [tilespmem:s23], [sflag:$0x2], $0x4000, $0x38;
	[tilespmem:$0x1D000] =	vst v63  }
0x27: {  	_ =	swait.ge [sflag:s24], $0x4000  }
0x28: {  	[sflag:s24] =	ssyncset.done $0x0  }
0x29: {  	[sflag:s24] =	ssyncadd.s32 $0xFFFFC000  }
0x2a: {  	[spmem:s13] =	stream.linear.scatter [tilespmem:s23], [sflag:$0x2], $0x4000, $0x38;
	[tilespmem:$0x1D000] =	vst v63  }
0x2b: {  	_ =	swait.ge [sflag:s24], $0x4000  }
0x2c: {  	[sflag:s24] =	ssyncset.done $0x0  }
0x2d: {  	[sflag:s24] =	ssyncadd.s32 $0xFFFFC000  }
0x2e: {  	[bflag:$0x0] =	sbarrier.arrive $0xFFFF  }
0x2f: {  	[tilespmem:s4], [sflag:$0x2] =	stream.linear.gather [hbm4b:s7+s4], $0x2780, $0x38;
	[tilespmem:$0x1D000] =	vst v63  }
0x30: {  	_ =	swait.ge [sflag:s24], $0x2780  }
0x31: {  	[sflag:s24] =	ssyncset.done $0x0  }
0x32: {  	[sflag:s24] =	ssyncadd.s32 $0xFFFFD880  }
0x33: {  	[tilespmem:s25], [sflag:$0x2] =	stream.linear.gather [hbm4b:s8+s4], $0x2780, $0x38;
	[tilespmem:$0x1D000] =	vst v63  }
0x34: {  	_ =	swait.ge [sflag:s24], $0x2780  }
0x35: {  	[sflag:s24] =	ssyncset.done $0x0  }
0x36: {  	s30 =	simm.s32 $0x0;
	[sflag:s24] =	ssyncadd.s32 $0xFFFFD880  }
0x37: {  	[tilespmem:s23], [sflag:$0x1] =	stream.indirect.gather [hbm4b:s5+s26], $0x80, s30, s26, $0xb8;
	[tilespmem:$0x1D000] =	vst v63  }
0x38: {  	_ =	swait.ge [sflag:s28], $0x4000  }
0x39: {  	[sflag:s28] =	ssyncset.done $0x0  }
0x3a: {  	s30 =	simm.s32 $0x2800;
	[sflag:s28] =	ssyncadd.s32 $0xFFFFC000  }
0x3b: {  	[spmem:s3] =	stream.indirect.scatter.add.f32 [tilespmem:s23], [sflag:$0x2], $0x80, s30, s26, $0xb8;
	[tilespmem:$0x1D000] =	vst v63  }
0x3c: {  	_ =	swait.ge [sflag:s24], $0x4000  }
0x3d: {  	s31 =	simm.s32 $0x400;
	s30 =	simm.s32 $0x200;
	[sflag:s24] =	ssyncset.done $0x0  }
.LBB2_2:
0x3e: {  	s1 =	sshra.s32 s30, $0x2  }
0x3f: {  	[sflag:s24] =	ssyncadd.s32 $0xFFFFC000;
	s30 =	smov.u32 s31;
	s0 =	sadd.s32 $0x200, s31  }
0x40: {  	[tilespmem:s23], [sflag:$0x1] =	stream.indirect.gather [hbm4b:s5+s26], $0x80, s1, s26, $0xb8;
	[tilespmem:$0x1D000] =	vst v63  }
0x41: {  	p0 =	sne.s32 s31, $0x9C00;
	_ =	swait.ge [sflag:s28], $0x4000  }
.Ltmp0:
0x42: {  	[sflag:s28] =	ssyncset.done $0x0;
	(pc) =	sbr.rel @p0 .LBB2_2-.Ltmp0, $4  }
0x43: {  	s1 =	sadd.s32 $0x2800, s1;
	[sflag:s28] =	ssyncadd.s32 $0xFFFFC000  }
0x44: {  	[spmem:s3] =	stream.indirect.scatter.add.f32 [tilespmem:s23], [sflag:$0x2], $0x80, s1, s26, $0xb8;
	[tilespmem:$0x1D000] =	vst v63  }
0x45: {  	_ =	swait.ge [sflag:s24], $0x4000  }
0x46: {  	s31 =	smov.u32 s0;
	[sflag:s24] =	ssyncset.done $0x0  }
0x47: {  	s0 =	sshra.s32 s30, $0x2;
	[sflag:s24] =	ssyncadd.s32 $0xFFFFC000  }
0x48: {  	[tilespmem:s23], [sflag:$0x1] =	stream.indirect.gather [hbm4b:s5+s26], $0x80, s0, s26, $0xb8;
	[tilespmem:$0x1D000] =	vst v63  }
0x49: {  	_ =	swait.ge [sflag:s28], $0x4000  }
0x4a: {  	[sflag:s28] =	ssyncset.done $0x0  }
0x4b: {  	s0 =	sadd.s32 $0x2800, s0;
	[sflag:s28] =	ssyncadd.s32 $0xFFFFC000  }
0x4c: {  	[spmem:s3] =	stream.indirect.scatter.add.f32 [tilespmem:s23], [sflag:$0x2], $0x80, s0, s26, $0xb8;
	[tilespmem:$0x1D000] =	vst v63  }
0x4d: {  	_ =	swait.ge [sflag:s24], $0x4000  }
0x4e: {  	[sflag:s24] =	ssyncset.done $0x0  }
0x4f: {  	[sflag:s24] =	ssyncadd.s32 $0xFFFFC000  }
0x50: {  	[bflag:$0x0] =	sbarrier.arrive $0xFFFF  }
0x51: {  	[tilespmem:s23], [sflag:$0x2] =	stream.linear.gather [spmem:s6], $0x4000, $0x38;
	[tilespmem:$0x1D000] =	vst v63  }
0x52: {  	_ =	swait.ge [sflag:s24], $0x4000  }
0x53: {  	[sflag:s24] =	ssyncset.done $0x0  }
0x54: {  	[sflag:s24] =	ssyncadd.s32 $0xFFFFC000  }
0x55: {  	[hbm4b:s14+s4] =	stream.linear.scatter [tilespmem:s23], [sflag:$0x2], $0x4000, $0x38;
	[tilespmem:$0x1D000] =	vst v63  }
0x56: {  	_ =	swait.ge [sflag:s24], $0x4000  }
0x57: {  	[sflag:s24] =	ssyncset.done $0x0  }
0x58: {  	[sflag:s24] =	ssyncadd.s32 $0xFFFFC000  }
0x59: {  	[tilespmem:s23], [sflag:$0x2] =	stream.linear.gather [spmem:s15], $0x4000, $0x38;
	[tilespmem:$0x1D000] =	vst v63  }
0x5a: {  	_ =	swait.ge [sflag:s24], $0x4000  }
0x5b: {  	[sflag:s24] =	ssyncset.done $0x0  }
0x5c: {  	[sflag:s24] =	ssyncadd.s32 $0xFFFFC000  }
0x5d: {  	[hbm4b:s16+s4] =	stream.linear.scatter [tilespmem:s23], [sflag:$0x2], $0x4000, $0x38;
	[tilespmem:$0x1D000] =	vst v63  }
0x5e: {  	_ =	swait.ge [sflag:s24], $0x4000  }
0x5f: {  	[sflag:s24] =	ssyncset.done $0x0  }
0x60: {  	[sflag:s24] =	ssyncadd.s32 $0xFFFFC000  }
0x61: {  	[tilespmem:s23], [sflag:$0x2] =	stream.linear.gather [spmem:s17], $0x4000, $0x38;
	[tilespmem:$0x1D000] =	vst v63  }
0x62: {  	_ =	swait.ge [sflag:s24], $0x4000  }
0x63: {  	[sflag:s24] =	ssyncset.done $0x0  }
0x64: {  	[sflag:s24] =	ssyncadd.s32 $0xFFFFC000  }
0x65: {  	[hbm4b:s18+s4] =	stream.linear.scatter [tilespmem:s23], [sflag:$0x2], $0x4000, $0x38;
	[tilespmem:$0x1D000] =	vst v63  }
0x66: {  	_ =	swait.ge [sflag:s24], $0x4000  }
0x67: {  	[sflag:s24] =	ssyncset.done $0x0  }
0x68: {  	[sflag:s24] =	ssyncadd.s32 $0xFFFFC000  }
0x69: {  	[tilespmem:s23], [sflag:$0x2] =	stream.linear.gather [spmem:s19], $0x4000, $0x38;
	[tilespmem:$0x1D000] =	vst v63  }
0x6a: {  	_ =	swait.ge [sflag:s24], $0x4000  }
0x6b: {  	[sflag:s24] =	ssyncset.done $0x0  }
0x6c: {  	[sflag:s24] =	ssyncadd.s32 $0xFFFFC000  }
0x6d: {  	[hbm4b:s20+s4] =	stream.linear.scatter [tilespmem:s23], [sflag:$0x2], $0x4000, $0x38;
	[tilespmem:$0x1D000] =	vst v63  }
0x6e: {  	_ =	swait.ge [sflag:s24], $0x4000  }
0x6f: {  	[sflag:s24] =	ssyncset.done $0x0  }
0x70: {  	[sflag:s24] =	ssyncadd.s32 $0xFFFFC000  }
0x71: {  	[tilespmem:s23], [sflag:$0x2] =	stream.linear.gather [spmem:s21], $0x4000, $0x38;
	[tilespmem:$0x1D000] =	vst v63  }
0x72: {  	s29 =	sadd.s32 $0x1, s29;
	_ =	swait.ge [sflag:s24], $0x4000  }
0x73: {  	p0 =	sne.s32 s29, s9;
	[sflag:s24] =	ssyncset.done $0x0  }
.Ltmp1:
0x74: {  	[sflag:s24] =	ssyncadd.s32 $0xFFFFC000;
	(pc) =	sbr.rel @p0 .LBB2_1-.Ltmp1, $4  }
0x75: {  	[hbm4b:s22+s4] =	stream.linear.scatter [tilespmem:s23], [sflag:$0x2], $0x4000, $0x38;
	[tilespmem:$0x1D000] =	vst v63  }
0x76: {  	_ =	swait.ge [sflag:s24], $0x4000  }
0x77: {  	[sflag:s24] =	ssyncset.done $0x0  }
0x78: {  	[sflag:s24] =	ssyncadd.s32 $0xFFFFC000  }
0x79: {  	_ =	sfence.sel $0x180000  }
0x7a: {  	[bflag:$0x0] =	sbarrier.arrive $0xFFFF  }
0x7b: {  	_ =	strace $0x90000056  }
0x7c: {  	s0 =	stileid.u32;
	[bflag:$0x2] =	sbarrier.arrive $0xFFFF  }
0x7d: {  	p0 =	sne.s32 s0, $0x0;
	s0 =	rddreg [dreg:$0x3]  }
0x7e: {  	s0 =	sadd.s32 @!p0 $0x100000, s0  }
0x7f: {  	[sflag:s0] =	ssyncadd.tile.s32 @!p0 $0x1;
	_ =	shalt  }
.Lfunc_end2:
_tile_overlayer_lowered:
.L_overlay_start_2:
0x80: {  	(tag) =	ssettag $0x2  }
0x81: {  	s0 =	rddreg [dreg:$0x0];
	s2 =	stileid.u32  }
0x82: {  	s1 =	rddreg [dreg:$0x1];
	p0 =	sne.s32 s2, $0x0  }
0x83: {  	s3 =	rddreg [dreg:$0x2];
	[bflag:$0x3] =	sbarrier.arrive $0xFFFF;
	s2 =	simm.s32 @!p0 $0x1C02  }
0x84: {  	[timem:s3], [sflag:s2] =	dma.local @!p0 [hbm:s0], s1  }
0x85: {  	s0 =	simm.s32 @!p0 $0x2  }
0x86: {  	_ =	swait.ge @!p0 [sflag:s0], s1  }
0x87: {  	s1 =	ssub.s32 @!p0 $0x0, s1;
	[sflag:s0] =	ssyncset.done @!p0 $0x0  }
0x88: {  	[sflag:s0] =	ssyncadd.s32 @!p0 s1  }
0x89: {  	[bflag:$0x3] =	sbarrier.arrive $0xFFFF  }
0x8a: {  	_ =	shalt  }

</sc_bundles>
